<compile_context>
chip_gen: v7x
topology: tpu7x:2x2x1
jax: 0.10.2.dev20260603
libtpu: 0.0.44.dev20260713+nightly
codegen_flags: <defaults>
</compile_context>

<pallas_src>
import functools

import jax
import jax.numpy as jnp
from jax import lax
from jax.experimental import pallas as pl
from jax.experimental.pallas import tpu as pltpu
from jax.experimental.pallas import tpu_sc as plsc

_N = 10000
_E = 320000
_D = 128
_NC = 2
_NS = 16
_NW = _NC * _NS
_C = 40
_CHW = 250
_EPW = _C * _CHW
_NPAD = 10240
_RPT = _NPAD // _NS
_NBUF = 5
_NBK = _CHW // _NBUF


def _sc_agg_body(do_cnt, h_hbm, src_hbm, dst_hbm, agg_hbm, cnt_hbm,
                 src_blk, dst_blk, rows_v, ones_v, cz_v,
                 shared_agg, shared_cnt, sem_g, sem_s, sem_c, sem_is, sem_id):
    c = lax.axis_index("c")
    s = lax.axis_index("s")

    w0 = (c * _NS + s) * _EPW

    def _idx_load(g_blk, p, sync):
        srcs = src_hbm.at[pl.ds(w0 + g_blk * _NBUF * _C, _NBUF * _C)]
        dsts = dst_hbm.at[pl.ds(w0 + g_blk * _NBUF * _C, _NBUF * _C)]
        if sync:
            pltpu.sync_copy(srcs, src_blk[p])
            pltpu.sync_copy(dsts, dst_blk[p])
        else:
            pltpu.async_copy(srcs, src_blk[p], sem_is[p])
            pltpu.async_copy(dsts, dst_blk[p], sem_id[p])

    def _idx_wait(g_blk, p):
        pltpu.make_async_copy(
            src_hbm.at[pl.ds(w0 + g_blk * _NBUF * _C, _NBUF * _C)],
            src_blk[p], sem_is[p]).wait()
        pltpu.make_async_copy(
            dst_hbm.at[pl.ds(w0 + g_blk * _NBUF * _C, _NBUF * _C)],
            dst_blk[p], sem_id[p]).wait()

    _idx_load(0, 0, False)
    _idx_load(1, 1, False)

    def _zb(t, _):
        i = t // (_D // 16)
        j = t - i * (_D // 16)
        rows_v[0][i, pl.ds(j * 16, 16)] = jnp.zeros((16,), jnp.float32)
        return 0
    lax.fori_loop(0, _C * (_D // 16), _zb, 0)
    base = s * _RPT
    for k in range(_RPT // _C):
        pltpu.async_copy(rows_v[0], shared_agg.at[pl.ds(base + k * _C, _C)],
                         sem_s[k % _NBUF])
    if do_cnt:
        for i in range(_RPT // 16):
            cz_v[pl.ds(i * 16, 16)] = jnp.zeros((16,), jnp.float32)
        pltpu.async_copy(cz_v, shared_cnt.at[pl.ds(base, _RPT)], sem_c[0])
        for i in range(3):
            ones_v[pl.ds(i * 16, 16)] = jnp.full((16,), 1.0, jnp.float32)
    for k in range(_RPT // _C):
        pltpu.make_async_copy(rows_v[0],
                              shared_agg.at[pl.ds(base + k * _C, _C)],
                              sem_s[k % _NBUF]).wait()
    if do_cnt:
        pltpu.make_async_copy(cz_v, shared_cnt.at[pl.ds(base, _RPT)],
                              sem_c[0]).wait()
    _idx_wait(0, 0)
    for b in range(_NBUF):
        pltpu.async_copy(h_hbm.at[src_blk[0].at[pl.ds(b * _C, _C)]], rows_v[b], sem_g[b])
    plsc.subcore_barrier()

    def _super(gg, _):
        for q in range(2):
            g = 2 * gg + q
            p = q
            for b in range(_NBUF):
                pltpu.make_async_copy(h_hbm.at[src_blk[p].at[pl.ds(b * _C, _C)]],
                                      rows_v[b], sem_g[b]).wait()
                pltpu.async_copy(rows_v[b], shared_agg.at[dst_blk[p].at[pl.ds(b * _C, _C)]],
                                 sem_s[b], add=True)
                if do_cnt:
                    pltpu.async_copy(ones_v.at[pl.ds(0, _C)],
                                     shared_cnt.at[dst_blk[p].at[pl.ds(b * _C, _C)]],
                                     sem_c[b], add=True)

            @pl.when(g < _NBK - 1)
            def _():
                _idx_wait(g + 1, 1 - p)
            for b in range(_NBUF):
                pltpu.make_async_copy(rows_v[b],
                                      shared_agg.at[dst_blk[p].at[pl.ds(b * _C, _C)]],
                                      sem_s[b]).wait()
                if do_cnt:
                    pltpu.make_async_copy(ones_v.at[pl.ds(0, _C)],
                                          shared_cnt.at[dst_blk[p].at[pl.ds(b * _C, _C)]],
                                          sem_c[b]).wait()

                @pl.when(g < _NBK - 1)
                def _():
                    pltpu.async_copy(h_hbm.at[src_blk[1 - p].at[pl.ds(b * _C, _C)]],
                                     rows_v[b], sem_g[b])

            @pl.when(g < _NBK - 2)
            def _():
                _idx_load(g + 2, p, False)
        return 0
    lax.fori_loop(0, _NBK // 2, _super, 0)

    plsc.subcore_barrier()
    pltpu.sync_copy(shared_agg.at[pl.ds(base, _RPT)],
                    agg_hbm.at[c, pl.ds(base, _RPT)])
    if do_cnt:
        pltpu.sync_copy(shared_cnt.at[pl.ds(base, _RPT)],
                        cnt_hbm.at[c, pl.ds(base, _RPT)])


def _make_sc_agg(do_cnt):
    mesh = plsc.VectorSubcoreMesh(core_axis_name="c", subcore_axis_name="s")
    out_type = [jax.ShapeDtypeStruct((_NC, _NPAD, _D), jnp.float32),
                jax.ShapeDtypeStruct((_NC, _NPAD), jnp.float32)]
    return pl.kernel(
        functools.partial(_sc_agg_body, do_cnt),
        out_type=out_type,
        mesh=mesh,
        scratch_types=[
            [pltpu.VMEM((_NBUF * _C,), jnp.int32) for _ in range(2)],
            [pltpu.VMEM((_NBUF * _C,), jnp.int32) for _ in range(2)],
            [pltpu.VMEM((_C, _D), jnp.float32) for _ in range(_NBUF)],
            pltpu.VMEM((48,), jnp.float32),
            pltpu.VMEM((_RPT,), jnp.float32),
            pltpu.VMEM_SHARED((_NPAD, _D), jnp.float32),
            pltpu.VMEM_SHARED((_NPAD,), jnp.float32),
            [pltpu.SemaphoreType.DMA for _ in range(_NBUF)],
            [pltpu.SemaphoreType.DMA for _ in range(_NBUF)],
            [pltpu.SemaphoreType.DMA for _ in range(_NBUF)],
            [pltpu.SemaphoreType.DMA for _ in range(2)],
            [pltpu.SemaphoreType.DMA for _ in range(2)],
        ],
    )


_sc_agg_cnt = _make_sc_agg(True)
_sc_agg_nocnt = _make_sc_agg(False)

_BLK = 5000


def _dense_body(h_ref, p_ref, cnt_ref, wl_ref, wr_ref, b_ref, o_ref):
    cnt = cnt_ref[:, 0] + cnt_ref[:, 1]
    agg = p_ref[0] + p_ref[1]
    mean = agg / jnp.maximum(cnt, 1.0)[:, None]
    out = (lax.dot_general(mean, wl_ref[...], (((1,), (1,)), ((), ())),
                           preferred_element_type=jnp.float32)
           + lax.dot_general(h_ref[...], wr_ref[...], (((1,), (1,)), ((), ())),
                             preferred_element_type=jnp.float32)
           + b_ref[...])
    o_ref[...] = jnp.maximum(out, 0.0)


_dense = pl.pallas_call(
    _dense_body,
    grid=(_N // _BLK,),
    in_specs=[
        pl.BlockSpec((_BLK, _D), lambda i: (i, 0)),
        pl.BlockSpec((_NC, _BLK, _D), lambda i: (0, i, 0)),
        pl.BlockSpec((_BLK, _NC), lambda i: (i, 0)),
        pl.BlockSpec((_D, _D), lambda i: (0, 0)),
        pl.BlockSpec((_D, _D), lambda i: (0, 0)),
        pl.BlockSpec((1, _D), lambda i: (0, 0)),
    ],
    out_specs=pl.BlockSpec((_BLK, _D), lambda i: (i, 0)),
    out_shape=jax.ShapeDtypeStruct((_N, _D), jnp.float32),
)


def kernel(x, edge_index, W1l, W1r, b1, W2l, W2r, b2):
    x = x.astype(jnp.float32)
    src = edge_index[0]
    dst = edge_index[1]
    aggp, cntp = _sc_agg_cnt(x, src, dst)
    cnt_t = cntp.T
    h1 = _dense(x, aggp, cnt_t, W1l, W1r, b1.reshape(1, _D))
    aggp2, _ = _sc_agg_nocnt(h1, src, dst)
    out = _dense(h1, aggp2, cnt_t, W2l, W2r, b2.reshape(1, _D))
    return out

# --- scband reference (transcript-rebuilt; emitter-appended) ---
"""Pipeline reference for scband-sage-backbone-45853070852695 (READ-ONLY COPY).

The authoritative reference and input builder live on the scoring server;
editing this copy changes nothing except your own understanding.
"""

import jax, jax.numpy as jnp
import numpy as np

N = 10000
E = 320000
D = 128
H = 128


def setup_inputs(seed: int = 0) -> dict:
    key = jax.random.key(seed)
    ks = jax.random.split(key, 8)
    x = jax.random.normal(ks[0], (N, D), dtype=jnp.float32)
    edge_index = jax.random.randint(ks[1], (2, E), 0, N, dtype=jnp.int32)
    s = 0.05
    W1l = jax.random.normal(ks[2], (H, D), dtype=jnp.float32) * s
    W1r = jax.random.normal(ks[3], (H, D), dtype=jnp.float32) * s
    b1 = jnp.zeros((H,), dtype=jnp.float32)
    W2l = jax.random.normal(ks[4], (H, H), dtype=jnp.float32) * s
    W2r = jax.random.normal(ks[5], (H, H), dtype=jnp.float32) * s
    b2 = jnp.zeros((H,), dtype=jnp.float32)
    return {"x": x, "edge_index": edge_index, "W1l": W1l, "W1r": W1r, "b1": b1,
            "W2l": W2l, "W2r": W2r, "b2": b2}


def _sage_layer(x, edge_index, Wl, Wr, b, num_nodes):
    # PyG SAGEConv (aggr='mean', root_weight=True, normalize=False):
    # out = lin_l(mean_{j in N(i)} x_j) + lin_r(x_i)
    src = edge_index[0]
    dst = edge_index[1]
    msg = jnp.take(x, src, axis=0)                       # gather over source nodes
    agg = jax.ops.segment_sum(msg, dst, num_segments=num_nodes)   # scatter-add at dst
    cnt = jax.ops.segment_sum(jnp.ones((edge_index.shape[1],), x.dtype), dst,
                              num_segments=num_nodes)
    mean = agg / jnp.maximum(cnt, 1.0)[:, None]
    return mean @ Wl.T + x @ Wr.T + b


def reference(x, edge_index, W1l, W1r, b1, W2l, W2r, b2):
    x = x.astype(jnp.float32)
    h = _sage_layer(x, edge_index, W1l, W1r, b1, N)
    h = jax.nn.relu(h)
    h = _sage_layer(h, edge_index, W2l, W2r, b2, N)
    h = jax.nn.relu(h)
    return h

if __name__ == "__main__":
    import jax
    _d = setup_inputs()
    print(jax.jit(kernel)(*tuple(_d.values())))

</pallas_src>

<mosaic_0001>
#map = affine_map<(d0, d1) -> (0, 0)>
#map1 = affine_map<(d0, d1) -> (0)>
#map2 = affine_map<(d0, d1) -> (0, 0, 0)>
module attributes {stable_mosaic.version = 14 : i64} {
  func.func @_sc_agg_body(%arg0: i32, %arg1: i32, %arg2: memref<10000x128xf32, #tpu.memory_space<hbm>>, %arg3: memref<320000xi32, #tpu.memory_space<hbm>>, %arg4: memref<320000xi32, #tpu.memory_space<hbm>>, %arg5: memref<2x10240x128xf32, #tpu.memory_space<hbm>>, %arg6: memref<2x10240xf32, #tpu.memory_space<hbm>>, %arg7: memref<200xi32, #tpu.memory_space<vmem>>, %arg8: memref<200xi32, #tpu.memory_space<vmem>>, %arg9: memref<200xi32, #tpu.memory_space<vmem>>, %arg10: memref<200xi32, #tpu.memory_space<vmem>>, %arg11: memref<40x128xf32, #tpu.memory_space<vmem>>, %arg12: memref<40x128xf32, #tpu.memory_space<vmem>>, %arg13: memref<40x128xf32, #tpu.memory_space<vmem>>, %arg14: memref<40x128xf32, #tpu.memory_space<vmem>>, %arg15: memref<40x128xf32, #tpu.memory_space<vmem>>, %arg16: memref<48xf32, #tpu.memory_space<vmem>>, %arg17: memref<640xf32, #tpu.memory_space<vmem>>, %arg18: memref<10240x128xf32, #tpu.memory_space<vmem_shared>>, %arg19: memref<10240xf32, #tpu.memory_space<vmem_shared>>, %arg20: memref<!tpu.dma_semaphore, #tpu.memory_space<semaphore_mem>>, %arg21: memref<!tpu.dma_semaphore, #tpu.memory_space<semaphore_mem>>, %arg22: memref<!tpu.dma_semaphore, #tpu.memory_space<semaphore_mem>>, %arg23: memref<!tpu.dma_semaphore, #tpu.memory_space<semaphore_mem>>, %arg24: memref<!tpu.dma_semaphore, #tpu.memory_space<semaphore_mem>>, %arg25: memref<!tpu.dma_semaphore, #tpu.memory_space<semaphore_mem>>, %arg26: memref<!tpu.dma_semaphore, #tpu.memory_space<semaphore_mem>>, %arg27: memref<!tpu.dma_semaphore, #tpu.memory_space<semaphore_mem>>, %arg28: memref<!tpu.dma_semaphore, #tpu.memory_space<semaphore_mem>>, %arg29: memref<!tpu.dma_semaphore, #tpu.memory_space<semaphore_mem>>, %arg30: memref<!tpu.dma_semaphore, #tpu.memory_space<semaphore_mem>>, %arg31: memref<!tpu.dma_semaphore, #tpu.memory_space<semaphore_mem>>, %arg32: memref<!tpu.dma_semaphore, #tpu.memory_space<semaphore_mem>>, %arg33: memref<!tpu.dma_semaphore, #tpu.memory_space<semaphore_mem>>, %arg34: memref<!tpu.dma_semaphore, #tpu.memory_space<semaphore_mem>>, %arg35: memref<!tpu.dma_semaphore, #tpu.memory_space<semaphore_mem>>, %arg36: memref<!tpu.dma_semaphore, #tpu.memory_space<semaphore_mem>>, %arg37: memref<!tpu.dma_semaphore, #tpu.memory_space<semaphore_mem>>, %arg38: memref<!tpu.dma_semaphore, #tpu.memory_space<semaphore_mem>>) attributes {dimension_semantics = [#tpu.dimension_semantics<core_parallel>, #tpu.dimension_semantics<subcore_parallel>], iteration_bounds = array<i64: 2, 16>, scalar_prefetch = 0 : i64, scratch_operands = 32 : i64, tpu.core_type = #tpu.core_type<sc_vector_subcore>, window_params = [{transform_indices = #map}, {transform_indices = #map1}, {transform_indices = #map1}, {transform_indices = #map2}, {transform_indices = #map}]} {
    %mul3A = arith.constant 16 : i32
    %mul3A_0 = arith.muli %arg0, %mul3A : i32
    %add3A = arith.addi %mul3A_0, %arg1 : i32
    %mul3A_1 = arith.constant 10000 : i32
    %mul3A_2 = arith.muli %add3A, %mul3A_1 : i32
    %add3A_3 = arith.constant 0 : i32
    %add3A_4 = arith.addi %mul3A_2, %add3A_3 : i32
    %add3A_5 = arith.constant 0 : i32
    %add3A_6 = arith.addi %mul3A_2, %add3A_5 : i32
    %dma_start3A = tpu.memref_slice %arg3[%add3A_4] : memref<320000xi32, #tpu.memory_space<hbm>> -> memref<200xi32, #tpu.memory_space<hbm>>
    %dma_start3A_7 = tpu.memref_slice %arg3[%add3A_4] : memref<320000xi32, #tpu.memory_space<hbm>> -> memref<200xi32, #tpu.memory_space<hbm>>
    tpu.enqueue_dma source(%dma_start3A_7 : memref<200xi32, #tpu.memory_space<hbm>>) target(%arg7 : memref<200xi32, #tpu.memory_space<vmem>>) target_semaphore(%arg35 : memref<!tpu.dma_semaphore, #tpu.memory_space<semaphore_mem>>)
    %dma_start3A_8 = tpu.memref_slice %arg4[%add3A_6] : memref<320000xi32, #tpu.memory_space<hbm>> -> memref<200xi32, #tpu.memory_space<hbm>>
    %dma_start3A_9 = tpu.memref_slice %arg4[%add3A_6] : memref<320000xi32, #tpu.memory_space<hbm>> -> memref<200xi32, #tpu.memory_space<hbm>>
    tpu.enqueue_dma source(%dma_start3A_9 : memref<200xi32, #tpu.memory_space<hbm>>) target(%arg9 : memref<200xi32, #tpu.memory_space<vmem>>) target_semaphore(%arg37 : memref<!tpu.dma_semaphore, #tpu.memory_space<semaphore_mem>>)
    %add3A_10 = arith.constant 200 : i32
    %add3A_11 = arith.addi %mul3A_2, %add3A_10 : i32
    %add3A_12 = arith.constant 200 : i32
    %add3A_13 = arith.addi %mul3A_2, %add3A_12 : i32
    %dma_start3A_14 = tpu.memref_slice %arg3[%add3A_11] : memref<320000xi32, #tpu.memory_space<hbm>> -> memref<200xi32, #tpu.memory_space<hbm>>
    %dma_start3A_15 = tpu.memref_slice %arg3[%add3A_11] : memref<320000xi32, #tpu.memory_space<hbm>> -> memref<200xi32, #tpu.memory_space<hbm>>
    tpu.enqueue_dma source(%dma_start3A_15 : memref<200xi32, #tpu.memory_space<hbm>>) target(%arg8 : memref<200xi32, #tpu.memory_space<vmem>>) target_semaphore(%arg36 : memref<!tpu.dma_semaphore, #tpu.memory_space<semaphore_mem>>)
    %dma_start3A_16 = tpu.memref_slice %arg4[%add3A_13] : memref<320000xi32, #tpu.memory_space<hbm>> -> memref<200xi32, #tpu.memory_space<hbm>>
    %dma_start3A_17 = tpu.memref_slice %arg4[%add3A_13] : memref<320000xi32, #tpu.memory_space<hbm>> -> memref<200xi32, #tpu.memory_space<hbm>>
    tpu.enqueue_dma source(%dma_start3A_17 : memref<200xi32, #tpu.memory_space<hbm>>) target(%arg10 : memref<200xi32, #tpu.memory_space<vmem>>) target_semaphore(%arg38 : memref<!tpu.dma_semaphore, #tpu.memory_space<semaphore_mem>>)
    %scan3A = arith.constant 0 : i32
    %scan3A_18 = arith.constant 0 : i32
    %scan3A_19 = arith.constant 320 : i32
    %scan3A_20 = arith.addi %scan3A_18, %scan3A_19 : i32
    %scan3A_21 = arith.constant 1 : i32
    %scan3A_22 = scf.for %scan3A_518 = %scan3A_18 to %scan3A_20 step %scan3A_21 iter_args(%scan3A_519 = %scan3A) -> (i32)  : i32 {
      %jit3A = arith.constant 8 : i32
      %div3A = arith.divsi %scan3A_518, %jit3A : i32
      %sign3A = arith.constant 0 : i32
      %sign3A_520 = arith.cmpi sgt, %scan3A_518, %sign3A : i32
      %sign3A_521 = arith.extui %sign3A_520 : i1 to i32
      %sign3A_522 = arith.constant 0 : i32
      %sign3A_523 = arith.cmpi slt, %scan3A_518, %sign3A_522 : i32
      %sign3A_524 = arith.extui %sign3A_523 : i1 to i32
      %sign3A_525 = arith.subi %sign3A_521, %sign3A_524 : i32
      %sign3A_526 = arith.constant 0 : i32
      %sign3A_527 = arith.cmpi sgt, %jit3A, %sign3A_526 : i32
      %sign3A_528 = arith.extui %sign3A_527 : i1 to i32
      %sign3A_529 = arith.constant 0 : i32
      %sign3A_530 = arith.cmpi slt, %jit3A, %sign3A_529 : i32
      %sign3A_531 = arith.extui %sign3A_530 : i1 to i32
      %sign3A_532 = arith.subi %sign3A_528, %sign3A_531 : i32
      %ne3A = arith.cmpi ne, %sign3A_525, %sign3A_532 : i32
      %rem3A = arith.remsi %scan3A_518, %jit3A : i32
      %ne3A_533 = arith.constant 0 : i32
      %ne3A_534 = arith.cmpi ne, %rem3A, %ne3A_533 : i32
      %and3A = arith.andi %ne3A, %ne3A_534 : i1
      %sub3A = arith.constant 1 : i32
      %sub3A_535 = arith.subi %div3A, %sub3A : i32
      %select_n3A = arith.select %and3A, %sub3A_535, %div3A : i32
      %mul3A_536 = arith.constant 8 : i32
      %mul3A_537 = arith.muli %select_n3A, %mul3A_536 : i32
      %sub3A_538 = arith.subi %scan3A_518, %mul3A_537 : i32
      %broadcast_in_dim3A_539 = arith.constant 0.000000e+00 : f32
      %broadcast_in_dim3A_540 = vector.broadcast %broadcast_in_dim3A_539 : f32 to vector<16xf32>
      %mul3A_541 = arith.constant 16 : i32
      %mul3A_542 = arith.muli %sub3A_538, %mul3A_541 : i32
      %swap3A_543 = arith.index_cast %select_n3A : i32 to index
      %swap3A_544 = arith.index_cast %mul3A_542 : i32 to index
      %swap3A_545 = tpu.vector_load %arg11[%swap3A_543, %swap3A_544] {strides = array<i32>} : memref<40x128xf32, #tpu.memory_space<vmem>>, vector<1x16xf32>,
      %swap3A_546 = vector.shape_cast %swap3A_545 : vector<1x16xf32> to vector<16xf32>
      %swap3A_547 = vector.shape_cast %broadcast_in_dim3A_540 : vector<16xf32> to vector<1x16xf32>
      tpu.vector_store %arg11[%swap3A_543, %swap3A_544], %swap3A_547 {strides = array<i32>} : memref<40x128xf32, #tpu.memory_space<vmem>>, vector<1x16xf32>,
      %scan3A_548 = arith.constant 0 : i32
      scf.yield %scan3A_548 : i32
    }
    %scan3A_23 = arith.constant 320 : i32
    %mul3A_24 = arith.constant 640 : i32
    %mul3A_25 = arith.muli %arg1, %mul3A_24 : i32
    %add3A_26 = arith.constant 0 : i32
    %add3A_27 = arith.addi %mul3A_25, %add3A_26 : i32
    %dma_start3A_28 = arith.constant 0 : i32
    %dma_start3A_29 = tpu.memref_slice %arg18[%add3A_27, %dma_start3A_28] : memref<10240x128xf32, #tpu.memory_space<vmem_shared>> -> memref<40x128xf32, #tpu.memory_space<vmem_shared>>
    %dma_start3A_30 = arith.constant 0 : i32
    %dma_start3A_31 = tpu.memref_slice %arg18[%add3A_27, %dma_start3A_30] : memref<10240x128xf32, #tpu.memory_space<vmem_shared>> -> memref<40x128xf32, #tpu.memory_space<vmem_shared>>
    tpu.enqueue_dma source(%arg11 : memref<40x128xf32, #tpu.memory_space<vmem>>) target(%dma_start3A_31 : memref<40x128xf32, #tpu.memory_space<vmem_shared>>) target_semaphore(%arg25 : memref<!tpu.dma_semaphore, #tpu.memory_space<semaphore_mem>>)
    %add3A_32 = arith.constant 40 : i32
    %add3A_33 = arith.addi %mul3A_25, %add3A_32 : i32
    %dma_start3A_34 = arith.constant 0 : i32
    %dma_start3A_35 = tpu.memref_slice %arg18[%add3A_33, %dma_start3A_34] : memref<10240x128xf32, #tpu.memory_space<vmem_shared>> -> memref<40x128xf32, #tpu.memory_space<vmem_shared>>
    %dma_start3A_36 = arith.constant 0 : i32
    %dma_start3A_37 = tpu.memref_slice %arg18[%add3A_33, %dma_start3A_36] : memref<10240x128xf32, #tpu.memory_space<vmem_shared>> -> memref<40x128xf32, #tpu.memory_space<vmem_shared>>
    tpu.enqueue_dma source(%arg11 : memref<40x128xf32, #tpu.memory_space<vmem>>) target(%dma_start3A_37 : memref<40x128xf32, #tpu.memory_space<vmem_shared>>) target_semaphore(%arg26 : memref<!tpu.dma_semaphore, #tpu.memory_space<semaphore_mem>>)
    %add3A_38 = arith.constant 80 : i32
    %add3A_39 = arith.addi %mul3A_25, %add3A_38 : i32
    %dma_start3A_40 = arith.constant 0 : i32
    %dma_start3A_41 = tpu.memref_slice %arg18[%add3A_39, %dma_start3A_40] : memref<10240x128xf32, #tpu.memory_space<vmem_shared>> -> memref<40x128xf32, #tpu.memory_space<vmem_shared>>
    %dma_start3A_42 = arith.constant 0 : i32
    %dma_start3A_43 = tpu.memref_slice %arg18[%add3A_39, %dma_start3A_42] : memref<10240x128xf32, #tpu.memory_space<vmem_shared>> -> memref<40x128xf32, #tpu.memory_space<vmem_shared>>
    tpu.enqueue_dma source(%arg11 : memref<40x128xf32, #tpu.memory_space<vmem>>) target(%dma_start3A_43 : memref<40x128xf32, #tpu.memory_space<vmem_shared>>) target_semaphore(%arg27 : memref<!tpu.dma_semaphore, #tpu.memory_space<semaphore_mem>>)
    %add3A_44 = arith.constant 120 : i32
    %add3A_45 = arith.addi %mul3A_25, %add3A_44 : i32
    %dma_start3A_46 = arith.constant 0 : i32
    %dma_start3A_47 = tpu.memref_slice %arg18[%add3A_45, %dma_start3A_46] : memref<10240x128xf32, #tpu.memory_space<vmem_shared>> -> memref<40x128xf32, #tpu.memory_space<vmem_shared>>
    %dma_start3A_48 = arith.constant 0 : i32
    %dma_start3A_49 = tpu.memref_slice %arg18[%add3A_45, %dma_start3A_48] : memref<10240x128xf32, #tpu.memory_space<vmem_shared>> -> memref<40x128xf32, #tpu.memory_space<vmem_shared>>
    tpu.enqueue_dma source(%arg11 : memref<40x128xf32, #tpu.memory_space<vmem>>) target(%dma_start3A_49 : memref<40x128xf32, #tpu.memory_space<vmem_shared>>) target_semaphore(%arg28 : memref<!tpu.dma_semaphore, #tpu.memory_space<semaphore_mem>>)
    %add3A_50 = arith.constant 160 : i32
    %add3A_51 = arith.addi %mul3A_25, %add3A_50 : i32
    %dma_start3A_52 = arith.constant 0 : i32
    %dma_start3A_53 = tpu.memref_slice %arg18[%add3A_51, %dma_start3A_52] : memref<10240x128xf32, #tpu.memory_space<vmem_shared>> -> memref<40x128xf32, #tpu.memory_space<vmem_shared>>
    %dma_start3A_54 = arith.constant 0 : i32
    %dma_start3A_55 = tpu.memref_slice %arg18[%add3A_51, %dma_start3A_54] : memref<10240x128xf32, #tpu.memory_space<vmem_shared>> -> memref<40x128xf32, #tpu.memory_space<vmem_shared>>
    tpu.enqueue_dma source(%arg11 : memref<40x128xf32, #tpu.memory_space<vmem>>) target(%dma_start3A_55 : memref<40x128xf32, #tpu.memory_space<vmem_shared>>) target_semaphore(%arg29 : memref<!tpu.dma_semaphore, #tpu.memory_space<semaphore_mem>>)
    %add3A_56 = arith.constant 200 : i32
    %add3A_57 = arith.addi %mul3A_25, %add3A_56 : i32
    %dma_start3A_58 = arith.constant 0 : i32
    %dma_start3A_59 = tpu.memref_slice %arg18[%add3A_57, %dma_start3A_58] : memref<10240x128xf32, #tpu.memory_space<vmem_shared>> -> memref<40x128xf32, #tpu.memory_space<vmem_shared>>
    %dma_start3A_60 = arith.constant 0 : i32
    %dma_start3A_61 = tpu.memref_slice %arg18[%add3A_57, %dma_start3A_60] : memref<10240x128xf32, #tpu.memory_space<vmem_shared>> -> memref<40x128xf32, #tpu.memory_space<vmem_shared>>
    tpu.enqueue_dma source(%arg11 : memref<40x128xf32, #tpu.memory_space<vmem>>) target(%dma_start3A_61 : memref<40x128xf32, #tpu.memory_space<vmem_shared>>) target_semaphore(%arg25 : memref<!tpu.dma_semaphore, #tpu.memory_space<semaphore_mem>>)
    %add3A_62 = arith.constant 240 : i32
    %add3A_63 = arith.addi %mul3A_25, %add3A_62 : i32
    %dma_start3A_64 = arith.constant 0 : i32
    %dma_start3A_65 = tpu.memref_slice %arg18[%add3A_63, %dma_start3A_64] : memref<10240x128xf32, #tpu.memory_space<vmem_shared>> -> memref<40x128xf32, #tpu.memory_space<vmem_shared>>
    %dma_start3A_66 = arith.constant 0 : i32
    %dma_start3A_67 = tpu.memref_slice %arg18[%add3A_63, %dma_start3A_66] : memref<10240x128xf32, #tpu.memory_space<vmem_shared>> -> memref<40x128xf32, #tpu.memory_space<vmem_shared>>
    tpu.enqueue_dma source(%arg11 : memref<40x128xf32, #tpu.memory_space<vmem>>) target(%dma_start3A_67 : memref<40x128xf32, #tpu.memory_space<vmem_shared>>) target_semaphore(%arg26 : memref<!tpu.dma_semaphore, #tpu.memory_space<semaphore_mem>>)
    %add3A_68 = arith.constant 280 : i32
    %add3A_69 = arith.addi %mul3A_25, %add3A_68 : i32
    %dma_start3A_70 = arith.constant 0 : i32
    %dma_start3A_71 = tpu.memref_slice %arg18[%add3A_69, %dma_start3A_70] : memref<10240x128xf32, #tpu.memory_space<vmem_shared>> -> memref<40x128xf32, #tpu.memory_space<vmem_shared>>
    %dma_start3A_72 = arith.constant 0 : i32
    %dma_start3A_73 = tpu.memref_slice %arg18[%add3A_69, %dma_start3A_72] : memref<10240x128xf32, #tpu.memory_space<vmem_shared>> -> memref<40x128xf32, #tpu.memory_space<vmem_shared>>
    tpu.enqueue_dma source(%arg11 : memref<40x128xf32, #tpu.memory_space<vmem>>) target(%dma_start3A_73 : memref<40x128xf32, #tpu.memory_space<vmem_shared>>) target_semaphore(%arg27 : memref<!tpu.dma_semaphore, #tpu.memory_space<semaphore_mem>>)
    %add3A_74 = arith.constant 320 : i32
    %add3A_75 = arith.addi %mul3A_25, %add3A_74 : i32
    %dma_start3A_76 = arith.constant 0 : i32
    %dma_start3A_77 = tpu.memref_slice %arg18[%add3A_75, %dma_start3A_76] : memref<10240x128xf32, #tpu.memory_space<vmem_shared>> -> memref<40x128xf32, #tpu.memory_space<vmem_shared>>
    %dma_start3A_78 = arith.constant 0 : i32
    %dma_start3A_79 = tpu.memref_slice %arg18[%add3A_75, %dma_start3A_78] : memref<10240x128xf32, #tpu.memory_space<vmem_shared>> -> memref<40x128xf32, #tpu.memory_space<vmem_shared>>
    tpu.enqueue_dma source(%arg11 : memref<40x128xf32, #tpu.memory_space<vmem>>) target(%dma_start3A_79 : memref<40x128xf32, #tpu.memory_space<vmem_shared>>) target_semaphore(%arg28 : memref<!tpu.dma_semaphore, #tpu.memory_space<semaphore_mem>>)
    %add3A_80 = arith.constant 360 : i32
    %add3A_81 = arith.addi %mul3A_25, %add3A_80 : i32
    %dma_start3A_82 = arith.constant 0 : i32
    %dma_start3A_83 = tpu.memref_slice %arg18[%add3A_81, %dma_start3A_82] : memref<10240x128xf32, #tpu.memory_space<vmem_shared>> -> memref<40x128xf32, #tpu.memory_space<vmem_shared>>
    %dma_start3A_84 = arith.constant 0 : i32
    %dma_start3A_85 = tpu.memref_slice %arg18[%add3A_81, %dma_start3A_84] : memref<10240x128xf32, #tpu.memory_space<vmem_shared>> -> memref<40x128xf32, #tpu.memory_space<vmem_shared>>
    tpu.enqueue_dma source(%arg11 : memref<40x128xf32, #tpu.memory_space<vmem>>) target(%dma_start3A_85 : memref<40x128xf32, #tpu.memory_space<vmem_shared>>) target_semaphore(%arg29 : memref<!tpu.dma_semaphore, #tpu.memory_space<semaphore_mem>>)
    %add3A_86 = arith.constant 400 : i32
    %add3A_87 = arith.addi %mul3A_25, %add3A_86 : i32
    %dma_start3A_88 = arith.constant 0 : i32
    %dma_start3A_89 = tpu.memref_slice %arg18[%add3A_87, %dma_start3A_88] : memref<10240x128xf32, #tpu.memory_space<vmem_shared>> -> memref<40x128xf32, #tpu.memory_space<vmem_shared>>
    %dma_start3A_90 = arith.constant 0 : i32
    %dma_start3A_91 = tpu.memref_slice %arg18[%add3A_87, %dma_start3A_90] : memref<10240x128xf32, #tpu.memory_space<vmem_shared>> -> memref<40x128xf32, #tpu.memory_space<vmem_shared>>
    tpu.enqueue_dma source(%arg11 : memref<40x128xf32, #tpu.memory_space<vmem>>) target(%dma_start3A_91 : memref<40x128xf32, #tpu.memory_space<vmem_shared>>) target_semaphore(%arg25 : memref<!tpu.dma_semaphore, #tpu.memory_space<semaphore_mem>>)
    %add3A_92 = arith.constant 440 : i32
    %add3A_93 = arith.addi %mul3A_25, %add3A_92 : i32
    %dma_start3A_94 = arith.constant 0 : i32
    %dma_start3A_95 = tpu.memref_slice %arg18[%add3A_93, %dma_start3A_94] : memref<10240x128xf32, #tpu.memory_space<vmem_shared>> -> memref<40x128xf32, #tpu.memory_space<vmem_shared>>
    %dma_start3A_96 = arith.constant 0 : i32
    %dma_start3A_97 = tpu.memref_slice %arg18[%add3A_93, %dma_start3A_96] : memref<10240x128xf32, #tpu.memory_space<vmem_shared>> -> memref<40x128xf32, #tpu.memory_space<vmem_shared>>
    tpu.enqueue_dma source(%arg11 : memref<40x128xf32, #tpu.memory_space<vmem>>) target(%dma_start3A_97 : memref<40x128xf32, #tpu.memory_space<vmem_shared>>) target_semaphore(%arg26 : memref<!tpu.dma_semaphore, #tpu.memory_space<semaphore_mem>>)
    %add3A_98 = arith.constant 480 : i32
    %add3A_99 = arith.addi %mul3A_25, %add3A_98 : i32
    %dma_start3A_100 = arith.constant 0 : i32
    %dma_start3A_101 = tpu.memref_slice %arg18[%add3A_99, %dma_start3A_100] : memref<10240x128xf32, #tpu.memory_space<vmem_shared>> -> memref<40x128xf32, #tpu.memory_space<vmem_shared>>
    %dma_start3A_102 = arith.constant 0 : i32
    %dma_start3A_103 = tpu.memref_slice %arg18[%add3A_99, %dma_start3A_102] : memref<10240x128xf32, #tpu.memory_space<vmem_shared>> -> memref<40x128xf32, #tpu.memory_space<vmem_shared>>
    tpu.enqueue_dma source(%arg11 : memref<40x128xf32, #tpu.memory_space<vmem>>) target(%dma_start3A_103 : memref<40x128xf32, #tpu.memory_space<vmem_shared>>) target_semaphore(%arg27 : memref<!tpu.dma_semaphore, #tpu.memory_space<semaphore_mem>>)
    %add3A_104 = arith.constant 520 : i32
    %add3A_105 = arith.addi %mul3A_25, %add3A_104 : i32
    %dma_start3A_106 = arith.constant 0 : i32
    %dma_start3A_107 = tpu.memref_slice %arg18[%add3A_105, %dma_start3A_106] : memref<10240x128xf32, #tpu.memory_space<vmem_shared>> -> memref<40x128xf32, #tpu.memory_space<vmem_shared>>
    %dma_start3A_108 = arith.constant 0 : i32
    %dma_start3A_109 = tpu.memref_slice %arg18[%add3A_105, %dma_start3A_108] : memref<10240x128xf32, #tpu.memory_space<vmem_shared>> -> memref<40x128xf32, #tpu.memory_space<vmem_shared>>
    tpu.enqueue_dma source(%arg11 : memref<40x128xf32, #tpu.memory_space<vmem>>) target(%dma_start3A_109 : memref<40x128xf32, #tpu.memory_space<vmem_shared>>) target_semaphore(%arg28 : memref<!tpu.dma_semaphore, #tpu.memory_space<semaphore_mem>>)
    %add3A_110 = arith.constant 560 : i32
    %add3A_111 = arith.addi %mul3A_25, %add3A_110 : i32
    %dma_start3A_112 = arith.constant 0 : i32
    %dma_start3A_113 = tpu.memref_slice %arg18[%add3A_111, %dma_start3A_112] : memref<10240x128xf32, #tpu.memory_space<vmem_shared>> -> memref<40x128xf32, #tpu.memory_space<vmem_shared>>
    %dma_start3A_114 = arith.constant 0 : i32
    %dma_start3A_115 = tpu.memref_slice %arg18[%add3A_111, %dma_start3A_114] : memref<10240x128xf32, #tpu.memory_space<vmem_shared>> -> memref<40x128xf32, #tpu.memory_space<vmem_shared>>
    tpu.enqueue_dma source(%arg11 : memref<40x128xf32, #tpu.memory_space<vmem>>) target(%dma_start3A_115 : memref<40x128xf32, #tpu.memory_space<vmem_shared>>) target_semaphore(%arg29 : memref<!tpu.dma_semaphore, #tpu.memory_space<semaphore_mem>>)
    %add3A_116 = arith.constant 600 : i32
    %add3A_117 = arith.addi %mul3A_25, %add3A_116 : i32
    %dma_start3A_118 = arith.constant 0 : i32
    %dma_start3A_119 = tpu.memref_slice %arg18[%add3A_117, %dma_start3A_118] : memref<10240x128xf32, #tpu.memory_space<vmem_shared>> -> memref<40x128xf32, #tpu.memory_space<vmem_shared>>
    %dma_start3A_120 = arith.constant 0 : i32
    %dma_start3A_121 = tpu.memref_slice %arg18[%add3A_117, %dma_start3A_120] : memref<10240x128xf32, #tpu.memory_space<vmem_shared>> -> memref<40x128xf32, #tpu.memory_space<vmem_shared>>
    tpu.enqueue_dma source(%arg11 : memref<40x128xf32, #tpu.memory_space<vmem>>) target(%dma_start3A_121 : memref<40x128xf32, #tpu.memory_space<vmem_shared>>) target_semaphore(%arg25 : memref<!tpu.dma_semaphore, #tpu.memory_space<semaphore_mem>>)
    %broadcast_in_dim3A = arith.constant 0.000000e+00 : f32
    %broadcast_in_dim3A_122 = vector.broadcast %broadcast_in_dim3A : f32 to vector<16xf32>
    %swap3A = arith.constant 0 : index
    %swap3A_123 = tpu.vector_load %arg17[%swap3A] {strides = array<i32>} : memref<640xf32, #tpu.memory_space<vmem>>, vector<16xf32>,
    %swap3A_124 = vector.shape_cast %swap3A_123 : vector<16xf32> to vector<16xf32>
    %swap3A_125 = vector.shape_cast %broadcast_in_dim3A_122 : vector<16xf32> to vector<16xf32>
    tpu.vector_store %arg17[%swap3A], %swap3A_125 {strides = array<i32>} : memref<640xf32, #tpu.memory_space<vmem>>, vector<16xf32>,
    %broadcast_in_dim3A_126 = arith.constant 0.000000e+00 : f32
    %broadcast_in_dim3A_127 = vector.broadcast %broadcast_in_dim3A_126 : f32 to vector<16xf32>
    %swap3A_128 = arith.constant 16 : index
    %swap3A_129 = tpu.vector_load %arg17[%swap3A_128] {strides = array<i32>} : memref<640xf32, #tpu.memory_space<vmem>>, vector<16xf32>,
    %swap3A_130 = vector.shape_cast %swap3A_129 : vector<16xf32> to vector<16xf32>
    %swap3A_131 = vector.shape_cast %broadcast_in_dim3A_127 : vector<16xf32> to vector<16xf32>
    tpu.vector_store %arg17[%swap3A_128], %swap3A_131 {strides = array<i32>} : memref<640xf32, #tpu.memory_space<vmem>>, vector<16xf32>,
    %broadcast_in_dim3A_132 = arith.constant 0.000000e+00 : f32
    %broadcast_in_dim3A_133 = vector.broadcast %broadcast_in_dim3A_132 : f32 to vector<16xf32>
    %swap3A_134 = arith.constant 32 : index
    %swap3A_135 = tpu.vector_load %arg17[%swap3A_134] {strides = array<i32>} : memref<640xf32, #tpu.memory_space<vmem>>, vector<16xf32>,
    %swap3A_136 = vector.shape_cast %swap3A_135 : vector<16xf32> to vector<16xf32>
    %swap3A_137 = vector.shape_cast %broadcast_in_dim3A_133 : vector<16xf32> to vector<16xf32>
    tpu.vector_store %arg17[%swap3A_134], %swap3A_137 {strides = array<i32>} : memref<640xf32, #tpu.memory_space<vmem>>, vector<16xf32>,
    %broadcast_in_dim3A_138 = arith.constant 0.000000e+00 : f32
    %broadcast_in_dim3A_139 = vector.broadcast %broadcast_in_dim3A_138 : f32 to vector<16xf32>
    %swap3A_140 = arith.constant 48 : index
    %swap3A_141 = tpu.vector_load %arg17[%swap3A_140] {strides = array<i32>} : memref<640xf32, #tpu.memory_space<vmem>>, vector<16xf32>,
    %swap3A_142 = vector.shape_cast %swap3A_141 : vector<16xf32> to vector<16xf32>
    %swap3A_143 = vector.shape_cast %broadcast_in_dim3A_139 : vector<16xf32> to vector<16xf32>
    tpu.vector_store %arg17[%swap3A_140], %swap3A_143 {strides = array<i32>} : memref<640xf32, #tpu.memory_space<vmem>>, vector<16xf32>,
    %broadcast_in_dim3A_144 = arith.constant 0.000000e+00 : f32
    %broadcast_in_dim3A_145 = vector.broadcast %broadcast_in_dim3A_144 : f32 to vector<16xf32>
    %swap3A_146 = arith.constant 64 : index
    %swap3A_147 = tpu.vector_load %arg17[%swap3A_146] {strides = array<i32>} : memref<640xf32, #tpu.memory_space<vmem>>, vector<16xf32>,
    %swap3A_148 = vector.shape_cast %swap3A_147 : vector<16xf32> to vector<16xf32>
    %swap3A_149 = vector.shape_cast %broadcast_in_dim3A_145 : vector<16xf32> to vector<16xf32>
    tpu.vector_store %arg17[%swap3A_146], %swap3A_149 {strides = array<i32>} : memref<640xf32, #tpu.memory_space<vmem>>, vector<16xf32>,
    %broadcast_in_dim3A_150 = arith.constant 0.000000e+00 : f32
    %broadcast_in_dim3A_151 = vector.broadcast %broadcast_in_dim3A_150 : f32 to vector<16xf32>
    %swap3A_152 = arith.constant 80 : index
    %swap3A_153 = tpu.vector_load %arg17[%swap3A_152] {strides = array<i32>} : memref<640xf32, #tpu.memory_space<vmem>>, vector<16xf32>,
    %swap3A_154 = vector.shape_cast %swap3A_153 : vector<16xf32> to vector<16xf32>
    %swap3A_155 = vector.shape_cast %broadcast_in_dim3A_151 : vector<16xf32> to vector<16xf32>
    tpu.vector_store %arg17[%swap3A_152], %swap3A_155 {strides = array<i32>} : memref<640xf32, #tpu.memory_space<vmem>>, vector<16xf32>,
    %broadcast_in_dim3A_156 = arith.constant 0.000000e+00 : f32
    %broadcast_in_dim3A_157 = vector.broadcast %broadcast_in_dim3A_156 : f32 to vector<16xf32>
    %swap3A_158 = arith.constant 96 : index
    %swap3A_159 = tpu.vector_load %arg17[%swap3A_158] {strides = array<i32>} : memref<640xf32, #tpu.memory_space<vmem>>, vector<16xf32>,
    %swap3A_160 = vector.shape_cast %swap3A_159 : vector<16xf32> to vector<16xf32>
    %swap3A_161 = vector.shape_cast %broadcast_in_dim3A_157 : vector<16xf32> to vector<16xf32>
    tpu.vector_store %arg17[%swap3A_158], %swap3A_161 {strides = array<i32>} : memref<640xf32, #tpu.memory_space<vmem>>, vector<16xf32>,
    %broadcast_in_dim3A_162 = arith.constant 0.000000e+00 : f32
    %broadcast_in_dim3A_163 = vector.broadcast %broadcast_in_dim3A_162 : f32 to vector<16xf32>
    %swap3A_164 = arith.constant 112 : index
    %swap3A_165 = tpu.vector_load %arg17[%swap3A_164] {strides = array<i32>} : memref<640xf32, #tpu.memory_space<vmem>>, vector<16xf32>,
    %swap3A_166 = vector.shape_cast %swap3A_165 : vector<16xf32> to vector<16xf32>
    %swap3A_167 = vector.shape_cast %broadcast_in_dim3A_163 : vector<16xf32> to vector<16xf32>
    tpu.vector_store %arg17[%swap3A_164], %swap3A_167 {strides = array<i32>} : memref<640xf32, #tpu.memory_space<vmem>>, vector<16xf32>,
    %broadcast_in_dim3A_168 = arith.constant 0.000000e+00 : f32
    %broadcast_in_dim3A_169 = vector.broadcast %broadcast_in_dim3A_168 : f32 to vector<16xf32>
    %swap3A_170 = arith.constant 128 : index
    %swap3A_171 = tpu.vector_load %arg17[%swap3A_170] {strides = array<i32>} : memref<640xf32, #tpu.memory_space<vmem>>, vector<16xf32>,
    %swap3A_172 = vector.shape_cast %swap3A_171 : vector<16xf32> to vector<16xf32>
    %swap3A_173 = vector.shape_cast %broadcast_in_dim3A_169 : vector<16xf32> to vector<16xf32>
    tpu.vector_store %arg17[%swap3A_170], %swap3A_173 {strides = array<i32>} : memref<640xf32, #tpu.memory_space<vmem>>, vector<16xf32>,
    %broadcast_in_dim3A_174 = arith.constant 0.000000e+00 : f32
    %broadcast_in_dim3A_175 = vector.broadcast %broadcast_in_dim3A_174 : f32 to vector<16xf32>
    %swap3A_176 = arith.constant 144 : index
    %swap3A_177 = tpu.vector_load %arg17[%swap3A_176] {strides = array<i32>} : memref<640xf32, #tpu.memory_space<vmem>>, vector<16xf32>,
    %swap3A_178 = vector.shape_cast %swap3A_177 : vector<16xf32> to vector<16xf32>
    %swap3A_179 = vector.shape_cast %broadcast_in_dim3A_175 : vector<16xf32> to vector<16xf32>
    tpu.vector_store %arg17[%swap3A_176], %swap3A_179 {strides = array<i32>} : memref<640xf32, #tpu.memory_space<vmem>>, vector<16xf32>,
    %broadcast_in_dim3A_180 = arith.constant 0.000000e+00 : f32
    %broadcast_in_dim3A_181 = vector.broadcast %broadcast_in_dim3A_180 : f32 to vector<16xf32>
    %swap3A_182 = arith.constant 160 : index
    %swap3A_183 = tpu.vector_load %arg17[%swap3A_182] {strides = array<i32>} : memref<640xf32, #tpu.memory_space<vmem>>, vector<16xf32>,
    %swap3A_184 = vector.shape_cast %swap3A_183 : vector<16xf32> to vector<16xf32>
    %swap3A_185 = vector.shape_cast %broadcast_in_dim3A_181 : vector<16xf32> to vector<16xf32>
    tpu.vector_store %arg17[%swap3A_182], %swap3A_185 {strides = array<i32>} : memref<640xf32, #tpu.memory_space<vmem>>, vector<16xf32>,
    %broadcast_in_dim3A_186 = arith.constant 0.000000e+00 : f32
    %broadcast_in_dim3A_187 = vector.broadcast %broadcast_in_dim3A_186 : f32 to vector<16xf32>
    %swap3A_188 = arith.constant 176 : index
    %swap3A_189 = tpu.vector_load %arg17[%swap3A_188] {strides = array<i32>} : memref<640xf32, #tpu.memory_space<vmem>>, vector<16xf32>,
    %swap3A_190 = vector.shape_cast %swap3A_189 : vector<16xf32> to vector<16xf32>
    %swap3A_191 = vector.shape_cast %broadcast_in_dim3A_187 : vector<16xf32> to vector<16xf32>
    tpu.vector_store %arg17[%swap3A_188], %swap3A_191 {strides = array<i32>} : memref<640xf32, #tpu.memory_space<vmem>>, vector<16xf32>,
    %broadcast_in_dim3A_192 = arith.constant 0.000000e+00 : f32
    %broadcast_in_dim3A_193 = vector.broadcast %broadcast_in_dim3A_192 : f32 to vector<16xf32>
    %swap3A_194 = arith.constant 192 : index
    %swap3A_195 = tpu.vector_load %arg17[%swap3A_194] {strides = array<i32>} : memref<640xf32, #tpu.memory_space<vmem>>, vector<16xf32>,
    %swap3A_196 = vector.shape_cast %swap3A_195 : vector<16xf32> to vector<16xf32>
    %swap3A_197 = vector.shape_cast %broadcast_in_dim3A_193 : vector<16xf32> to vector<16xf32>
    tpu.vector_store %arg17[%swap3A_194], %swap3A_197 {strides = array<i32>} : memref<640xf32, #tpu.memory_space<vmem>>, vector<16xf32>,
    %broadcast_in_dim3A_198 = arith.constant 0.000000e+00 : f32
    %broadcast_in_dim3A_199 = vector.broadcast %broadcast_in_dim3A_198 : f32 to vector<16xf32>
    %swap3A_200 = arith.constant 208 : index
    %swap3A_201 = tpu.vector_load %arg17[%swap3A_200] {strides = array<i32>} : memref<640xf32, #tpu.memory_space<vmem>>, vector<16xf32>,
    %swap3A_202 = vector.shape_cast %swap3A_201 : vector<16xf32> to vector<16xf32>
    %swap3A_203 = vector.shape_cast %broadcast_in_dim3A_199 : vector<16xf32> to vector<16xf32>
    tpu.vector_store %arg17[%swap3A_200], %swap3A_203 {strides = array<i32>} : memref<640xf32, #tpu.memory_space<vmem>>, vector<16xf32>,
    %broadcast_in_dim3A_204 = arith.constant 0.000000e+00 : f32
    %broadcast_in_dim3A_205 = vector.broadcast %broadcast_in_dim3A_204 : f32 to vector<16xf32>
    %swap3A_206 = arith.constant 224 : index
    %swap3A_207 = tpu.vector_load %arg17[%swap3A_206] {strides = array<i32>} : memref<640xf32, #tpu.memory_space<vmem>>, vector<16xf32>,
    %swap3A_208 = vector.shape_cast %swap3A_207 : vector<16xf32> to vector<16xf32>
    %swap3A_209 = vector.shape_cast %broadcast_in_dim3A_205 : vector<16xf32> to vector<16xf32>
    tpu.vector_store %arg17[%swap3A_206], %swap3A_209 {strides = array<i32>} : memref<640xf32, #tpu.memory_space<vmem>>, vector<16xf32>,
    %broadcast_in_dim3A_210 = arith.constant 0.000000e+00 : f32
    %broadcast_in_dim3A_211 = vector.broadcast %broadcast_in_dim3A_210 : f32 to vector<16xf32>
    %swap3A_212 = arith.constant 240 : index
    %swap3A_213 = tpu.vector_load %arg17[%swap3A_212] {strides = array<i32>} : memref<640xf32, #tpu.memory_space<vmem>>, vector<16xf32>,
    %swap3A_214 = vector.shape_cast %swap3A_213 : vector<16xf32> to vector<16xf32>
    %swap3A_215 = vector.shape_cast %broadcast_in_dim3A_211 : vector<16xf32> to vector<16xf32>
    tpu.vector_store %arg17[%swap3A_212], %swap3A_215 {strides = array<i32>} : memref<640xf32, #tpu.memory_space<vmem>>, vector<16xf32>,
    %broadcast_in_dim3A_216 = arith.constant 0.000000e+00 : f32
    %broadcast_in_dim3A_217 = vector.broadcast %broadcast_in_dim3A_216 : f32 to vector<16xf32>
    %swap3A_218 = arith.constant 256 : index
    %swap3A_219 = tpu.vector_load %arg17[%swap3A_218] {strides = array<i32>} : memref<640xf32, #tpu.memory_space<vmem>>, vector<16xf32>,
    %swap3A_220 = vector.shape_cast %swap3A_219 : vector<16xf32> to vector<16xf32>
    %swap3A_221 = vector.shape_cast %broadcast_in_dim3A_217 : vector<16xf32> to vector<16xf32>
    tpu.vector_store %arg17[%swap3A_218], %swap3A_221 {strides = array<i32>} : memref<640xf32, #tpu.memory_space<vmem>>, vector<16xf32>,
    %broadcast_in_dim3A_222 = arith.constant 0.000000e+00 : f32
    %broadcast_in_dim3A_223 = vector.broadcast %broadcast_in_dim3A_222 : f32 to vector<16xf32>
    %swap3A_224 = arith.constant 272 : index
    %swap3A_225 = tpu.vector_load %arg17[%swap3A_224] {strides = array<i32>} : memref<640xf32, #tpu.memory_space<vmem>>, vector<16xf32>,
    %swap3A_226 = vector.shape_cast %swap3A_225 : vector<16xf32> to vector<16xf32>
    %swap3A_227 = vector.shape_cast %broadcast_in_dim3A_223 : vector<16xf32> to vector<16xf32>
    tpu.vector_store %arg17[%swap3A_224], %swap3A_227 {strides = array<i32>} : memref<640xf32, #tpu.memory_space<vmem>>, vector<16xf32>,
    %broadcast_in_dim3A_228 = arith.constant 0.000000e+00 : f32
    %broadcast_in_dim3A_229 = vector.broadcast %broadcast_in_dim3A_228 : f32 to vector<16xf32>
    %swap3A_230 = arith.constant 288 : index
    %swap3A_231 = tpu.vector_load %arg17[%swap3A_230] {strides = array<i32>} : memref<640xf32, #tpu.memory_space<vmem>>, vector<16xf32>,
    %swap3A_232 = vector.shape_cast %swap3A_231 : vector<16xf32> to vector<16xf32>
    %swap3A_233 = vector.shape_cast %broadcast_in_dim3A_229 : vector<16xf32> to vector<16xf32>
    tpu.vector_store %arg17[%swap3A_230], %swap3A_233 {strides = array<i32>} : memref<640xf32, #tpu.memory_space<vmem>>, vector<16xf32>,
    %broadcast_in_dim3A_234 = arith.constant 0.000000e+00 : f32
    %broadcast_in_dim3A_235 = vector.broadcast %broadcast_in_dim3A_234 : f32 to vector<16xf32>
    %swap3A_236 = arith.constant 304 : index
    %swap3A_237 = tpu.vector_load %arg17[%swap3A_236] {strides = array<i32>} : memref<640xf32, #tpu.memory_space<vmem>>, vector<16xf32>,
    %swap3A_238 = vector.shape_cast %swap3A_237 : vector<16xf32> to vector<16xf32>
    %swap3A_239 = vector.shape_cast %broadcast_in_dim3A_235 : vector<16xf32> to vector<16xf32>
    tpu.vector_store %arg17[%swap3A_236], %swap3A_239 {strides = array<i32>} : memref<640xf32, #tpu.memory_space<vmem>>, vector<16xf32>,
    %broadcast_in_dim3A_240 = arith.constant 0.000000e+00 : f32
    %broadcast_in_dim3A_241 = vector.broadcast %broadcast_in_dim3A_240 : f32 to vector<16xf32>
    %swap3A_242 = arith.constant 320 : index
    %swap3A_243 = tpu.vector_load %arg17[%swap3A_242] {strides = array<i32>} : memref<640xf32, #tpu.memory_space<vmem>>, vector<16xf32>,
    %swap3A_244 = vector.shape_cast %swap3A_243 : vector<16xf32> to vector<16xf32>
    %swap3A_245 = vector.shape_cast %broadcast_in_dim3A_241 : vector<16xf32> to vector<16xf32>
    tpu.vector_store %arg17[%swap3A_242], %swap3A_245 {strides = array<i32>} : memref<640xf32, #tpu.memory_space<vmem>>, vector<16xf32>,
    %broadcast_in_dim3A_246 = arith.constant 0.000000e+00 : f32
    %broadcast_in_dim3A_247 = vector.broadcast %broadcast_in_dim3A_246 : f32 to vector<16xf32>
    %swap3A_248 = arith.constant 336 : index
    %swap3A_249 = tpu.vector_load %arg17[%swap3A_248] {strides = array<i32>} : memref<640xf32, #tpu.memory_space<vmem>>, vector<16xf32>,
    %swap3A_250 = vector.shape_cast %swap3A_249 : vector<16xf32> to vector<16xf32>
    %swap3A_251 = vector.shape_cast %broadcast_in_dim3A_247 : vector<16xf32> to vector<16xf32>
    tpu.vector_store %arg17[%swap3A_248], %swap3A_251 {strides = array<i32>} : memref<640xf32, #tpu.memory_space<vmem>>, vector<16xf32>,
    %broadcast_in_dim3A_252 = arith.constant 0.000000e+00 : f32
    %broadcast_in_dim3A_253 = vector.broadcast %broadcast_in_dim3A_252 : f32 to vector<16xf32>
    %swap3A_254 = arith.constant 352 : index
    %swap3A_255 = tpu.vector_load %arg17[%swap3A_254] {strides = array<i32>} : memref<640xf32, #tpu.memory_space<vmem>>, vector<16xf32>,
    %swap3A_256 = vector.shape_cast %swap3A_255 : vector<16xf32> to vector<16xf32>
    %swap3A_257 = vector.shape_cast %broadcast_in_dim3A_253 : vector<16xf32> to vector<16xf32>
    tpu.vector_store %arg17[%swap3A_254], %swap3A_257 {strides = array<i32>} : memref<640xf32, #tpu.memory_space<vmem>>, vector<16xf32>,
    %broadcast_in_dim3A_258 = arith.constant 0.000000e+00 : f32
    %broadcast_in_dim3A_259 = vector.broadcast %broadcast_in_dim3A_258 : f32 to vector<16xf32>
    %swap3A_260 = arith.constant 368 : index
    %swap3A_261 = tpu.vector_load %arg17[%swap3A_260] {strides = array<i32>} : memref<640xf32, #tpu.memory_space<vmem>>, vector<16xf32>,
    %swap3A_262 = vector.shape_cast %swap3A_261 : vector<16xf32> to vector<16xf32>
    %swap3A_263 = vector.shape_cast %broadcast_in_dim3A_259 : vector<16xf32> to vector<16xf32>
    tpu.vector_store %arg17[%swap3A_260], %swap3A_263 {strides = array<i32>} : memref<640xf32, #tpu.memory_space<vmem>>, vector<16xf32>,
    %broadcast_in_dim3A_264 = arith.constant 0.000000e+00 : f32
    %broadcast_in_dim3A_265 = vector.broadcast %broadcast_in_dim3A_264 : f32 to vector<16xf32>
    %swap3A_266 = arith.constant 384 : index
    %swap3A_267 = tpu.vector_load %arg17[%swap3A_266] {strides = array<i32>} : memref<640xf32, #tpu.memory_space<vmem>>, vector<16xf32>,
    %swap3A_268 = vector.shape_cast %swap3A_267 : vector<16xf32> to vector<16xf32>
    %swap3A_269 = vector.shape_cast %broadcast_in_dim3A_265 : vector<16xf32> to vector<16xf32>
    tpu.vector_store %arg17[%swap3A_266], %swap3A_269 {strides = array<i32>} : memref<640xf32, #tpu.memory_space<vmem>>, vector<16xf32>,
    %broadcast_in_dim3A_270 = arith.constant 0.000000e+00 : f32
    %broadcast_in_dim3A_271 = vector.broadcast %broadcast_in_dim3A_270 : f32 to vector<16xf32>
    %swap3A_272 = arith.constant 400 : index
    %swap3A_273 = tpu.vector_load %arg17[%swap3A_272] {strides = array<i32>} : memref<640xf32, #tpu.memory_space<vmem>>, vector<16xf32>,
    %swap3A_274 = vector.shape_cast %swap3A_273 : vector<16xf32> to vector<16xf32>
    %swap3A_275 = vector.shape_cast %broadcast_in_dim3A_271 : vector<16xf32> to vector<16xf32>
    tpu.vector_store %arg17[%swap3A_272], %swap3A_275 {strides = array<i32>} : memref<640xf32, #tpu.memory_space<vmem>>, vector<16xf32>,
    %broadcast_in_dim3A_276 = arith.constant 0.000000e+00 : f32
    %broadcast_in_dim3A_277 = vector.broadcast %broadcast_in_dim3A_276 : f32 to vector<16xf32>
    %swap3A_278 = arith.constant 416 : index
    %swap3A_279 = tpu.vector_load %arg17[%swap3A_278] {strides = array<i32>} : memref<640xf32, #tpu.memory_space<vmem>>, vector<16xf32>,
    %swap3A_280 = vector.shape_cast %swap3A_279 : vector<16xf32> to vector<16xf32>
    %swap3A_281 = vector.shape_cast %broadcast_in_dim3A_277 : vector<16xf32> to vector<16xf32>
    tpu.vector_store %arg17[%swap3A_278], %swap3A_281 {strides = array<i32>} : memref<640xf32, #tpu.memory_space<vmem>>, vector<16xf32>,
    %broadcast_in_dim3A_282 = arith.constant 0.000000e+00 : f32
    %broadcast_in_dim3A_283 = vector.broadcast %broadcast_in_dim3A_282 : f32 to vector<16xf32>
    %swap3A_284 = arith.constant 432 : index
    %swap3A_285 = tpu.vector_load %arg17[%swap3A_284] {strides = array<i32>} : memref<640xf32, #tpu.memory_space<vmem>>, vector<16xf32>,
    %swap3A_286 = vector.shape_cast %swap3A_285 : vector<16xf32> to vector<16xf32>
    %swap3A_287 = vector.shape_cast %broadcast_in_dim3A_283 : vector<16xf32> to vector<16xf32>
    tpu.vector_store %arg17[%swap3A_284], %swap3A_287 {strides = array<i32>} : memref<640xf32, #tpu.memory_space<vmem>>, vector<16xf32>,
    %broadcast_in_dim3A_288 = arith.constant 0.000000e+00 : f32
    %broadcast_in_dim3A_289 = vector.broadcast %broadcast_in_dim3A_288 : f32 to vector<16xf32>
    %swap3A_290 = arith.constant 448 : index
    %swap3A_291 = tpu.vector_load %arg17[%swap3A_290] {strides = array<i32>} : memref<640xf32, #tpu.memory_space<vmem>>, vector<16xf32>,
    %swap3A_292 = vector.shape_cast %swap3A_291 : vector<16xf32> to vector<16xf32>
    %swap3A_293 = vector.shape_cast %broadcast_in_dim3A_289 : vector<16xf32> to vector<16xf32>
    tpu.vector_store %arg17[%swap3A_290], %swap3A_293 {strides = array<i32>} : memref<640xf32, #tpu.memory_space<vmem>>, vector<16xf32>,
    %broadcast_in_dim3A_294 = arith.constant 0.000000e+00 : f32
    %broadcast_in_dim3A_295 = vector.broadcast %broadcast_in_dim3A_294 : f32 to vector<16xf32>
    %swap3A_296 = arith.constant 464 : index
    %swap3A_297 = tpu.vector_load %arg17[%swap3A_296] {strides = array<i32>} : memref<640xf32, #tpu.memory_space<vmem>>, vector<16xf32>,
    %swap3A_298 = vector.shape_cast %swap3A_297 : vector<16xf32> to vector<16xf32>
    %swap3A_299 = vector.shape_cast %broadcast_in_dim3A_295 : vector<16xf32> to vector<16xf32>
    tpu.vector_store %arg17[%swap3A_296], %swap3A_299 {strides = array<i32>} : memref<640xf32, #tpu.memory_space<vmem>>, vector<16xf32>,
    %broadcast_in_dim3A_300 = arith.constant 0.000000e+00 : f32
    %broadcast_in_dim3A_301 = vector.broadcast %broadcast_in_dim3A_300 : f32 to vector<16xf32>
    %swap3A_302 = arith.constant 480 : index
    %swap3A_303 = tpu.vector_load %arg17[%swap3A_302] {strides = array<i32>} : memref<640xf32, #tpu.memory_space<vmem>>, vector<16xf32>,
    %swap3A_304 = vector.shape_cast %swap3A_303 : vector<16xf32> to vector<16xf32>
    %swap3A_305 = vector.shape_cast %broadcast_in_dim3A_301 : vector<16xf32> to vector<16xf32>
    tpu.vector_store %arg17[%swap3A_302], %swap3A_305 {strides = array<i32>} : memref<640xf32, #tpu.memory_space<vmem>>, vector<16xf32>,
    %broadcast_in_dim3A_306 = arith.constant 0.000000e+00 : f32
    %broadcast_in_dim3A_307 = vector.broadcast %broadcast_in_dim3A_306 : f32 to vector<16xf32>
    %swap3A_308 = arith.constant 496 : index
    %swap3A_309 = tpu.vector_load %arg17[%swap3A_308] {strides = array<i32>} : memref<640xf32, #tpu.memory_space<vmem>>, vector<16xf32>,
    %swap3A_310 = vector.shape_cast %swap3A_309 : vector<16xf32> to vector<16xf32>
    %swap3A_311 = vector.shape_cast %broadcast_in_dim3A_307 : vector<16xf32> to vector<16xf32>
    tpu.vector_store %arg17[%swap3A_308], %swap3A_311 {strides = array<i32>} : memref<640xf32, #tpu.memory_space<vmem>>, vector<16xf32>,
    %broadcast_in_dim3A_312 = arith.constant 0.000000e+00 : f32
    %broadcast_in_dim3A_313 = vector.broadcast %broadcast_in_dim3A_312 : f32 to vector<16xf32>
    %swap3A_314 = arith.constant 512 : index
    %swap3A_315 = tpu.vector_load %arg17[%swap3A_314] {strides = array<i32>} : memref<640xf32, #tpu.memory_space<vmem>>, vector<16xf32>,
    %swap3A_316 = vector.shape_cast %swap3A_315 : vector<16xf32> to vector<16xf32>
    %swap3A_317 = vector.shape_cast %broadcast_in_dim3A_313 : vector<16xf32> to vector<16xf32>
    tpu.vector_store %arg17[%swap3A_314], %swap3A_317 {strides = array<i32>} : memref<640xf32, #tpu.memory_space<vmem>>, vector<16xf32>,
    %broadcast_in_dim3A_318 = arith.constant 0.000000e+00 : f32
    %broadcast_in_dim3A_319 = vector.broadcast %broadcast_in_dim3A_318 : f32 to vector<16xf32>
    %swap3A_320 = arith.constant 528 : index
    %swap3A_321 = tpu.vector_load %arg17[%swap3A_320] {strides = array<i32>} : memref<640xf32, #tpu.memory_space<vmem>>, vector<16xf32>,
    %swap3A_322 = vector.shape_cast %swap3A_321 : vector<16xf32> to vector<16xf32>
    %swap3A_323 = vector.shape_cast %broadcast_in_dim3A_319 : vector<16xf32> to vector<16xf32>
    tpu.vector_store %arg17[%swap3A_320], %swap3A_323 {strides = array<i32>} : memref<640xf32, #tpu.memory_space<vmem>>, vector<16xf32>,
    %broadcast_in_dim3A_324 = arith.constant 0.000000e+00 : f32
    %broadcast_in_dim3A_325 = vector.broadcast %broadcast_in_dim3A_324 : f32 to vector<16xf32>
    %swap3A_326 = arith.constant 544 : index
    %swap3A_327 = tpu.vector_load %arg17[%swap3A_326] {strides = array<i32>} : memref<640xf32, #tpu.memory_space<vmem>>, vector<16xf32>,
    %swap3A_328 = vector.shape_cast %swap3A_327 : vector<16xf32> to vector<16xf32>
    %swap3A_329 = vector.shape_cast %broadcast_in_dim3A_325 : vector<16xf32> to vector<16xf32>
    tpu.vector_store %arg17[%swap3A_326], %swap3A_329 {strides = array<i32>} : memref<640xf32, #tpu.memory_space<vmem>>, vector<16xf32>,
    %broadcast_in_dim3A_330 = arith.constant 0.000000e+00 : f32
    %broadcast_in_dim3A_331 = vector.broadcast %broadcast_in_dim3A_330 : f32 to vector<16xf32>
    %swap3A_332 = arith.constant 560 : index
    %swap3A_333 = tpu.vector_load %arg17[%swap3A_332] {strides = array<i32>} : memref<640xf32, #tpu.memory_space<vmem>>, vector<16xf32>,
    %swap3A_334 = vector.shape_cast %swap3A_333 : vector<16xf32> to vector<16xf32>
    %swap3A_335 = vector.shape_cast %broadcast_in_dim3A_331 : vector<16xf32> to vector<16xf32>
    tpu.vector_store %arg17[%swap3A_332], %swap3A_335 {strides = array<i32>} : memref<640xf32, #tpu.memory_space<vmem>>, vector<16xf32>,
    %broadcast_in_dim3A_336 = arith.constant 0.000000e+00 : f32
    %broadcast_in_dim3A_337 = vector.broadcast %broadcast_in_dim3A_336 : f32 to vector<16xf32>
    %swap3A_338 = arith.constant 576 : index
    %swap3A_339 = tpu.vector_load %arg17[%swap3A_338] {strides = array<i32>} : memref<640xf32, #tpu.memory_space<vmem>>, vector<16xf32>,
    %swap3A_340 = vector.shape_cast %swap3A_339 : vector<16xf32> to vector<16xf32>
    %swap3A_341 = vector.shape_cast %broadcast_in_dim3A_337 : vector<16xf32> to vector<16xf32>
    tpu.vector_store %arg17[%swap3A_338], %swap3A_341 {strides = array<i32>} : memref<640xf32, #tpu.memory_space<vmem>>, vector<16xf32>,
    %broadcast_in_dim3A_342 = arith.constant 0.000000e+00 : f32
    %broadcast_in_dim3A_343 = vector.broadcast %broadcast_in_dim3A_342 : f32 to vector<16xf32>
    %swap3A_344 = arith.constant 592 : index
    %swap3A_345 = tpu.vector_load %arg17[%swap3A_344] {strides = array<i32>} : memref<640xf32, #tpu.memory_space<vmem>>, vector<16xf32>,
    %swap3A_346 = vector.shape_cast %swap3A_345 : vector<16xf32> to vector<16xf32>
    %swap3A_347 = vector.shape_cast %broadcast_in_dim3A_343 : vector<16xf32> to vector<16xf32>
    tpu.vector_store %arg17[%swap3A_344], %swap3A_347 {strides = array<i32>} : memref<640xf32, #tpu.memory_space<vmem>>, vector<16xf32>,
    %broadcast_in_dim3A_348 = arith.constant 0.000000e+00 : f32
    %broadcast_in_dim3A_349 = vector.broadcast %broadcast_in_dim3A_348 : f32 to vector<16xf32>
    %swap3A_350 = arith.constant 608 : index
    %swap3A_351 = tpu.vector_load %arg17[%swap3A_350] {strides = array<i32>} : memref<640xf32, #tpu.memory_space<vmem>>, vector<16xf32>,
    %swap3A_352 = vector.shape_cast %swap3A_351 : vector<16xf32> to vector<16xf32>
    %swap3A_353 = vector.shape_cast %broadcast_in_dim3A_349 : vector<16xf32> to vector<16xf32>
    tpu.vector_store %arg17[%swap3A_350], %swap3A_353 {strides = array<i32>} : memref<640xf32, #tpu.memory_space<vmem>>, vector<16xf32>,
    %broadcast_in_dim3A_354 = arith.constant 0.000000e+00 : f32
    %broadcast_in_dim3A_355 = vector.broadcast %broadcast_in_dim3A_354 : f32 to vector<16xf32>
    %swap3A_356 = arith.constant 624 : index
    %swap3A_357 = tpu.vector_load %arg17[%swap3A_356] {strides = array<i32>} : memref<640xf32, #tpu.memory_space<vmem>>, vector<16xf32>,
    %swap3A_358 = vector.shape_cast %swap3A_357 : vector<16xf32> to vector<16xf32>
    %swap3A_359 = vector.shape_cast %broadcast_in_dim3A_355 : vector<16xf32> to vector<16xf32>
    tpu.vector_store %arg17[%swap3A_356], %swap3A_359 {strides = array<i32>} : memref<640xf32, #tpu.memory_space<vmem>>, vector<16xf32>,
    %dma_start3A_360 = tpu.memref_slice %arg19[%mul3A_25] : memref<10240xf32, #tpu.memory_space<vmem_shared>> -> memref<640xf32, #tpu.memory_space<vmem_shared>>
    %dma_start3A_361 = tpu.memref_slice %arg19[%mul3A_25] : memref<10240xf32, #tpu.memory_space<vmem_shared>> -> memref<640xf32, #tpu.memory_space<vmem_shared>>
    tpu.enqueue_dma source(%arg17 : memref<640xf32, #tpu.memory_space<vmem>>) target(%dma_start3A_361 : memref<640xf32, #tpu.memory_space<vmem_shared>>) target_semaphore(%arg30 : memref<!tpu.dma_semaphore, #tpu.memory_space<semaphore_mem>>)
    %broadcast_in_dim3A_362 = arith.constant 1.000000e+00 : f32
    %broadcast_in_dim3A_363 = vector.broadcast %broadcast_in_dim3A_362 : f32 to vector<16xf32>
    %swap3A_364 = arith.constant 0 : index
    %swap3A_365 = tpu.vector_load %arg16[%swap3A_364] {strides = array<i32>} : memref<48xf32, #tpu.memory_space<vmem>>, vector<16xf32>,
    %swap3A_366 = vector.shape_cast %swap3A_365 : vector<16xf32> to vector<16xf32>
    %swap3A_367 = vector.shape_cast %broadcast_in_dim3A_363 : vector<16xf32> to vector<16xf32>
    tpu.vector_store %arg16[%swap3A_364], %swap3A_367 {strides = array<i32>} : memref<48xf32, #tpu.memory_space<vmem>>, vector<16xf32>,
    %broadcast_in_dim3A_368 = arith.constant 1.000000e+00 : f32
    %broadcast_in_dim3A_369 = vector.broadcast %broadcast_in_dim3A_368 : f32 to vector<16xf32>
    %swap3A_370 = arith.constant 16 : index
    %swap3A_371 = tpu.vector_load %arg16[%swap3A_370] {strides = array<i32>} : memref<48xf32, #tpu.memory_space<vmem>>, vector<16xf32>,
    %swap3A_372 = vector.shape_cast %swap3A_371 : vector<16xf32> to vector<16xf32>
    %swap3A_373 = vector.shape_cast %broadcast_in_dim3A_369 : vector<16xf32> to vector<16xf32>
    tpu.vector_store %arg16[%swap3A_370], %swap3A_373 {strides = array<i32>} : memref<48xf32, #tpu.memory_space<vmem>>, vector<16xf32>,
    %broadcast_in_dim3A_374 = arith.constant 1.000000e+00 : f32
    %broadcast_in_dim3A_375 = vector.broadcast %broadcast_in_dim3A_374 : f32 to vector<16xf32>
    %swap3A_376 = arith.constant 32 : index
    %swap3A_377 = tpu.vector_load %arg16[%swap3A_376] {strides = array<i32>} : memref<48xf32, #tpu.memory_space<vmem>>, vector<16xf32>,
    %swap3A_378 = vector.shape_cast %swap3A_377 : vector<16xf32> to vector<16xf32>
    %swap3A_379 = vector.shape_cast %broadcast_in_dim3A_375 : vector<16xf32> to vector<16xf32>
    tpu.vector_store %arg16[%swap3A_376], %swap3A_379 {strides = array<i32>} : memref<48xf32, #tpu.memory_space<vmem>>, vector<16xf32>,
    %add3A_380 = arith.constant 0 : i32
    %add3A_381 = arith.addi %mul3A_25, %add3A_380 : i32
    %dma_wait3A = arith.constant 0 : i32
    %dma_wait3A_382 = tpu.memref_slice %arg18[%add3A_381, %dma_wait3A] : memref<10240x128xf32, #tpu.memory_space<vmem_shared>> -> memref<40x128xf32, #tpu.memory_space<vmem_shared>>
    %dma_wait3A_383 = arith.constant 0 : i32
    %dma_wait3A_384 = tpu.memref_slice %arg18[%add3A_381, %dma_wait3A_383] : memref<10240x128xf32, #tpu.memory_space<vmem_shared>> -> memref<40x128xf32, #tpu.memory_space<vmem_shared>>
    tpu.wait_dma2 semaphore(%arg25 : memref<!tpu.dma_semaphore, #tpu.memory_space<semaphore_mem>>) src(%arg11 : memref<40x128xf32, #tpu.memory_space<vmem>>) dst(%dma_wait3A_384 : memref<40x128xf32, #tpu.memory_space<vmem_shared>>)
    %add3A_385 = arith.constant 40 : i32
    %add3A_386 = arith.addi %mul3A_25, %add3A_385 : i32
    %dma_wait3A_387 = arith.constant 0 : i32
    %dma_wait3A_388 = tpu.memref_slice %arg18[%add3A_386, %dma_wait3A_387] : memref<10240x128xf32, #tpu.memory_space<vmem_shared>> -> memref<40x128xf32, #tpu.memory_space<vmem_shared>>
    %dma_wait3A_389 = arith.constant 0 : i32
    %dma_wait3A_390 = tpu.memref_slice %arg18[%add3A_386, %dma_wait3A_389] : memref<10240x128xf32, #tpu.memory_space<vmem_shared>> -> memref<40x128xf32, #tpu.memory_space<vmem_shared>>
    tpu.wait_dma2 semaphore(%arg26 : memref<!tpu.dma_semaphore, #tpu.memory_space<semaphore_mem>>) src(%arg11 : memref<40x128xf32, #tpu.memory_space<vmem>>) dst(%dma_wait3A_390 : memref<40x128xf32, #tpu.memory_space<vmem_shared>>)
    %add3A_391 = arith.constant 80 : i32
    %add3A_392 = arith.addi %mul3A_25, %add3A_391 : i32
    %dma_wait3A_393 = arith.constant 0 : i32
    %dma_wait3A_394 = tpu.memref_slice %arg18[%add3A_392, %dma_wait3A_393] : memref<10240x128xf32, #tpu.memory_space<vmem_shared>> -> memref<40x128xf32, #tpu.memory_space<vmem_shared>>
    %dma_wait3A_395 = arith.constant 0 : i32
    %dma_wait3A_396 = tpu.memref_slice %arg18[%add3A_392, %dma_wait3A_395] : memref<10240x128xf32, #tpu.memory_space<vmem_shared>> -> memref<40x128xf32, #tpu.memory_space<vmem_shared>>
    tpu.wait_dma2 semaphore(%arg27 : memref<!tpu.dma_semaphore, #tpu.memory_space<semaphore_mem>>) src(%arg11 : memref<40x128xf32, #tpu.memory_space<vmem>>) dst(%dma_wait3A_396 : memref<40x128xf32, #tpu.memory_space<vmem_shared>>)
    %add3A_397 = arith.constant 120 : i32
    %add3A_398 = arith.addi %mul3A_25, %add3A_397 : i32
    %dma_wait3A_399 = arith.constant 0 : i32
    %dma_wait3A_400 = tpu.memref_slice %arg18[%add3A_398, %dma_wait3A_399] : memref<10240x128xf32, #tpu.memory_space<vmem_shared>> -> memref<40x128xf32, #tpu.memory_space<vmem_shared>>
    %dma_wait3A_401 = arith.constant 0 : i32
    %dma_wait3A_402 = tpu.memref_slice %arg18[%add3A_398, %dma_wait3A_401] : memref<10240x128xf32, #tpu.memory_space<vmem_shared>> -> memref<40x128xf32, #tpu.memory_space<vmem_shared>>
    tpu.wait_dma2 semaphore(%arg28 : memref<!tpu.dma_semaphore, #tpu.memory_space<semaphore_mem>>) src(%arg11 : memref<40x128xf32, #tpu.memory_space<vmem>>) dst(%dma_wait3A_402 : memref<40x128xf32, #tpu.memory_space<vmem_shared>>)
    %add3A_403 = arith.constant 160 : i32
    %add3A_404 = arith.addi %mul3A_25, %add3A_403 : i32
    %dma_wait3A_405 = arith.constant 0 : i32
    %dma_wait3A_406 = tpu.memref_slice %arg18[%add3A_404, %dma_wait3A_405] : memref<10240x128xf32, #tpu.memory_space<vmem_shared>> -> memref<40x128xf32, #tpu.memory_space<vmem_shared>>
    %dma_wait3A_407 = arith.constant 0 : i32
    %dma_wait3A_408 = tpu.memref_slice %arg18[%add3A_404, %dma_wait3A_407] : memref<10240x128xf32, #tpu.memory_space<vmem_shared>> -> memref<40x128xf32, #tpu.memory_space<vmem_shared>>
    tpu.wait_dma2 semaphore(%arg29 : memref<!tpu.dma_semaphore, #tpu.memory_space<semaphore_mem>>) src(%arg11 : memref<40x128xf32, #tpu.memory_space<vmem>>) dst(%dma_wait3A_408 : memref<40x128xf32, #tpu.memory_space<vmem_shared>>)
    %add3A_409 = arith.constant 200 : i32
    %add3A_410 = arith.addi %mul3A_25, %add3A_409 : i32
    %dma_wait3A_411 = arith.constant 0 : i32
    %dma_wait3A_412 = tpu.memref_slice %arg18[%add3A_410, %dma_wait3A_411] : memref<10240x128xf32, #tpu.memory_space<vmem_shared>> -> memref<40x128xf32, #tpu.memory_space<vmem_shared>>
    %dma_wait3A_413 = arith.constant 0 : i32
    %dma_wait3A_414 = tpu.memref_slice %arg18[%add3A_410, %dma_wait3A_413] : memref<10240x128xf32, #tpu.memory_space<vmem_shared>> -> memref<40x128xf32, #tpu.memory_space<vmem_shared>>
    tpu.wait_dma2 semaphore(%arg25 : memref<!tpu.dma_semaphore, #tpu.memory_space<semaphore_mem>>) src(%arg11 : memref<40x128xf32, #tpu.memory_space<vmem>>) dst(%dma_wait3A_414 : memref<40x128xf32, #tpu.memory_space<vmem_shared>>)
    %add3A_415 = arith.constant 240 : i32
    %add3A_416 = arith.addi %mul3A_25, %add3A_415 : i32
    %dma_wait3A_417 = arith.constant 0 : i32
    %dma_wait3A_418 = tpu.memref_slice %arg18[%add3A_416, %dma_wait3A_417] : memref<10240x128xf32, #tpu.memory_space<vmem_shared>> -> memref<40x128xf32, #tpu.memory_space<vmem_shared>>
    %dma_wait3A_419 = arith.constant 0 : i32
    %dma_wait3A_420 = tpu.memref_slice %arg18[%add3A_416, %dma_wait3A_419] : memref<10240x128xf32, #tpu.memory_space<vmem_shared>> -> memref<40x128xf32, #tpu.memory_space<vmem_shared>>
    tpu.wait_dma2 semaphore(%arg26 : memref<!tpu.dma_semaphore, #tpu.memory_space<semaphore_mem>>) src(%arg11 : memref<40x128xf32, #tpu.memory_space<vmem>>) dst(%dma_wait3A_420 : memref<40x128xf32, #tpu.memory_space<vmem_shared>>)
    %add3A_421 = arith.constant 280 : i32
    %add3A_422 = arith.addi %mul3A_25, %add3A_421 : i32
    %dma_wait3A_423 = arith.constant 0 : i32
    %dma_wait3A_424 = tpu.memref_slice %arg18[%add3A_422, %dma_wait3A_423] : memref<10240x128xf32, #tpu.memory_space<vmem_shared>> -> memref<40x128xf32, #tpu.memory_space<vmem_shared>>
    %dma_wait3A_425 = arith.constant 0 : i32
    %dma_wait3A_426 = tpu.memref_slice %arg18[%add3A_422, %dma_wait3A_425] : memref<10240x128xf32, #tpu.memory_space<vmem_shared>> -> memref<40x128xf32, #tpu.memory_space<vmem_shared>>
    tpu.wait_dma2 semaphore(%arg27 : memref<!tpu.dma_semaphore, #tpu.memory_space<semaphore_mem>>) src(%arg11 : memref<40x128xf32, #tpu.memory_space<vmem>>) dst(%dma_wait3A_426 : memref<40x128xf32, #tpu.memory_space<vmem_shared>>)
    %add3A_427 = arith.constant 320 : i32
    %add3A_428 = arith.addi %mul3A_25, %add3A_427 : i32
    %dma_wait3A_429 = arith.constant 0 : i32
    %dma_wait3A_430 = tpu.memref_slice %arg18[%add3A_428, %dma_wait3A_429] : memref<10240x128xf32, #tpu.memory_space<vmem_shared>> -> memref<40x128xf32, #tpu.memory_space<vmem_shared>>
    %dma_wait3A_431 = arith.constant 0 : i32
    %dma_wait3A_432 = tpu.memref_slice %arg18[%add3A_428, %dma_wait3A_431] : memref<10240x128xf32, #tpu.memory_space<vmem_shared>> -> memref<40x128xf32, #tpu.memory_space<vmem_shared>>
    tpu.wait_dma2 semaphore(%arg28 : memref<!tpu.dma_semaphore, #tpu.memory_space<semaphore_mem>>) src(%arg11 : memref<40x128xf32, #tpu.memory_space<vmem>>) dst(%dma_wait3A_432 : memref<40x128xf32, #tpu.memory_space<vmem_shared>>)
    %add3A_433 = arith.constant 360 : i32
    %add3A_434 = arith.addi %mul3A_25, %add3A_433 : i32
    %dma_wait3A_435 = arith.constant 0 : i32
    %dma_wait3A_436 = tpu.memref_slice %arg18[%add3A_434, %dma_wait3A_435] : memref<10240x128xf32, #tpu.memory_space<vmem_shared>> -> memref<40x128xf32, #tpu.memory_space<vmem_shared>>
    %dma_wait3A_437 = arith.constant 0 : i32
    %dma_wait3A_438 = tpu.memref_slice %arg18[%add3A_434, %dma_wait3A_437] : memref<10240x128xf32, #tpu.memory_space<vmem_shared>> -> memref<40x128xf32, #tpu.memory_space<vmem_shared>>
    tpu.wait_dma2 semaphore(%arg29 : memref<!tpu.dma_semaphore, #tpu.memory_space<semaphore_mem>>) src(%arg11 : memref<40x128xf32, #tpu.memory_space<vmem>>) dst(%dma_wait3A_438 : memref<40x128xf32, #tpu.memory_space<vmem_shared>>)
    %add3A_439 = arith.constant 400 : i32
    %add3A_440 = arith.addi %mul3A_25, %add3A_439 : i32
    %dma_wait3A_441 = arith.constant 0 : i32
    %dma_wait3A_442 = tpu.memref_slice %arg18[%add3A_440, %dma_wait3A_441] : memref<10240x128xf32, #tpu.memory_space<vmem_shared>> -> memref<40x128xf32, #tpu.memory_space<vmem_shared>>
    %dma_wait3A_443 = arith.constant 0 : i32
    %dma_wait3A_444 = tpu.memref_slice %arg18[%add3A_440, %dma_wait3A_443] : memref<10240x128xf32, #tpu.memory_space<vmem_shared>> -> memref<40x128xf32, #tpu.memory_space<vmem_shared>>
    tpu.wait_dma2 semaphore(%arg25 : memref<!tpu.dma_semaphore, #tpu.memory_space<semaphore_mem>>) src(%arg11 : memref<40x128xf32, #tpu.memory_space<vmem>>) dst(%dma_wait3A_444 : memref<40x128xf32, #tpu.memory_space<vmem_shared>>)
    %add3A_445 = arith.constant 440 : i32
    %add3A_446 = arith.addi %mul3A_25, %add3A_445 : i32
    %dma_wait3A_447 = arith.constant 0 : i32
    %dma_wait3A_448 = tpu.memref_slice %arg18[%add3A_446, %dma_wait3A_447] : memref<10240x128xf32, #tpu.memory_space<vmem_shared>> -> memref<40x128xf32, #tpu.memory_space<vmem_shared>>
    %dma_wait3A_449 = arith.constant 0 : i32
    %dma_wait3A_450 = tpu.memref_slice %arg18[%add3A_446, %dma_wait3A_449] : memref<10240x128xf32, #tpu.memory_space<vmem_shared>> -> memref<40x128xf32, #tpu.memory_space<vmem_shared>>
    tpu.wait_dma2 semaphore(%arg26 : memref<!tpu.dma_semaphore, #tpu.memory_space<semaphore_mem>>) src(%arg11 : memref<40x128xf32, #tpu.memory_space<vmem>>) dst(%dma_wait3A_450 : memref<40x128xf32, #tpu.memory_space<vmem_shared>>)
    %add3A_451 = arith.constant 480 : i32
    %add3A_452 = arith.addi %mul3A_25, %add3A_451 : i32
    %dma_wait3A_453 = arith.constant 0 : i32
    %dma_wait3A_454 = tpu.memref_slice %arg18[%add3A_452, %dma_wait3A_453] : memref<10240x128xf32, #tpu.memory_space<vmem_shared>> -> memref<40x128xf32, #tpu.memory_space<vmem_shared>>
    %dma_wait3A_455 = arith.constant 0 : i32
    %dma_wait3A_456 = tpu.memref_slice %arg18[%add3A_452, %dma_wait3A_455] : memref<10240x128xf32, #tpu.memory_space<vmem_shared>> -> memref<40x128xf32, #tpu.memory_space<vmem_shared>>
    tpu.wait_dma2 semaphore(%arg27 : memref<!tpu.dma_semaphore, #tpu.memory_space<semaphore_mem>>) src(%arg11 : memref<40x128xf32, #tpu.memory_space<vmem>>) dst(%dma_wait3A_456 : memref<40x128xf32, #tpu.memory_space<vmem_shared>>)
    %add3A_457 = arith.constant 520 : i32
    %add3A_458 = arith.addi %mul3A_25, %add3A_457 : i32
    %dma_wait3A_459 = arith.constant 0 : i32
    %dma_wait3A_460 = tpu.memref_slice %arg18[%add3A_458, %dma_wait3A_459] : memref<10240x128xf32, #tpu.memory_space<vmem_shared>> -> memref<40x128xf32, #tpu.memory_space<vmem_shared>>
    %dma_wait3A_461 = arith.constant 0 : i32
    %dma_wait3A_462 = tpu.memref_slice %arg18[%add3A_458, %dma_wait3A_461] : memref<10240x128xf32, #tpu.memory_space<vmem_shared>> -> memref<40x128xf32, #tpu.memory_space<vmem_shared>>
    tpu.wait_dma2 semaphore(%arg28 : memref<!tpu.dma_semaphore, #tpu.memory_space<semaphore_mem>>) src(%arg11 : memref<40x128xf32, #tpu.memory_space<vmem>>) dst(%dma_wait3A_462 : memref<40x128xf32, #tpu.memory_space<vmem_shared>>)
    %add3A_463 = arith.constant 560 : i32
    %add3A_464 = arith.addi %mul3A_25, %add3A_463 : i32
    %dma_wait3A_465 = arith.constant 0 : i32
    %dma_wait3A_466 = tpu.memref_slice %arg18[%add3A_464, %dma_wait3A_465] : memref<10240x128xf32, #tpu.memory_space<vmem_shared>> -> memref<40x128xf32, #tpu.memory_space<vmem_shared>>
    %dma_wait3A_467 = arith.constant 0 : i32
    %dma_wait3A_468 = tpu.memref_slice %arg18[%add3A_464, %dma_wait3A_467] : memref<10240x128xf32, #tpu.memory_space<vmem_shared>> -> memref<40x128xf32, #tpu.memory_space<vmem_shared>>
    tpu.wait_dma2 semaphore(%arg29 : memref<!tpu.dma_semaphore, #tpu.memory_space<semaphore_mem>>) src(%arg11 : memref<40x128xf32, #tpu.memory_space<vmem>>) dst(%dma_wait3A_468 : memref<40x128xf32, #tpu.memory_space<vmem_shared>>)
    %add3A_469 = arith.constant 600 : i32
    %add3A_470 = arith.addi %mul3A_25, %add3A_469 : i32
    %dma_wait3A_471 = arith.constant 0 : i32
    %dma_wait3A_472 = tpu.memref_slice %arg18[%add3A_470, %dma_wait3A_471] : memref<10240x128xf32, #tpu.memory_space<vmem_shared>> -> memref<40x128xf32, #tpu.memory_space<vmem_shared>>
    %dma_wait3A_473 = arith.constant 0 : i32
    %dma_wait3A_474 = tpu.memref_slice %arg18[%add3A_470, %dma_wait3A_473] : memref<10240x128xf32, #tpu.memory_space<vmem_shared>> -> memref<40x128xf32, #tpu.memory_space<vmem_shared>>
    tpu.wait_dma2 semaphore(%arg25 : memref<!tpu.dma_semaphore, #tpu.memory_space<semaphore_mem>>) src(%arg11 : memref<40x128xf32, #tpu.memory_space<vmem>>) dst(%dma_wait3A_474 : memref<40x128xf32, #tpu.memory_space<vmem_shared>>)
    %dma_wait3A_475 = tpu.memref_slice %arg19[%mul3A_25] : memref<10240xf32, #tpu.memory_space<vmem_shared>> -> memref<640xf32, #tpu.memory_space<vmem_shared>>
    %dma_wait3A_476 = tpu.memref_slice %arg19[%mul3A_25] : memref<10240xf32, #tpu.memory_space<vmem_shared>> -> memref<640xf32, #tpu.memory_space<vmem_shared>>
    tpu.wait_dma2 semaphore(%arg30 : memref<!tpu.dma_semaphore, #tpu.memory_space<semaphore_mem>>) src(%arg17 : memref<640xf32, #tpu.memory_space<vmem>>) dst(%dma_wait3A_476 : memref<640xf32, #tpu.memory_space<vmem_shared>>)
    %add3A_477 = arith.constant 0 : i32
    %add3A_478 = arith.addi %mul3A_2, %add3A_477 : i32
    %dma_wait3A_479 = tpu.memref_slice %arg3[%add3A_478] : memref<320000xi32, #tpu.memory_space<hbm>> -> memref<200xi32, #tpu.memory_space<hbm>>
    %dma_wait3A_480 = tpu.memref_slice %arg3[%add3A_478] : memref<320000xi32, #tpu.memory_space<hbm>> -> memref<200xi32, #tpu.memory_space<hbm>>
    tpu.wait_dma2 semaphore(%arg35 : memref<!tpu.dma_semaphore, #tpu.memory_space<semaphore_mem>>) src(%dma_wait3A_480 : memref<200xi32, #tpu.memory_space<hbm>>) dst(%arg7 : memref<200xi32, #tpu.memory_space<vmem>>)
    %add3A_481 = arith.constant 0 : i32
    %add3A_482 = arith.addi %mul3A_2, %add3A_481 : i32
    %dma_wait3A_483 = tpu.memref_slice %arg4[%add3A_482] : memref<320000xi32, #tpu.memory_space<hbm>> -> memref<200xi32, #tpu.memory_space<hbm>>
    %dma_wait3A_484 = tpu.memref_slice %arg4[%add3A_482] : memref<320000xi32, #tpu.memory_space<hbm>> -> memref<200xi32, #tpu.memory_space<hbm>>
    tpu.wait_dma2 semaphore(%arg37 : memref<!tpu.dma_semaphore, #tpu.memory_space<semaphore_mem>>) src(%dma_wait3A_484 : memref<200xi32, #tpu.memory_space<hbm>>) dst(%arg9 : memref<200xi32, #tpu.memory_space<vmem>>)
    %dma_start3A_485 = arith.constant 0 : i32
    %dma_start3A_486 = tpu.memref_slice %arg7[%dma_start3A_485] : memref<200xi32, #tpu.memory_space<vmem>> -> memref<40xi32, #tpu.memory_space<vmem>>
    %dma_start3A_487 = arith.constant 0 : i32
    %dma_start3A_488 = arith.constant 0 : i32
    %dma_start3A_489 = tpu.memref_slice %arg2[%dma_start3A_487, %dma_start3A_488] : memref<10000x128xf32, #tpu.memory_space<hbm>> -> memref<10000x128xf32, #tpu.memory_space<hbm>>
    tpu.enqueue_indirect_dma source(%dma_start3A_489 : memref<10000x128xf32, #tpu.memory_space<hbm>>) target(%arg11 : memref<40x128xf32, #tpu.memory_space<vmem>>) offsets(%dma_start3A_486 : memref<40xi32, #tpu.memory_space<vmem>>) semaphore(%arg20 : memref<!tpu.dma_semaphore, #tpu.memory_space<semaphore_mem>>)
    %dma_start3A_490 = arith.constant 40 : i32
    %dma_start3A_491 = tpu.memref_slice %arg7[%dma_start3A_490] : memref<200xi32, #tpu.memory_space<vmem>> -> memref<40xi32, #tpu.memory_space<vmem>>
    %dma_start3A_492 = arith.constant 0 : i32
    %dma_start3A_493 = arith.constant 0 : i32
    %dma_start3A_494 = tpu.memref_slice %arg2[%dma_start3A_492, %dma_start3A_493] : memref<10000x128xf32, #tpu.memory_space<hbm>> -> memref<10000x128xf32, #tpu.memory_space<hbm>>
    tpu.enqueue_indirect_dma source(%dma_start3A_494 : memref<10000x128xf32, #tpu.memory_space<hbm>>) target(%arg12 : memref<40x128xf32, #tpu.memory_space<vmem>>) offsets(%dma_start3A_491 : memref<40xi32, #tpu.memory_space<vmem>>) semaphore(%arg21 : memref<!tpu.dma_semaphore, #tpu.memory_space<semaphore_mem>>)
    %dma_start3A_495 = arith.constant 80 : i32
    %dma_start3A_496 = tpu.memref_slice %arg7[%dma_start3A_495] : memref<200xi32, #tpu.memory_space<vmem>> -> memref<40xi32, #tpu.memory_space<vmem>>
    %dma_start3A_497 = arith.constant 0 : i32
    %dma_start3A_498 = arith.constant 0 : i32
    %dma_start3A_499 = tpu.memref_slice %arg2[%dma_start3A_497, %dma_start3A_498] : memref<10000x128xf32, #tpu.memory_space<hbm>> -> memref<10000x128xf32, #tpu.memory_space<hbm>>
    tpu.enqueue_indirect_dma source(%dma_start3A_499 : memref<10000x128xf32, #tpu.memory_space<hbm>>) target(%arg13 : memref<40x128xf32, #tpu.memory_space<vmem>>) offsets(%dma_start3A_496 : memref<40xi32, #tpu.memory_space<vmem>>) semaphore(%arg22 : memref<!tpu.dma_semaphore, #tpu.memory_space<semaphore_mem>>)
    %dma_start3A_500 = arith.constant 120 : i32
    %dma_start3A_501 = tpu.memref_slice %arg7[%dma_start3A_500] : memref<200xi32, #tpu.memory_space<vmem>> -> memref<40xi32, #tpu.memory_space<vmem>>
    %dma_start3A_502 = arith.constant 0 : i32
    %dma_start3A_503 = arith.constant 0 : i32
    %dma_start3A_504 = tpu.memref_slice %arg2[%dma_start3A_502, %dma_start3A_503] : memref<10000x128xf32, #tpu.memory_space<hbm>> -> memref<10000x128xf32, #tpu.memory_space<hbm>>
    tpu.enqueue_indirect_dma source(%dma_start3A_504 : memref<10000x128xf32, #tpu.memory_space<hbm>>) target(%arg14 : memref<40x128xf32, #tpu.memory_space<vmem>>) offsets(%dma_start3A_501 : memref<40xi32, #tpu.memory_space<vmem>>) semaphore(%arg23 : memref<!tpu.dma_semaphore, #tpu.memory_space<semaphore_mem>>)
    %dma_start3A_505 = arith.constant 160 : i32
    %dma_start3A_506 = tpu.memref_slice %arg7[%dma_start3A_505] : memref<200xi32, #tpu.memory_space<vmem>> -> memref<40xi32, #tpu.memory_space<vmem>>
    %dma_start3A_507 = arith.constant 0 : i32
    %dma_start3A_508 = arith.constant 0 : i32
    %dma_start3A_509 = tpu.memref_slice %arg2[%dma_start3A_507, %dma_start3A_508] : memref<10000x128xf32, #tpu.memory_space<hbm>> -> memref<10000x128xf32, #tpu.memory_space<hbm>>
    tpu.enqueue_indirect_dma source(%dma_start3A_509 : memref<10000x128xf32, #tpu.memory_space<hbm>>) target(%arg15 : memref<40x128xf32, #tpu.memory_space<vmem>>) offsets(%dma_start3A_506 : memref<40xi32, #tpu.memory_space<vmem>>) semaphore(%arg24 : memref<!tpu.dma_semaphore, #tpu.memory_space<semaphore_mem>>)
    %barrier3A = arith.constant 0 : index
    tpu.barrier barrier_id(%barrier3A)
    %scan3A_510 = arith.constant 0 : i32
    %scan3A_511 = arith.constant 0 : i32
    %scan3A_512 = arith.constant 25 : i32
    %scan3A_513 = arith.addi %scan3A_511, %scan3A_512 : i32
    %scan3A_514 = arith.constant 1 : i32
    %scan3A_515 = scf.for %scan3A_518 = %scan3A_511 to %scan3A_513 step %scan3A_514 iter_args(%scan3A_519 = %scan3A_510) -> (i32)  : i32 {
      %mul3A_520 = arith.constant 2 : i32
      %mul3A_521 = arith.muli %mul3A_520, %scan3A_518 : i32
      %add3A_522 = arith.constant 0 : i32
      %add3A_523 = arith.addi %mul3A_521, %add3A_522 : i32
      %dma_wait3A_524 = arith.constant 0 : i32
      %dma_wait3A_525 = tpu.memref_slice %arg7[%dma_wait3A_524] : memref<200xi32, #tpu.memory_space<vmem>> -> memref<40xi32, #tpu.memory_space<vmem>>
      %dma_wait3A_526 = arith.constant 0 : i32
      %dma_wait3A_527 = arith.constant 0 : i32
      %dma_wait3A_528 = tpu.memref_slice %arg2[%dma_wait3A_526, %dma_wait3A_527] : memref<10000x128xf32, #tpu.memory_space<hbm>> -> memref<10000x128xf32, #tpu.memory_space<hbm>>
      tpu.wait_indirect_dma semaphore(%arg20 : memref<!tpu.dma_semaphore, #tpu.memory_space<semaphore_mem>>) src(%dma_wait3A_528 : memref<10000x128xf32, #tpu.memory_space<hbm>>) dst(%arg11 : memref<40x128xf32, #tpu.memory_space<vmem>>)
      %dma_start3A_529 = arith.constant 0 : i32
      %dma_start3A_530 = tpu.memref_slice %arg9[%dma_start3A_529] : memref<200xi32, #tpu.memory_space<vmem>> -> memref<40xi32, #tpu.memory_space<vmem>>
      %dma_start3A_531 = arith.constant 0 : i32
      %dma_start3A_532 = arith.constant 0 : i32
      %dma_start3A_533 = tpu.memref_slice %arg18[%dma_start3A_531, %dma_start3A_532] : memref<10240x128xf32, #tpu.memory_space<vmem_shared>> -> memref<10240x128xf32, #tpu.memory_space<vmem_shared>>
      tpu.enqueue_indirect_dma source(%arg11 : memref<40x128xf32, #tpu.memory_space<vmem>>) target(%dma_start3A_533 : memref<10240x128xf32, #tpu.memory_space<vmem_shared>>) offsets(%dma_start3A_530 : memref<40xi32, #tpu.memory_space<vmem>>) semaphore(%arg25 : memref<!tpu.dma_semaphore, #tpu.memory_space<semaphore_mem>>) {add = true}
      %dma_start3A_534 = arith.constant 0 : i32
      %dma_start3A_535 = tpu.memref_slice %arg16[%dma_start3A_534] : memref<48xf32, #tpu.memory_space<vmem>> -> memref<40xf32, #tpu.memory_space<vmem>>
      %dma_start3A_536 = arith.constant 0 : i32
      %dma_start3A_537 = tpu.memref_slice %arg9[%dma_start3A_536] : memref<200xi32, #tpu.memory_space<vmem>> -> memref<40xi32, #tpu.memory_space<vmem>>
      %dma_start3A_538 = arith.constant 0 : i32
      %dma_start3A_539 = tpu.memref_slice %arg19[%dma_start3A_538] : memref<10240xf32, #tpu.memory_space<vmem_shared>> -> memref<10240xf32, #tpu.memory_space<vmem_shared>>
      tpu.enqueue_indirect_dma source(%dma_start3A_535 : memref<40xf32, #tpu.memory_space<vmem>>) target(%dma_start3A_539 : memref<10240xf32, #tpu.memory_space<vmem_shared>>) offsets(%dma_start3A_537 : memref<40xi32, #tpu.memory_space<vmem>>) semaphore(%arg30 : memref<!tpu.dma_semaphore, #tpu.memory_space<semaphore_mem>>) {add = true}
      %dma_wait3A_540 = arith.constant 40 : i32
      %dma_wait3A_541 = tpu.memref_slice %arg7[%dma_wait3A_540] : memref<200xi32, #tpu.memory_space<vmem>> -> memref<40xi32, #tpu.memory_space<vmem>>
      %dma_wait3A_542 = arith.constant 0 : i32
      %dma_wait3A_543 = arith.constant 0 : i32
      %dma_wait3A_544 = tpu.memref_slice %arg2[%dma_wait3A_542, %dma_wait3A_543] : memref<10000x128xf32, #tpu.memory_space<hbm>> -> memref<10000x128xf32, #tpu.memory_space<hbm>>
      tpu.wait_indirect_dma semaphore(%arg21 : memref<!tpu.dma_semaphore, #tpu.memory_space<semaphore_mem>>) src(%dma_wait3A_544 : memref<10000x128xf32, #tpu.memory_space<hbm>>) dst(%arg12 : memref<40x128xf32, #tpu.memory_space<vmem>>)
      %dma_start3A_545 = arith.constant 40 : i32
      %dma_start3A_546 = tpu.memref_slice %arg9[%dma_start3A_545] : memref<200xi32, #tpu.memory_space<vmem>> -> memref<40xi32, #tpu.memory_space<vmem>>
      %dma_start3A_547 = arith.constant 0 : i32
      %dma_start3A_548 = arith.constant 0 : i32
      %dma_start3A_549 = tpu.memref_slice %arg18[%dma_start3A_547, %dma_start3A_548] : memref<10240x128xf32, #tpu.memory_space<vmem_shared>> -> memref<10240x128xf32, #tpu.memory_space<vmem_shared>>
      tpu.enqueue_indirect_dma source(%arg12 : memref<40x128xf32, #tpu.memory_space<vmem>>) target(%dma_start3A_549 : memref<10240x128xf32, #tpu.memory_space<vmem_shared>>) offsets(%dma_start3A_546 : memref<40xi32, #tpu.memory_space<vmem>>) semaphore(%arg26 : memref<!tpu.dma_semaphore, #tpu.memory_space<semaphore_mem>>) {add = true}
      %dma_start3A_550 = arith.constant 0 : i32
      %dma_start3A_551 = tpu.memref_slice %arg16[%dma_start3A_550] : memref<48xf32, #tpu.memory_space<vmem>> -> memref<40xf32, #tpu.memory_space<vmem>>
      %dma_start3A_552 = arith.constant 40 : i32
      %dma_start3A_553 = tpu.memref_slice %arg9[%dma_start3A_552] : memref<200xi32, #tpu.memory_space<vmem>> -> memref<40xi32, #tpu.memory_space<vmem>>
      %dma_start3A_554 = arith.constant 0 : i32
      %dma_start3A_555 = tpu.memref_slice %arg19[%dma_start3A_554] : memref<10240xf32, #tpu.memory_space<vmem_shared>> -> memref<10240xf32, #tpu.memory_space<vmem_shared>>
      tpu.enqueue_indirect_dma source(%dma_start3A_551 : memref<40xf32, #tpu.memory_space<vmem>>) target(%dma_start3A_555 : memref<10240xf32, #tpu.memory_space<vmem_shared>>) offsets(%dma_start3A_553 : memref<40xi32, #tpu.memory_space<vmem>>) semaphore(%arg31 : memref<!tpu.dma_semaphore, #tpu.memory_space<semaphore_mem>>) {add = true}
      %dma_wait3A_556 = arith.constant 80 : i32
      %dma_wait3A_557 = tpu.memref_slice %arg7[%dma_wait3A_556] : memref<200xi32, #tpu.memory_space<vmem>> -> memref<40xi32, #tpu.memory_space<vmem>>
      %dma_wait3A_558 = arith.constant 0 : i32
      %dma_wait3A_559 = arith.constant 0 : i32
      %dma_wait3A_560 = tpu.memref_slice %arg2[%dma_wait3A_558, %dma_wait3A_559] : memref<10000x128xf32, #tpu.memory_space<hbm>> -> memref<10000x128xf32, #tpu.memory_space<hbm>>
      tpu.wait_indirect_dma semaphore(%arg22 : memref<!tpu.dma_semaphore, #tpu.memory_space<semaphore_mem>>) src(%dma_wait3A_560 : memref<10000x128xf32, #tpu.memory_space<hbm>>) dst(%arg13 : memref<40x128xf32, #tpu.memory_space<vmem>>)
      %dma_start3A_561 = arith.constant 80 : i32
      %dma_start3A_562 = tpu.memref_slice %arg9[%dma_start3A_561] : memref<200xi32, #tpu.memory_space<vmem>> -> memref<40xi32, #tpu.memory_space<vmem>>
      %dma_start3A_563 = arith.constant 0 : i32
      %dma_start3A_564 = arith.constant 0 : i32
      %dma_start3A_565 = tpu.memref_slice %arg18[%dma_start3A_563, %dma_start3A_564] : memref<10240x128xf32, #tpu.memory_space<vmem_shared>> -> memref<10240x128xf32, #tpu.memory_space<vmem_shared>>
      tpu.enqueue_indirect_dma source(%arg13 : memref<40x128xf32, #tpu.memory_space<vmem>>) target(%dma_start3A_565 : memref<10240x128xf32, #tpu.memory_space<vmem_shared>>) offsets(%dma_start3A_562 : memref<40xi32, #tpu.memory_space<vmem>>) semaphore(%arg27 : memref<!tpu.dma_semaphore, #tpu.memory_space<semaphore_mem>>) {add = true}
      %dma_start3A_566 = arith.constant 0 : i32
      %dma_start3A_567 = tpu.memref_slice %arg16[%dma_start3A_566] : memref<48xf32, #tpu.memory_space<vmem>> -> memref<40xf32, #tpu.memory_space<vmem>>
      %dma_start3A_568 = arith.constant 80 : i32
      %dma_start3A_569 = tpu.memref_slice %arg9[%dma_start3A_568] : memref<200xi32, #tpu.memory_space<vmem>> -> memref<40xi32, #tpu.memory_space<vmem>>
      %dma_start3A_570 = arith.constant 0 : i32
      %dma_start3A_571 = tpu.memref_slice %arg19[%dma_start3A_570] : memref<10240xf32, #tpu.memory_space<vmem_shared>> -> memref<10240xf32, #tpu.memory_space<vmem_shared>>
      tpu.enqueue_indirect_dma source(%dma_start3A_567 : memref<40xf32, #tpu.memory_space<vmem>>) target(%dma_start3A_571 : memref<10240xf32, #tpu.memory_space<vmem_shared>>) offsets(%dma_start3A_569 : memref<40xi32, #tpu.memory_space<vmem>>) semaphore(%arg32 : memref<!tpu.dma_semaphore, #tpu.memory_space<semaphore_mem>>) {add = true}
      %dma_wait3A_572 = arith.constant 120 : i32
      %dma_wait3A_573 = tpu.memref_slice %arg7[%dma_wait3A_572] : memref<200xi32, #tpu.memory_space<vmem>> -> memref<40xi32, #tpu.memory_space<vmem>>
      %dma_wait3A_574 = arith.constant 0 : i32
      %dma_wait3A_575 = arith.constant 0 : i32
      %dma_wait3A_576 = tpu.memref_slice %arg2[%dma_wait3A_574, %dma_wait3A_575] : memref<10000x128xf32, #tpu.memory_space<hbm>> -> memref<10000x128xf32, #tpu.memory_space<hbm>>
      tpu.wait_indirect_dma semaphore(%arg23 : memref<!tpu.dma_semaphore, #tpu.memory_space<semaphore_mem>>) src(%dma_wait3A_576 : memref<10000x128xf32, #tpu.memory_space<hbm>>) dst(%arg14 : memref<40x128xf32, #tpu.memory_space<vmem>>)
      %dma_start3A_577 = arith.constant 120 : i32
      %dma_start3A_578 = tpu.memref_slice %arg9[%dma_start3A_577] : memref<200xi32, #tpu.memory_space<vmem>> -> memref<40xi32, #tpu.memory_space<vmem>>
      %dma_start3A_579 = arith.constant 0 : i32
      %dma_start3A_580 = arith.constant 0 : i32
      %dma_start3A_581 = tpu.memref_slice %arg18[%dma_start3A_579, %dma_start3A_580] : memref<10240x128xf32, #tpu.memory_space<vmem_shared>> -> memref<10240x128xf32, #tpu.memory_space<vmem_shared>>
      tpu.enqueue_indirect_dma source(%arg14 : memref<40x128xf32, #tpu.memory_space<vmem>>) target(%dma_start3A_581 : memref<10240x128xf32, #tpu.memory_space<vmem_shared>>) offsets(%dma_start3A_578 : memref<40xi32, #tpu.memory_space<vmem>>) semaphore(%arg28 : memref<!tpu.dma_semaphore, #tpu.memory_space<semaphore_mem>>) {add = true}
      %dma_start3A_582 = arith.constant 0 : i32
      %dma_start3A_583 = tpu.memref_slice %arg16[%dma_start3A_582] : memref<48xf32, #tpu.memory_space<vmem>> -> memref<40xf32, #tpu.memory_space<vmem>>
      %dma_start3A_584 = arith.constant 120 : i32
      %dma_start3A_585 = tpu.memref_slice %arg9[%dma_start3A_584] : memref<200xi32, #tpu.memory_space<vmem>> -> memref<40xi32, #tpu.memory_space<vmem>>
      %dma_start3A_586 = arith.constant 0 : i32
      %dma_start3A_587 = tpu.memref_slice %arg19[%dma_start3A_586] : memref<10240xf32, #tpu.memory_space<vmem_shared>> -> memref<10240xf32, #tpu.memory_space<vmem_shared>>
      tpu.enqueue_indirect_dma source(%dma_start3A_583 : memref<40xf32, #tpu.memory_space<vmem>>) target(%dma_start3A_587 : memref<10240xf32, #tpu.memory_space<vmem_shared>>) offsets(%dma_start3A_585 : memref<40xi32, #tpu.memory_space<vmem>>) semaphore(%arg33 : memref<!tpu.dma_semaphore, #tpu.memory_space<semaphore_mem>>) {add = true}
      %dma_wait3A_588 = arith.constant 160 : i32
      %dma_wait3A_589 = tpu.memref_slice %arg7[%dma_wait3A_588] : memref<200xi32, #tpu.memory_space<vmem>> -> memref<40xi32, #tpu.memory_space<vmem>>
      %dma_wait3A_590 = arith.constant 0 : i32
      %dma_wait3A_591 = arith.constant 0 : i32
      %dma_wait3A_592 = tpu.memref_slice %arg2[%dma_wait3A_590, %dma_wait3A_591] : memref<10000x128xf32, #tpu.memory_space<hbm>> -> memref<10000x128xf32, #tpu.memory_space<hbm>>
      tpu.wait_indirect_dma semaphore(%arg24 : memref<!tpu.dma_semaphore, #tpu.memory_space<semaphore_mem>>) src(%dma_wait3A_592 : memref<10000x128xf32, #tpu.memory_space<hbm>>) dst(%arg15 : memref<40x128xf32, #tpu.memory_space<vmem>>)
      %dma_start3A_593 = arith.constant 160 : i32
      %dma_start3A_594 = tpu.memref_slice %arg9[%dma_start3A_593] : memref<200xi32, #tpu.memory_space<vmem>> -> memref<40xi32, #tpu.memory_space<vmem>>
      %dma_start3A_595 = arith.constant 0 : i32
      %dma_start3A_596 = arith.constant 0 : i32
      %dma_start3A_597 = tpu.memref_slice %arg18[%dma_start3A_595, %dma_start3A_596] : memref<10240x128xf32, #tpu.memory_space<vmem_shared>> -> memref<10240x128xf32, #tpu.memory_space<vmem_shared>>
      tpu.enqueue_indirect_dma source(%arg15 : memref<40x128xf32, #tpu.memory_space<vmem>>) target(%dma_start3A_597 : memref<10240x128xf32, #tpu.memory_space<vmem_shared>>) offsets(%dma_start3A_594 : memref<40xi32, #tpu.memory_space<vmem>>) semaphore(%arg29 : memref<!tpu.dma_semaphore, #tpu.memory_space<semaphore_mem>>) {add = true}
      %dma_start3A_598 = arith.constant 0 : i32
      %dma_start3A_599 = tpu.memref_slice %arg16[%dma_start3A_598] : memref<48xf32, #tpu.memory_space<vmem>> -> memref<40xf32, #tpu.memory_space<vmem>>
      %dma_start3A_600 = arith.constant 160 : i32
      %dma_start3A_601 = tpu.memref_slice %arg9[%dma_start3A_600] : memref<200xi32, #tpu.memory_space<vmem>> -> memref<40xi32, #tpu.memory_space<vmem>>
      %dma_start3A_602 = arith.constant 0 : i32
      %dma_start3A_603 = tpu.memref_slice %arg19[%dma_start3A_602] : memref<10240xf32, #tpu.memory_space<vmem_shared>> -> memref<10240xf32, #tpu.memory_space<vmem_shared>>
      tpu.enqueue_indirect_dma source(%dma_start3A_599 : memref<40xf32, #tpu.memory_space<vmem>>) target(%dma_start3A_603 : memref<10240xf32, #tpu.memory_space<vmem_shared>>) offsets(%dma_start3A_601 : memref<40xi32, #tpu.memory_space<vmem>>) semaphore(%arg34 : memref<!tpu.dma_semaphore, #tpu.memory_space<semaphore_mem>>) {add = true}
      %lt3A = arith.constant 49 : i32
      %lt3A_604 = arith.cmpi slt, %add3A_523, %lt3A : i32
      %convert_element_type3A = arith.extui %lt3A_604 : i1 to i32
      %cond3A = arith.constant 0 : i32
      %cond3A_605 = arith.cmpi ne, %convert_element_type3A, %cond3A : i32
      scf.if %cond3A_605 {
        %add3A_866 = arith.constant 1 : i32
        %add3A_867 = arith.addi %add3A_523, %add3A_866 : i32
        %mul3A_868 = arith.constant 5 : i32
        %mul3A_869 = arith.muli %add3A_867, %mul3A_868 : i32
        %mul3A_870 = arith.constant 40 : i32
        %mul3A_871 = arith.muli %mul3A_869, %mul3A_870 : i32
        %add3A_872 = arith.addi %mul3A_2, %mul3A_871 : i32
        %dma_wait3A_873 = tpu.memref_slice %arg3[%add3A_872] : memref<320000xi32, #tpu.memory_space<hbm>> -> memref<200xi32, #tpu.memory_space<hbm>>
        %dma_wait3A_874 = tpu.memref_slice %arg3[%add3A_872] : memref<320000xi32, #tpu.memory_space<hbm>> -> memref<200xi32, #tpu.memory_space<hbm>>
        tpu.wait_dma2 semaphore(%arg36 : memref<!tpu.dma_semaphore, #tpu.memory_space<semaphore_mem>>) src(%dma_wait3A_874 : memref<200xi32, #tpu.memory_space<hbm>>) dst(%arg8 : memref<200xi32, #tpu.memory_space<vmem>>)
        %mul3A_875 = arith.constant 5 : i32
        %mul3A_876 = arith.muli %add3A_867, %mul3A_875 : i32
        %mul3A_877 = arith.constant 40 : i32
        %mul3A_878 = arith.muli %mul3A_876, %mul3A_877 : i32
        %add3A_879 = arith.addi %mul3A_2, %mul3A_878 : i32
        %dma_wait3A_880 = tpu.memref_slice %arg4[%add3A_879] : memref<320000xi32, #tpu.memory_space<hbm>> -> memref<200xi32, #tpu.memory_space<hbm>>
        %dma_wait3A_881 = tpu.memref_slice %arg4[%add3A_879] : memref<320000xi32, #tpu.memory_space<hbm>> -> memref<200xi32, #tpu.memory_space<hbm>>
        tpu.wait_dma2 semaphore(%arg38 : memref<!tpu.dma_semaphore, #tpu.memory_space<semaphore_mem>>) src(%dma_wait3A_881 : memref<200xi32, #tpu.memory_space<hbm>>) dst(%arg10 : memref<200xi32, #tpu.memory_space<vmem>>)
      } else {
      }
      %dma_wait3A_606 = arith.constant 0 : i32
      %dma_wait3A_607 = tpu.memref_slice %arg9[%dma_wait3A_606] : memref<200xi32, #tpu.memory_space<vmem>> -> memref<40xi32, #tpu.memory_space<vmem>>
      %dma_wait3A_608 = arith.constant 0 : i32
      %dma_wait3A_609 = arith.constant 0 : i32
      %dma_wait3A_610 = tpu.memref_slice %arg18[%dma_wait3A_608, %dma_wait3A_609] : memref<10240x128xf32, #tpu.memory_space<vmem_shared>> -> memref<10240x128xf32, #tpu.memory_space<vmem_shared>>
      tpu.wait_indirect_dma semaphore(%arg25 : memref<!tpu.dma_semaphore, #tpu.memory_space<semaphore_mem>>) src(%arg11 : memref<40x128xf32, #tpu.memory_space<vmem>>) dst(%dma_wait3A_610 : memref<10240x128xf32, #tpu.memory_space<vmem_shared>>)
      %dma_wait3A_611 = arith.constant 0 : i32
      %dma_wait3A_612 = tpu.memref_slice %arg16[%dma_wait3A_611] : memref<48xf32, #tpu.memory_space<vmem>> -> memref<40xf32, #tpu.memory_space<vmem>>
      %dma_wait3A_613 = arith.constant 0 : i32
      %dma_wait3A_614 = tpu.memref_slice %arg9[%dma_wait3A_613] : memref<200xi32, #tpu.memory_space<vmem>> -> memref<40xi32, #tpu.memory_space<vmem>>
      %dma_wait3A_615 = arith.constant 0 : i32
      %dma_wait3A_616 = tpu.memref_slice %arg19[%dma_wait3A_615] : memref<10240xf32, #tpu.memory_space<vmem_shared>> -> memref<10240xf32, #tpu.memory_space<vmem_shared>>
      tpu.wait_indirect_dma semaphore(%arg30 : memref<!tpu.dma_semaphore, #tpu.memory_space<semaphore_mem>>) src(%dma_wait3A_612 : memref<40xf32, #tpu.memory_space<vmem>>) dst(%dma_wait3A_616 : memref<10240xf32, #tpu.memory_space<vmem_shared>>)
      %lt3A_617 = arith.constant 49 : i32
      %lt3A_618 = arith.cmpi slt, %add3A_523, %lt3A_617 : i32
      %convert_element_type3A_619 = arith.extui %lt3A_618 : i1 to i32
      %cond3A_620 = arith.constant 0 : i32
      %cond3A_621 = arith.cmpi ne, %convert_element_type3A_619, %cond3A_620 : i32
      scf.if %cond3A_621 {
        %dma_start3A_866 = arith.constant 0 : i32
        %dma_start3A_867 = tpu.memref_slice %arg8[%dma_start3A_866] : memref<200xi32, #tpu.memory_space<vmem>> -> memref<40xi32, #tpu.memory_space<vmem>>
        %dma_start3A_868 = arith.constant 0 : i32
        %dma_start3A_869 = arith.constant 0 : i32
        %dma_start3A_870 = tpu.memref_slice %arg2[%dma_start3A_868, %dma_start3A_869] : memref<10000x128xf32, #tpu.memory_space<hbm>> -> memref<10000x128xf32, #tpu.memory_space<hbm>>
        tpu.enqueue_indirect_dma source(%dma_start3A_870 : memref<10000x128xf32, #tpu.memory_space<hbm>>) target(%arg11 : memref<40x128xf32, #tpu.memory_space<vmem>>) offsets(%dma_start3A_867 : memref<40xi32, #tpu.memory_space<vmem>>) semaphore(%arg20 : memref<!tpu.dma_semaphore, #tpu.memory_space<semaphore_mem>>)
      } else {
      }
      %dma_wait3A_622 = arith.constant 40 : i32
      %dma_wait3A_623 = tpu.memref_slice %arg9[%dma_wait3A_622] : memref<200xi32, #tpu.memory_space<vmem>> -> memref<40xi32, #tpu.memory_space<vmem>>
      %dma_wait3A_624 = arith.constant 0 : i32
      %dma_wait3A_625 = arith.constant 0 : i32
      %dma_wait3A_626 = tpu.memref_slice %arg18[%dma_wait3A_624, %dma_wait3A_625] : memref<10240x128xf32, #tpu.memory_space<vmem_shared>> -> memref<10240x128xf32, #tpu.memory_space<vmem_shared>>
      tpu.wait_indirect_dma semaphore(%arg26 : memref<!tpu.dma_semaphore, #tpu.memory_space<semaphore_mem>>) src(%arg12 : memref<40x128xf32, #tpu.memory_space<vmem>>) dst(%dma_wait3A_626 : memref<10240x128xf32, #tpu.memory_space<vmem_shared>>)
      %dma_wait3A_627 = arith.constant 0 : i32
      %dma_wait3A_628 = tpu.memref_slice %arg16[%dma_wait3A_627] : memref<48xf32, #tpu.memory_space<vmem>> -> memref<40xf32, #tpu.memory_space<vmem>>
      %dma_wait3A_629 = arith.constant 40 : i32
      %dma_wait3A_630 = tpu.memref_slice %arg9[%dma_wait3A_629] : memref<200xi32, #tpu.memory_space<vmem>> -> memref<40xi32, #tpu.memory_space<vmem>>
      %dma_wait3A_631 = arith.constant 0 : i32
      %dma_wait3A_632 = tpu.memref_slice %arg19[%dma_wait3A_631] : memref<10240xf32, #tpu.memory_space<vmem_shared>> -> memref<10240xf32, #tpu.memory_space<vmem_shared>>
      tpu.wait_indirect_dma semaphore(%arg31 : memref<!tpu.dma_semaphore, #tpu.memory_space<semaphore_mem>>) src(%dma_wait3A_628 : memref<40xf32, #tpu.memory_space<vmem>>) dst(%dma_wait3A_632 : memref<10240xf32, #tpu.memory_space<vmem_shared>>)
      %lt3A_633 = arith.constant 49 : i32
      %lt3A_634 = arith.cmpi slt, %add3A_523, %lt3A_633 : i32
      %convert_element_type3A_635 = arith.extui %lt3A_634 : i1 to i32
      %cond3A_636 = arith.constant 0 : i32
      %cond3A_637 = arith.cmpi ne, %convert_element_type3A_635, %cond3A_636 : i32
      scf.if %cond3A_637 {
        %dma_start3A_866 = arith.constant 40 : i32
        %dma_start3A_867 = tpu.memref_slice %arg8[%dma_start3A_866] : memref<200xi32, #tpu.memory_space<vmem>> -> memref<40xi32, #tpu.memory_space<vmem>>
        %dma_start3A_868 = arith.constant 0 : i32
        %dma_start3A_869 = arith.constant 0 : i32
        %dma_start3A_870 = tpu.memref_slice %arg2[%dma_start3A_868, %dma_start3A_869] : memref<10000x128xf32, #tpu.memory_space<hbm>> -> memref<10000x128xf32, #tpu.memory_space<hbm>>
        tpu.enqueue_indirect_dma source(%dma_start3A_870 : memref<10000x128xf32, #tpu.memory_space<hbm>>) target(%arg12 : memref<40x128xf32, #tpu.memory_space<vmem>>) offsets(%dma_start3A_867 : memref<40xi32, #tpu.memory_space<vmem>>) semaphore(%arg21 : memref<!tpu.dma_semaphore, #tpu.memory_space<semaphore_mem>>)
      } else {
      }
      %dma_wait3A_638 = arith.constant 80 : i32
      %dma_wait3A_639 = tpu.memref_slice %arg9[%dma_wait3A_638] : memref<200xi32, #tpu.memory_space<vmem>> -> memref<40xi32, #tpu.memory_space<vmem>>
      %dma_wait3A_640 = arith.constant 0 : i32
      %dma_wait3A_641 = arith.constant 0 : i32
      %dma_wait3A_642 = tpu.memref_slice %arg18[%dma_wait3A_640, %dma_wait3A_641] : memref<10240x128xf32, #tpu.memory_space<vmem_shared>> -> memref<10240x128xf32, #tpu.memory_space<vmem_shared>>
      tpu.wait_indirect_dma semaphore(%arg27 : memref<!tpu.dma_semaphore, #tpu.memory_space<semaphore_mem>>) src(%arg13 : memref<40x128xf32, #tpu.memory_space<vmem>>) dst(%dma_wait3A_642 : memref<10240x128xf32, #tpu.memory_space<vmem_shared>>)
      %dma_wait3A_643 = arith.constant 0 : i32
      %dma_wait3A_644 = tpu.memref_slice %arg16[%dma_wait3A_643] : memref<48xf32, #tpu.memory_space<vmem>> -> memref<40xf32, #tpu.memory_space<vmem>>
      %dma_wait3A_645 = arith.constant 80 : i32
      %dma_wait3A_646 = tpu.memref_slice %arg9[%dma_wait3A_645] : memref<200xi32, #tpu.memory_space<vmem>> -> memref<40xi32, #tpu.memory_space<vmem>>
      %dma_wait3A_647 = arith.constant 0 : i32
      %dma_wait3A_648 = tpu.memref_slice %arg19[%dma_wait3A_647] : memref<10240xf32, #tpu.memory_space<vmem_shared>> -> memref<10240xf32, #tpu.memory_space<vmem_shared>>
      tpu.wait_indirect_dma semaphore(%arg32 : memref<!tpu.dma_semaphore, #tpu.memory_space<semaphore_mem>>) src(%dma_wait3A_644 : memref<40xf32, #tpu.memory_space<vmem>>) dst(%dma_wait3A_648 : memref<10240xf32, #tpu.memory_space<vmem_shared>>)
      %lt3A_649 = arith.constant 49 : i32
      %lt3A_650 = arith.cmpi slt, %add3A_523, %lt3A_649 : i32
      %convert_element_type3A_651 = arith.extui %lt3A_650 : i1 to i32
      %cond3A_652 = arith.constant 0 : i32
      %cond3A_653 = arith.cmpi ne, %convert_element_type3A_651, %cond3A_652 : i32
      scf.if %cond3A_653 {
        %dma_start3A_866 = arith.constant 80 : i32
        %dma_start3A_867 = tpu.memref_slice %arg8[%dma_start3A_866] : memref<200xi32, #tpu.memory_space<vmem>> -> memref<40xi32, #tpu.memory_space<vmem>>
        %dma_start3A_868 = arith.constant 0 : i32
        %dma_start3A_869 = arith.constant 0 : i32
        %dma_start3A_870 = tpu.memref_slice %arg2[%dma_start3A_868, %dma_start3A_869] : memref<10000x128xf32, #tpu.memory_space<hbm>> -> memref<10000x128xf32, #tpu.memory_space<hbm>>
        tpu.enqueue_indirect_dma source(%dma_start3A_870 : memref<10000x128xf32, #tpu.memory_space<hbm>>) target(%arg13 : memref<40x128xf32, #tpu.memory_space<vmem>>) offsets(%dma_start3A_867 : memref<40xi32, #tpu.memory_space<vmem>>) semaphore(%arg22 : memref<!tpu.dma_semaphore, #tpu.memory_space<semaphore_mem>>)
      } else {
      }
      %dma_wait3A_654 = arith.constant 120 : i32
      %dma_wait3A_655 = tpu.memref_slice %arg9[%dma_wait3A_654] : memref<200xi32, #tpu.memory_space<vmem>> -> memref<40xi32, #tpu.memory_space<vmem>>
      %dma_wait3A_656 = arith.constant 0 : i32
      %dma_wait3A_657 = arith.constant 0 : i32
      %dma_wait3A_658 = tpu.memref_slice %arg18[%dma_wait3A_656, %dma_wait3A_657] : memref<10240x128xf32, #tpu.memory_space<vmem_shared>> -> memref<10240x128xf32, #tpu.memory_space<vmem_shared>>
      tpu.wait_indirect_dma semaphore(%arg28 : memref<!tpu.dma_semaphore, #tpu.memory_space<semaphore_mem>>) src(%arg14 : memref<40x128xf32, #tpu.memory_space<vmem>>) dst(%dma_wait3A_658 : memref<10240x128xf32, #tpu.memory_space<vmem_shared>>)
      %dma_wait3A_659 = arith.constant 0 : i32
      %dma_wait3A_660 = tpu.memref_slice %arg16[%dma_wait3A_659] : memref<48xf32, #tpu.memory_space<vmem>> -> memref<40xf32, #tpu.memory_space<vmem>>
      %dma_wait3A_661 = arith.constant 120 : i32
      %dma_wait3A_662 = tpu.memref_slice %arg9[%dma_wait3A_661] : memref<200xi32, #tpu.memory_space<vmem>> -> memref<40xi32, #tpu.memory_space<vmem>>
      %dma_wait3A_663 = arith.constant 0 : i32
      %dma_wait3A_664 = tpu.memref_slice %arg19[%dma_wait3A_663] : memref<10240xf32, #tpu.memory_space<vmem_shared>> -> memref<10240xf32, #tpu.memory_space<vmem_shared>>
      tpu.wait_indirect_dma semaphore(%arg33 : memref<!tpu.dma_semaphore, #tpu.memory_space<semaphore_mem>>) src(%dma_wait3A_660 : memref<40xf32, #tpu.memory_space<vmem>>) dst(%dma_wait3A_664 : memref<10240xf32, #tpu.memory_space<vmem_shared>>)
      %lt3A_665 = arith.constant 49 : i32
      %lt3A_666 = arith.cmpi slt, %add3A_523, %lt3A_665 : i32
      %convert_element_type3A_667 = arith.extui %lt3A_666 : i1 to i32
      %cond3A_668 = arith.constant 0 : i32
      %cond3A_669 = arith.cmpi ne, %convert_element_type3A_667, %cond3A_668 : i32
      scf.if %cond3A_669 {
        %dma_start3A_866 = arith.constant 120 : i32
        %dma_start3A_867 = tpu.memref_slice %arg8[%dma_start3A_866] : memref<200xi32, #tpu.memory_space<vmem>> -> memref<40xi32, #tpu.memory_space<vmem>>
        %dma_start3A_868 = arith.constant 0 : i32
        %dma_start3A_869 = arith.constant 0 : i32
        %dma_start3A_870 = tpu.memref_slice %arg2[%dma_start3A_868, %dma_start3A_869] : memref<10000x128xf32, #tpu.memory_space<hbm>> -> memref<10000x128xf32, #tpu.memory_space<hbm>>
        tpu.enqueue_indirect_dma source(%dma_start3A_870 : memref<10000x128xf32, #tpu.memory_space<hbm>>) target(%arg14 : memref<40x128xf32, #tpu.memory_space<vmem>>) offsets(%dma_start3A_867 : memref<40xi32, #tpu.memory_space<vmem>>) semaphore(%arg23 : memref<!tpu.dma_semaphore, #tpu.memory_space<semaphore_mem>>)
      } else {
      }
      %dma_wait3A_670 = arith.constant 160 : i32
      %dma_wait3A_671 = tpu.memref_slice %arg9[%dma_wait3A_670] : memref<200xi32, #tpu.memory_space<vmem>> -> memref<40xi32, #tpu.memory_space<vmem>>
      %dma_wait3A_672 = arith.constant 0 : i32
      %dma_wait3A_673 = arith.constant 0 : i32
      %dma_wait3A_674 = tpu.memref_slice %arg18[%dma_wait3A_672, %dma_wait3A_673] : memref<10240x128xf32, #tpu.memory_space<vmem_shared>> -> memref<10240x128xf32, #tpu.memory_space<vmem_shared>>
      tpu.wait_indirect_dma semaphore(%arg29 : memref<!tpu.dma_semaphore, #tpu.memory_space<semaphore_mem>>) src(%arg15 : memref<40x128xf32, #tpu.memory_space<vmem>>) dst(%dma_wait3A_674 : memref<10240x128xf32, #tpu.memory_space<vmem_shared>>)
      %dma_wait3A_675 = arith.constant 0 : i32
      %dma_wait3A_676 = tpu.memref_slice %arg16[%dma_wait3A_675] : memref<48xf32, #tpu.memory_space<vmem>> -> memref<40xf32, #tpu.memory_space<vmem>>
      %dma_wait3A_677 = arith.constant 160 : i32
      %dma_wait3A_678 = tpu.memref_slice %arg9[%dma_wait3A_677] : memref<200xi32, #tpu.memory_space<vmem>> -> memref<40xi32, #tpu.memory_space<vmem>>
      %dma_wait3A_679 = arith.constant 0 : i32
      %dma_wait3A_680 = tpu.memref_slice %arg19[%dma_wait3A_679] : memref<10240xf32, #tpu.memory_space<vmem_shared>> -> memref<10240xf32, #tpu.memory_space<vmem_shared>>
      tpu.wait_indirect_dma semaphore(%arg34 : memref<!tpu.dma_semaphore, #tpu.memory_space<semaphore_mem>>) src(%dma_wait3A_676 : memref<40xf32, #tpu.memory_space<vmem>>) dst(%dma_wait3A_680 : memref<10240xf32, #tpu.memory_space<vmem_shared>>)
      %lt3A_681 = arith.constant 49 : i32
      %lt3A_682 = arith.cmpi slt, %add3A_523, %lt3A_681 : i32
      %convert_element_type3A_683 = arith.extui %lt3A_682 : i1 to i32
      %cond3A_684 = arith.constant 0 : i32
      %cond3A_685 = arith.cmpi ne, %convert_element_type3A_683, %cond3A_684 : i32
      scf.if %cond3A_685 {
        %dma_start3A_866 = arith.constant 160 : i32
        %dma_start3A_867 = tpu.memref_slice %arg8[%dma_start3A_866] : memref<200xi32, #tpu.memory_space<vmem>> -> memref<40xi32, #tpu.memory_space<vmem>>
        %dma_start3A_868 = arith.constant 0 : i32
        %dma_start3A_869 = arith.constant 0 : i32
        %dma_start3A_870 = tpu.memref_slice %arg2[%dma_start3A_868, %dma_start3A_869] : memref<10000x128xf32, #tpu.memory_space<hbm>> -> memref<10000x128xf32, #tpu.memory_space<hbm>>
        tpu.enqueue_indirect_dma source(%dma_start3A_870 : memref<10000x128xf32, #tpu.memory_space<hbm>>) target(%arg15 : memref<40x128xf32, #tpu.memory_space<vmem>>) offsets(%dma_start3A_867 : memref<40xi32, #tpu.memory_space<vmem>>) semaphore(%arg24 : memref<!tpu.dma_semaphore, #tpu.memory_space<semaphore_mem>>)
      } else {
      }
      %lt3A_686 = arith.constant 48 : i32
      %lt3A_687 = arith.cmpi slt, %add3A_523, %lt3A_686 : i32
      %convert_element_type3A_688 = arith.extui %lt3A_687 : i1 to i32
      %cond3A_689 = arith.constant 0 : i32
      %cond3A_690 = arith.cmpi ne, %convert_element_type3A_688, %cond3A_689 : i32
      scf.if %cond3A_690 {
        %add3A_866 = arith.constant 2 : i32
        %add3A_867 = arith.addi %add3A_523, %add3A_866 : i32
        %mul3A_868 = arith.constant 5 : i32
        %mul3A_869 = arith.muli %add3A_867, %mul3A_868 : i32
        %mul3A_870 = arith.constant 40 : i32
        %mul3A_871 = arith.muli %mul3A_869, %mul3A_870 : i32
        %add3A_872 = arith.addi %mul3A_2, %mul3A_871 : i32
        %mul3A_873 = arith.constant 5 : i32
        %mul3A_874 = arith.muli %add3A_867, %mul3A_873 : i32
        %mul3A_875 = arith.constant 40 : i32
        %mul3A_876 = arith.muli %mul3A_874, %mul3A_875 : i32
        %add3A_877 = arith.addi %mul3A_2, %mul3A_876 : i32
        %dma_start3A_878 = tpu.memref_slice %arg3[%add3A_872] : memref<320000xi32, #tpu.memory_space<hbm>> -> memref<200xi32, #tpu.memory_space<hbm>>
        %dma_start3A_879 = tpu.memref_slice %arg3[%add3A_872] : memref<320000xi32, #tpu.memory_space<hbm>> -> memref<200xi32, #tpu.memory_space<hbm>>
        tpu.enqueue_dma source(%dma_start3A_879 : memref<200xi32, #tpu.memory_space<hbm>>) target(%arg7 : memref<200xi32, #tpu.memory_space<vmem>>) target_semaphore(%arg35 : memref<!tpu.dma_semaphore, #tpu.memory_space<semaphore_mem>>)
        %dma_start3A_880 = tpu.memref_slice %arg4[%add3A_877] : memref<320000xi32, #tpu.memory_space<hbm>> -> memref<200xi32, #tpu.memory_space<hbm>>
        %dma_start3A_881 = tpu.memref_slice %arg4[%add3A_877] : memref<320000xi32, #tpu.memory_space<hbm>> -> memref<200xi32, #tpu.memory_space<hbm>>
        tpu.enqueue_dma source(%dma_start3A_881 : memref<200xi32, #tpu.memory_space<hbm>>) target(%arg9 : memref<200xi32, #tpu.memory_space<vmem>>) target_semaphore(%arg37 : memref<!tpu.dma_semaphore, #tpu.memory_space<semaphore_mem>>)
      } else {
      }
      %mul3A_691 = arith.constant 2 : i32
      %mul3A_692 = arith.muli %mul3A_691, %scan3A_518 : i32
      %add3A_693 = arith.constant 1 : i32
      %add3A_694 = arith.addi %mul3A_692, %add3A_693 : i32
      %dma_wait3A_695 = arith.constant 0 : i32
      %dma_wait3A_696 = tpu.memref_slice %arg8[%dma_wait3A_695] : memref<200xi32, #tpu.memory_space<vmem>> -> memref<40xi32, #tpu.memory_space<vmem>>
      %dma_wait3A_697 = arith.constant 0 : i32
      %dma_wait3A_698 = arith.constant 0 : i32
      %dma_wait3A_699 = tpu.memref_slice %arg2[%dma_wait3A_697, %dma_wait3A_698] : memref<10000x128xf32, #tpu.memory_space<hbm>> -> memref<10000x128xf32, #tpu.memory_space<hbm>>
      tpu.wait_indirect_dma semaphore(%arg20 : memref<!tpu.dma_semaphore, #tpu.memory_space<semaphore_mem>>) src(%dma_wait3A_699 : memref<10000x128xf32, #tpu.memory_space<hbm>>) dst(%arg11 : memref<40x128xf32, #tpu.memory_space<vmem>>)
      %dma_start3A_700 = arith.constant 0 : i32
      %dma_start3A_701 = tpu.memref_slice %arg10[%dma_start3A_700] : memref<200xi32, #tpu.memory_space<vmem>> -> memref<40xi32, #tpu.memory_space<vmem>>
      %dma_start3A_702 = arith.constant 0 : i32
      %dma_start3A_703 = arith.constant 0 : i32
      %dma_start3A_704 = tpu.memref_slice %arg18[%dma_start3A_702, %dma_start3A_703] : memref<10240x128xf32, #tpu.memory_space<vmem_shared>> -> memref<10240x128xf32, #tpu.memory_space<vmem_shared>>
      tpu.enqueue_indirect_dma source(%arg11 : memref<40x128xf32, #tpu.memory_space<vmem>>) target(%dma_start3A_704 : memref<10240x128xf32, #tpu.memory_space<vmem_shared>>) offsets(%dma_start3A_701 : memref<40xi32, #tpu.memory_space<vmem>>) semaphore(%arg25 : memref<!tpu.dma_semaphore, #tpu.memory_space<semaphore_mem>>) {add = true}
      %dma_start3A_705 = arith.constant 0 : i32
      %dma_start3A_706 = tpu.memref_slice %arg16[%dma_start3A_705] : memref<48xf32, #tpu.memory_space<vmem>> -> memref<40xf32, #tpu.memory_space<vmem>>
      %dma_start3A_707 = arith.constant 0 : i32
      %dma_start3A_708 = tpu.memref_slice %arg10[%dma_start3A_707] : memref<200xi32, #tpu.memory_space<vmem>> -> memref<40xi32, #tpu.memory_space<vmem>>
      %dma_start3A_709 = arith.constant 0 : i32
      %dma_start3A_710 = tpu.memref_slice %arg19[%dma_start3A_709] : memref<10240xf32, #tpu.memory_space<vmem_shared>> -> memref<10240xf32, #tpu.memory_space<vmem_shared>>
      tpu.enqueue_indirect_dma source(%dma_start3A_706 : memref<40xf32, #tpu.memory_space<vmem>>) target(%dma_start3A_710 : memref<10240xf32, #tpu.memory_space<vmem_shared>>) offsets(%dma_start3A_708 : memref<40xi32, #tpu.memory_space<vmem>>) semaphore(%arg30 : memref<!tpu.dma_semaphore, #tpu.memory_space<semaphore_mem>>) {add = true}
      %dma_wait3A_711 = arith.constant 40 : i32
      %dma_wait3A_712 = tpu.memref_slice %arg8[%dma_wait3A_711] : memref<200xi32, #tpu.memory_space<vmem>> -> memref<40xi32, #tpu.memory_space<vmem>>
      %dma_wait3A_713 = arith.constant 0 : i32
      %dma_wait3A_714 = arith.constant 0 : i32
      %dma_wait3A_715 = tpu.memref_slice %arg2[%dma_wait3A_713, %dma_wait3A_714] : memref<10000x128xf32, #tpu.memory_space<hbm>> -> memref<10000x128xf32, #tpu.memory_space<hbm>>
      tpu.wait_indirect_dma semaphore(%arg21 : memref<!tpu.dma_semaphore, #tpu.memory_space<semaphore_mem>>) src(%dma_wait3A_715 : memref<10000x128xf32, #tpu.memory_space<hbm>>) dst(%arg12 : memref<40x128xf32, #tpu.memory_space<vmem>>)
      %dma_start3A_716 = arith.constant 40 : i32
      %dma_start3A_717 = tpu.memref_slice %arg10[%dma_start3A_716] : memref<200xi32, #tpu.memory_space<vmem>> -> memref<40xi32, #tpu.memory_space<vmem>>
      %dma_start3A_718 = arith.constant 0 : i32
      %dma_start3A_719 = arith.constant 0 : i32
      %dma_start3A_720 = tpu.memref_slice %arg18[%dma_start3A_718, %dma_start3A_719] : memref<10240x128xf32, #tpu.memory_space<vmem_shared>> -> memref<10240x128xf32, #tpu.memory_space<vmem_shared>>
      tpu.enqueue_indirect_dma source(%arg12 : memref<40x128xf32, #tpu.memory_space<vmem>>) target(%dma_start3A_720 : memref<10240x128xf32, #tpu.memory_space<vmem_shared>>) offsets(%dma_start3A_717 : memref<40xi32, #tpu.memory_space<vmem>>) semaphore(%arg26 : memref<!tpu.dma_semaphore, #tpu.memory_space<semaphore_mem>>) {add = true}
      %dma_start3A_721 = arith.constant 0 : i32
      %dma_start3A_722 = tpu.memref_slice %arg16[%dma_start3A_721] : memref<48xf32, #tpu.memory_space<vmem>> -> memref<40xf32, #tpu.memory_space<vmem>>
      %dma_start3A_723 = arith.constant 40 : i32
      %dma_start3A_724 = tpu.memref_slice %arg10[%dma_start3A_723] : memref<200xi32, #tpu.memory_space<vmem>> -> memref<40xi32, #tpu.memory_space<vmem>>
      %dma_start3A_725 = arith.constant 0 : i32
      %dma_start3A_726 = tpu.memref_slice %arg19[%dma_start3A_725] : memref<10240xf32, #tpu.memory_space<vmem_shared>> -> memref<10240xf32, #tpu.memory_space<vmem_shared>>
      tpu.enqueue_indirect_dma source(%dma_start3A_722 : memref<40xf32, #tpu.memory_space<vmem>>) target(%dma_start3A_726 : memref<10240xf32, #tpu.memory_space<vmem_shared>>) offsets(%dma_start3A_724 : memref<40xi32, #tpu.memory_space<vmem>>) semaphore(%arg31 : memref<!tpu.dma_semaphore, #tpu.memory_space<semaphore_mem>>) {add = true}
      %dma_wait3A_727 = arith.constant 80 : i32
      %dma_wait3A_728 = tpu.memref_slice %arg8[%dma_wait3A_727] : memref<200xi32, #tpu.memory_space<vmem>> -> memref<40xi32, #tpu.memory_space<vmem>>
      %dma_wait3A_729 = arith.constant 0 : i32
      %dma_wait3A_730 = arith.constant 0 : i32
      %dma_wait3A_731 = tpu.memref_slice %arg2[%dma_wait3A_729, %dma_wait3A_730] : memref<10000x128xf32, #tpu.memory_space<hbm>> -> memref<10000x128xf32, #tpu.memory_space<hbm>>
      tpu.wait_indirect_dma semaphore(%arg22 : memref<!tpu.dma_semaphore, #tpu.memory_space<semaphore_mem>>) src(%dma_wait3A_731 : memref<10000x128xf32, #tpu.memory_space<hbm>>) dst(%arg13 : memref<40x128xf32, #tpu.memory_space<vmem>>)
      %dma_start3A_732 = arith.constant 80 : i32
      %dma_start3A_733 = tpu.memref_slice %arg10[%dma_start3A_732] : memref<200xi32, #tpu.memory_space<vmem>> -> memref<40xi32, #tpu.memory_space<vmem>>
      %dma_start3A_734 = arith.constant 0 : i32
      %dma_start3A_735 = arith.constant 0 : i32
      %dma_start3A_736 = tpu.memref_slice %arg18[%dma_start3A_734, %dma_start3A_735] : memref<10240x128xf32, #tpu.memory_space<vmem_shared>> -> memref<10240x128xf32, #tpu.memory_space<vmem_shared>>
      tpu.enqueue_indirect_dma source(%arg13 : memref<40x128xf32, #tpu.memory_space<vmem>>) target(%dma_start3A_736 : memref<10240x128xf32, #tpu.memory_space<vmem_shared>>) offsets(%dma_start3A_733 : memref<40xi32, #tpu.memory_space<vmem>>) semaphore(%arg27 : memref<!tpu.dma_semaphore, #tpu.memory_space<semaphore_mem>>) {add = true}
      %dma_start3A_737 = arith.constant 0 : i32
      %dma_start3A_738 = tpu.memref_slice %arg16[%dma_start3A_737] : memref<48xf32, #tpu.memory_space<vmem>> -> memref<40xf32, #tpu.memory_space<vmem>>
      %dma_start3A_739 = arith.constant 80 : i32
      %dma_start3A_740 = tpu.memref_slice %arg10[%dma_start3A_739] : memref<200xi32, #tpu.memory_space<vmem>> -> memref<40xi32, #tpu.memory_space<vmem>>
      %dma_start3A_741 = arith.constant 0 : i32
      %dma_start3A_742 = tpu.memref_slice %arg19[%dma_start3A_741] : memref<10240xf32, #tpu.memory_space<vmem_shared>> -> memref<10240xf32, #tpu.memory_space<vmem_shared>>
      tpu.enqueue_indirect_dma source(%dma_start3A_738 : memref<40xf32, #tpu.memory_space<vmem>>) target(%dma_start3A_742 : memref<10240xf32, #tpu.memory_space<vmem_shared>>) offsets(%dma_start3A_740 : memref<40xi32, #tpu.memory_space<vmem>>) semaphore(%arg32 : memref<!tpu.dma_semaphore, #tpu.memory_space<semaphore_mem>>) {add = true}
      %dma_wait3A_743 = arith.constant 120 : i32
      %dma_wait3A_744 = tpu.memref_slice %arg8[%dma_wait3A_743] : memref<200xi32, #tpu.memory_space<vmem>> -> memref<40xi32, #tpu.memory_space<vmem>>
      %dma_wait3A_745 = arith.constant 0 : i32
      %dma_wait3A_746 = arith.constant 0 : i32
      %dma_wait3A_747 = tpu.memref_slice %arg2[%dma_wait3A_745, %dma_wait3A_746] : memref<10000x128xf32, #tpu.memory_space<hbm>> -> memref<10000x128xf32, #tpu.memory_space<hbm>>
      tpu.wait_indirect_dma semaphore(%arg23 : memref<!tpu.dma_semaphore, #tpu.memory_space<semaphore_mem>>) src(%dma_wait3A_747 : memref<10000x128xf32, #tpu.memory_space<hbm>>) dst(%arg14 : memref<40x128xf32, #tpu.memory_space<vmem>>)
      %dma_start3A_748 = arith.constant 120 : i32
      %dma_start3A_749 = tpu.memref_slice %arg10[%dma_start3A_748] : memref<200xi32, #tpu.memory_space<vmem>> -> memref<40xi32, #tpu.memory_space<vmem>>
      %dma_start3A_750 = arith.constant 0 : i32
      %dma_start3A_751 = arith.constant 0 : i32
      %dma_start3A_752 = tpu.memref_slice %arg18[%dma_start3A_750, %dma_start3A_751] : memref<10240x128xf32, #tpu.memory_space<vmem_shared>> -> memref<10240x128xf32, #tpu.memory_space<vmem_shared>>
      tpu.enqueue_indirect_dma source(%arg14 : memref<40x128xf32, #tpu.memory_space<vmem>>) target(%dma_start3A_752 : memref<10240x128xf32, #tpu.memory_space<vmem_shared>>) offsets(%dma_start3A_749 : memref<40xi32, #tpu.memory_space<vmem>>) semaphore(%arg28 : memref<!tpu.dma_semaphore, #tpu.memory_space<semaphore_mem>>) {add = true}
      %dma_start3A_753 = arith.constant 0 : i32
      %dma_start3A_754 = tpu.memref_slice %arg16[%dma_start3A_753] : memref<48xf32, #tpu.memory_space<vmem>> -> memref<40xf32, #tpu.memory_space<vmem>>
      %dma_start3A_755 = arith.constant 120 : i32
      %dma_start3A_756 = tpu.memref_slice %arg10[%dma_start3A_755] : memref<200xi32, #tpu.memory_space<vmem>> -> memref<40xi32, #tpu.memory_space<vmem>>
      %dma_start3A_757 = arith.constant 0 : i32
      %dma_start3A_758 = tpu.memref_slice %arg19[%dma_start3A_757] : memref<10240xf32, #tpu.memory_space<vmem_shared>> -> memref<10240xf32, #tpu.memory_space<vmem_shared>>
      tpu.enqueue_indirect_dma source(%dma_start3A_754 : memref<40xf32, #tpu.memory_space<vmem>>) target(%dma_start3A_758 : memref<10240xf32, #tpu.memory_space<vmem_shared>>) offsets(%dma_start3A_756 : memref<40xi32, #tpu.memory_space<vmem>>) semaphore(%arg33 : memref<!tpu.dma_semaphore, #tpu.memory_space<semaphore_mem>>) {add = true}
      %dma_wait3A_759 = arith.constant 160 : i32
      %dma_wait3A_760 = tpu.memref_slice %arg8[%dma_wait3A_759] : memref<200xi32, #tpu.memory_space<vmem>> -> memref<40xi32, #tpu.memory_space<vmem>>
      %dma_wait3A_761 = arith.constant 0 : i32
      %dma_wait3A_762 = arith.constant 0 : i32
      %dma_wait3A_763 = tpu.memref_slice %arg2[%dma_wait3A_761, %dma_wait3A_762] : memref<10000x128xf32, #tpu.memory_space<hbm>> -> memref<10000x128xf32, #tpu.memory_space<hbm>>
      tpu.wait_indirect_dma semaphore(%arg24 : memref<!tpu.dma_semaphore, #tpu.memory_space<semaphore_mem>>) src(%dma_wait3A_763 : memref<10000x128xf32, #tpu.memory_space<hbm>>) dst(%arg15 : memref<40x128xf32, #tpu.memory_space<vmem>>)
      %dma_start3A_764 = arith.constant 160 : i32
      %dma_start3A_765 = tpu.memref_slice %arg10[%dma_start3A_764] : memref<200xi32, #tpu.memory_space<vmem>> -> memref<40xi32, #tpu.memory_space<vmem>>
      %dma_start3A_766 = arith.constant 0 : i32
      %dma_start3A_767 = arith.constant 0 : i32
      %dma_start3A_768 = tpu.memref_slice %arg18[%dma_start3A_766, %dma_start3A_767] : memref<10240x128xf32, #tpu.memory_space<vmem_shared>> -> memref<10240x128xf32, #tpu.memory_space<vmem_shared>>
      tpu.enqueue_indirect_dma source(%arg15 : memref<40x128xf32, #tpu.memory_space<vmem>>) target(%dma_start3A_768 : memref<10240x128xf32, #tpu.memory_space<vmem_shared>>) offsets(%dma_start3A_765 : memref<40xi32, #tpu.memory_space<vmem>>) semaphore(%arg29 : memref<!tpu.dma_semaphore, #tpu.memory_space<semaphore_mem>>) {add = true}
      %dma_start3A_769 = arith.constant 0 : i32
      %dma_start3A_770 = tpu.memref_slice %arg16[%dma_start3A_769] : memref<48xf32, #tpu.memory_space<vmem>> -> memref<40xf32, #tpu.memory_space<vmem>>
      %dma_start3A_771 = arith.constant 160 : i32
      %dma_start3A_772 = tpu.memref_slice %arg10[%dma_start3A_771] : memref<200xi32, #tpu.memory_space<vmem>> -> memref<40xi32, #tpu.memory_space<vmem>>
      %dma_start3A_773 = arith.constant 0 : i32
      %dma_start3A_774 = tpu.memref_slice %arg19[%dma_start3A_773] : memref<10240xf32, #tpu.memory_space<vmem_shared>> -> memref<10240xf32, #tpu.memory_space<vmem_shared>>
      tpu.enqueue_indirect_dma source(%dma_start3A_770 : memref<40xf32, #tpu.memory_space<vmem>>) target(%dma_start3A_774 : memref<10240xf32, #tpu.memory_space<vmem_shared>>) offsets(%dma_start3A_772 : memref<40xi32, #tpu.memory_space<vmem>>) semaphore(%arg34 : memref<!tpu.dma_semaphore, #tpu.memory_space<semaphore_mem>>) {add = true}
      %lt3A_775 = arith.constant 49 : i32
      %lt3A_776 = arith.cmpi slt, %add3A_694, %lt3A_775 : i32
      %convert_element_type3A_777 = arith.extui %lt3A_776 : i1 to i32
      %cond3A_778 = arith.constant 0 : i32
      %cond3A_779 = arith.cmpi ne, %convert_element_type3A_777, %cond3A_778 : i32
      scf.if %cond3A_779 {
        %add3A_866 = arith.constant 1 : i32
        %add3A_867 = arith.addi %add3A_694, %add3A_866 : i32
        %mul3A_868 = arith.constant 5 : i32
        %mul3A_869 = arith.muli %add3A_867, %mul3A_868 : i32
        %mul3A_870 = arith.constant 40 : i32
        %mul3A_871 = arith.muli %mul3A_869, %mul3A_870 : i32
        %add3A_872 = arith.addi %mul3A_2, %mul3A_871 : i32
        %dma_wait3A_873 = tpu.memref_slice %arg3[%add3A_872] : memref<320000xi32, #tpu.memory_space<hbm>> -> memref<200xi32, #tpu.memory_space<hbm>>
        %dma_wait3A_874 = tpu.memref_slice %arg3[%add3A_872] : memref<320000xi32, #tpu.memory_space<hbm>> -> memref<200xi32, #tpu.memory_space<hbm>>
        tpu.wait_dma2 semaphore(%arg35 : memref<!tpu.dma_semaphore, #tpu.memory_space<semaphore_mem>>) src(%dma_wait3A_874 : memref<200xi32, #tpu.memory_space<hbm>>) dst(%arg7 : memref<200xi32, #tpu.memory_space<vmem>>)
        %mul3A_875 = arith.constant 5 : i32
        %mul3A_876 = arith.muli %add3A_867, %mul3A_875 : i32
        %mul3A_877 = arith.constant 40 : i32
        %mul3A_878 = arith.muli %mul3A_876, %mul3A_877 : i32
        %add3A_879 = arith.addi %mul3A_2, %mul3A_878 : i32
        %dma_wait3A_880 = tpu.memref_slice %arg4[%add3A_879] : memref<320000xi32, #tpu.memory_space<hbm>> -> memref<200xi32, #tpu.memory_space<hbm>>
        %dma_wait3A_881 = tpu.memref_slice %arg4[%add3A_879] : memref<320000xi32, #tpu.memory_space<hbm>> -> memref<200xi32, #tpu.memory_space<hbm>>
        tpu.wait_dma2 semaphore(%arg37 : memref<!tpu.dma_semaphore, #tpu.memory_space<semaphore_mem>>) src(%dma_wait3A_881 : memref<200xi32, #tpu.memory_space<hbm>>) dst(%arg9 : memref<200xi32, #tpu.memory_space<vmem>>)
      } else {
      }
      %dma_wait3A_780 = arith.constant 0 : i32
      %dma_wait3A_781 = tpu.memref_slice %arg10[%dma_wait3A_780] : memref<200xi32, #tpu.memory_space<vmem>> -> memref<40xi32, #tpu.memory_space<vmem>>
      %dma_wait3A_782 = arith.constant 0 : i32
      %dma_wait3A_783 = arith.constant 0 : i32
      %dma_wait3A_784 = tpu.memref_slice %arg18[%dma_wait3A_782, %dma_wait3A_783] : memref<10240x128xf32, #tpu.memory_space<vmem_shared>> -> memref<10240x128xf32, #tpu.memory_space<vmem_shared>>
      tpu.wait_indirect_dma semaphore(%arg25 : memref<!tpu.dma_semaphore, #tpu.memory_space<semaphore_mem>>) src(%arg11 : memref<40x128xf32, #tpu.memory_space<vmem>>) dst(%dma_wait3A_784 : memref<10240x128xf32, #tpu.memory_space<vmem_shared>>)
      %dma_wait3A_785 = arith.constant 0 : i32
      %dma_wait3A_786 = tpu.memref_slice %arg16[%dma_wait3A_785] : memref<48xf32, #tpu.memory_space<vmem>> -> memref<40xf32, #tpu.memory_space<vmem>>
      %dma_wait3A_787 = arith.constant 0 : i32
      %dma_wait3A_788 = tpu.memref_slice %arg10[%dma_wait3A_787] : memref<200xi32, #tpu.memory_space<vmem>> -> memref<40xi32, #tpu.memory_space<vmem>>
      %dma_wait3A_789 = arith.constant 0 : i32
      %dma_wait3A_790 = tpu.memref_slice %arg19[%dma_wait3A_789] : memref<10240xf32, #tpu.memory_space<vmem_shared>> -> memref<10240xf32, #tpu.memory_space<vmem_shared>>
      tpu.wait_indirect_dma semaphore(%arg30 : memref<!tpu.dma_semaphore, #tpu.memory_space<semaphore_mem>>) src(%dma_wait3A_786 : memref<40xf32, #tpu.memory_space<vmem>>) dst(%dma_wait3A_790 : memref<10240xf32, #tpu.memory_space<vmem_shared>>)
      %lt3A_791 = arith.constant 49 : i32
      %lt3A_792 = arith.cmpi slt, %add3A_694, %lt3A_791 : i32
      %convert_element_type3A_793 = arith.extui %lt3A_792 : i1 to i32
      %cond3A_794 = arith.constant 0 : i32
      %cond3A_795 = arith.cmpi ne, %convert_element_type3A_793, %cond3A_794 : i32
      scf.if %cond3A_795 {
        %dma_start3A_866 = arith.constant 0 : i32
        %dma_start3A_867 = tpu.memref_slice %arg7[%dma_start3A_866] : memref<200xi32, #tpu.memory_space<vmem>> -> memref<40xi32, #tpu.memory_space<vmem>>
        %dma_start3A_868 = arith.constant 0 : i32
        %dma_start3A_869 = arith.constant 0 : i32
        %dma_start3A_870 = tpu.memref_slice %arg2[%dma_start3A_868, %dma_start3A_869] : memref<10000x128xf32, #tpu.memory_space<hbm>> -> memref<10000x128xf32, #tpu.memory_space<hbm>>
        tpu.enqueue_indirect_dma source(%dma_start3A_870 : memref<10000x128xf32, #tpu.memory_space<hbm>>) target(%arg11 : memref<40x128xf32, #tpu.memory_space<vmem>>) offsets(%dma_start3A_867 : memref<40xi32, #tpu.memory_space<vmem>>) semaphore(%arg20 : memref<!tpu.dma_semaphore, #tpu.memory_space<semaphore_mem>>)
      } else {
      }
      %dma_wait3A_796 = arith.constant 40 : i32
      %dma_wait3A_797 = tpu.memref_slice %arg10[%dma_wait3A_796] : memref<200xi32, #tpu.memory_space<vmem>> -> memref<40xi32, #tpu.memory_space<vmem>>
      %dma_wait3A_798 = arith.constant 0 : i32
      %dma_wait3A_799 = arith.constant 0 : i32
      %dma_wait3A_800 = tpu.memref_slice %arg18[%dma_wait3A_798, %dma_wait3A_799] : memref<10240x128xf32, #tpu.memory_space<vmem_shared>> -> memref<10240x128xf32, #tpu.memory_space<vmem_shared>>
      tpu.wait_indirect_dma semaphore(%arg26 : memref<!tpu.dma_semaphore, #tpu.memory_space<semaphore_mem>>) src(%arg12 : memref<40x128xf32, #tpu.memory_space<vmem>>) dst(%dma_wait3A_800 : memref<10240x128xf32, #tpu.memory_space<vmem_shared>>)
      %dma_wait3A_801 = arith.constant 0 : i32
      %dma_wait3A_802 = tpu.memref_slice %arg16[%dma_wait3A_801] : memref<48xf32, #tpu.memory_space<vmem>> -> memref<40xf32, #tpu.memory_space<vmem>>
      %dma_wait3A_803 = arith.constant 40 : i32
      %dma_wait3A_804 = tpu.memref_slice %arg10[%dma_wait3A_803] : memref<200xi32, #tpu.memory_space<vmem>> -> memref<40xi32, #tpu.memory_space<vmem>>
      %dma_wait3A_805 = arith.constant 0 : i32
      %dma_wait3A_806 = tpu.memref_slice %arg19[%dma_wait3A_805] : memref<10240xf32, #tpu.memory_space<vmem_shared>> -> memref<10240xf32, #tpu.memory_space<vmem_shared>>
      tpu.wait_indirect_dma semaphore(%arg31 : memref<!tpu.dma_semaphore, #tpu.memory_space<semaphore_mem>>) src(%dma_wait3A_802 : memref<40xf32, #tpu.memory_space<vmem>>) dst(%dma_wait3A_806 : memref<10240xf32, #tpu.memory_space<vmem_shared>>)
      %lt3A_807 = arith.constant 49 : i32
      %lt3A_808 = arith.cmpi slt, %add3A_694, %lt3A_807 : i32
      %convert_element_type3A_809 = arith.extui %lt3A_808 : i1 to i32
      %cond3A_810 = arith.constant 0 : i32
      %cond3A_811 = arith.cmpi ne, %convert_element_type3A_809, %cond3A_810 : i32
      scf.if %cond3A_811 {
        %dma_start3A_866 = arith.constant 40 : i32
        %dma_start3A_867 = tpu.memref_slice %arg7[%dma_start3A_866] : memref<200xi32, #tpu.memory_space<vmem>> -> memref<40xi32, #tpu.memory_space<vmem>>
        %dma_start3A_868 = arith.constant 0 : i32
        %dma_start3A_869 = arith.constant 0 : i32
        %dma_start3A_870 = tpu.memref_slice %arg2[%dma_start3A_868, %dma_start3A_869] : memref<10000x128xf32, #tpu.memory_space<hbm>> -> memref<10000x128xf32, #tpu.memory_space<hbm>>
        tpu.enqueue_indirect_dma source(%dma_start3A_870 : memref<10000x128xf32, #tpu.memory_space<hbm>>) target(%arg12 : memref<40x128xf32, #tpu.memory_space<vmem>>) offsets(%dma_start3A_867 : memref<40xi32, #tpu.memory_space<vmem>>) semaphore(%arg21 : memref<!tpu.dma_semaphore, #tpu.memory_space<semaphore_mem>>)
      } else {
      }
      %dma_wait3A_812 = arith.constant 80 : i32
      %dma_wait3A_813 = tpu.memref_slice %arg10[%dma_wait3A_812] : memref<200xi32, #tpu.memory_space<vmem>> -> memref<40xi32, #tpu.memory_space<vmem>>
      %dma_wait3A_814 = arith.constant 0 : i32
      %dma_wait3A_815 = arith.constant 0 : i32
      %dma_wait3A_816 = tpu.memref_slice %arg18[%dma_wait3A_814, %dma_wait3A_815] : memref<10240x128xf32, #tpu.memory_space<vmem_shared>> -> memref<10240x128xf32, #tpu.memory_space<vmem_shared>>
      tpu.wait_indirect_dma semaphore(%arg27 : memref<!tpu.dma_semaphore, #tpu.memory_space<semaphore_mem>>) src(%arg13 : memref<40x128xf32, #tpu.memory_space<vmem>>) dst(%dma_wait3A_816 : memref<10240x128xf32, #tpu.memory_space<vmem_shared>>)
      %dma_wait3A_817 = arith.constant 0 : i32
      %dma_wait3A_818 = tpu.memref_slice %arg16[%dma_wait3A_817] : memref<48xf32, #tpu.memory_space<vmem>> -> memref<40xf32, #tpu.memory_space<vmem>>
      %dma_wait3A_819 = arith.constant 80 : i32
      %dma_wait3A_820 = tpu.memref_slice %arg10[%dma_wait3A_819] : memref<200xi32, #tpu.memory_space<vmem>> -> memref<40xi32, #tpu.memory_space<vmem>>
      %dma_wait3A_821 = arith.constant 0 : i32
      %dma_wait3A_822 = tpu.memref_slice %arg19[%dma_wait3A_821] : memref<10240xf32, #tpu.memory_space<vmem_shared>> -> memref<10240xf32, #tpu.memory_space<vmem_shared>>
      tpu.wait_indirect_dma semaphore(%arg32 : memref<!tpu.dma_semaphore, #tpu.memory_space<semaphore_mem>>) src(%dma_wait3A_818 : memref<40xf32, #tpu.memory_space<vmem>>) dst(%dma_wait3A_822 : memref<10240xf32, #tpu.memory_space<vmem_shared>>)
      %lt3A_823 = arith.constant 49 : i32
      %lt3A_824 = arith.cmpi slt, %add3A_694, %lt3A_823 : i32
      %convert_element_type3A_825 = arith.extui %lt3A_824 : i1 to i32
      %cond3A_826 = arith.constant 0 : i32
      %cond3A_827 = arith.cmpi ne, %convert_element_type3A_825, %cond3A_826 : i32
      scf.if %cond3A_827 {
        %dma_start3A_866 = arith.constant 80 : i32
        %dma_start3A_867 = tpu.memref_slice %arg7[%dma_start3A_866] : memref<200xi32, #tpu.memory_space<vmem>> -> memref<40xi32, #tpu.memory_space<vmem>>
        %dma_start3A_868 = arith.constant 0 : i32
        %dma_start3A_869 = arith.constant 0 : i32
        %dma_start3A_870 = tpu.memref_slice %arg2[%dma_start3A_868, %dma_start3A_869] : memref<10000x128xf32, #tpu.memory_space<hbm>> -> memref<10000x128xf32, #tpu.memory_space<hbm>>
        tpu.enqueue_indirect_dma source(%dma_start3A_870 : memref<10000x128xf32, #tpu.memory_space<hbm>>) target(%arg13 : memref<40x128xf32, #tpu.memory_space<vmem>>) offsets(%dma_start3A_867 : memref<40xi32, #tpu.memory_space<vmem>>) semaphore(%arg22 : memref<!tpu.dma_semaphore, #tpu.memory_space<semaphore_mem>>)
      } else {
      }
      %dma_wait3A_828 = arith.constant 120 : i32
      %dma_wait3A_829 = tpu.memref_slice %arg10[%dma_wait3A_828] : memref<200xi32, #tpu.memory_space<vmem>> -> memref<40xi32, #tpu.memory_space<vmem>>
      %dma_wait3A_830 = arith.constant 0 : i32
      %dma_wait3A_831 = arith.constant 0 : i32
      %dma_wait3A_832 = tpu.memref_slice %arg18[%dma_wait3A_830, %dma_wait3A_831] : memref<10240x128xf32, #tpu.memory_space<vmem_shared>> -> memref<10240x128xf32, #tpu.memory_space<vmem_shared>>
      tpu.wait_indirect_dma semaphore(%arg28 : memref<!tpu.dma_semaphore, #tpu.memory_space<semaphore_mem>>) src(%arg14 : memref<40x128xf32, #tpu.memory_space<vmem>>) dst(%dma_wait3A_832 : memref<10240x128xf32, #tpu.memory_space<vmem_shared>>)
      %dma_wait3A_833 = arith.constant 0 : i32
      %dma_wait3A_834 = tpu.memref_slice %arg16[%dma_wait3A_833] : memref<48xf32, #tpu.memory_space<vmem>> -> memref<40xf32, #tpu.memory_space<vmem>>
      %dma_wait3A_835 = arith.constant 120 : i32
      %dma_wait3A_836 = tpu.memref_slice %arg10[%dma_wait3A_835] : memref<200xi32, #tpu.memory_space<vmem>> -> memref<40xi32, #tpu.memory_space<vmem>>
      %dma_wait3A_837 = arith.constant 0 : i32
      %dma_wait3A_838 = tpu.memref_slice %arg19[%dma_wait3A_837] : memref<10240xf32, #tpu.memory_space<vmem_shared>> -> memref<10240xf32, #tpu.memory_space<vmem_shared>>
      tpu.wait_indirect_dma semaphore(%arg33 : memref<!tpu.dma_semaphore, #tpu.memory_space<semaphore_mem>>) src(%dma_wait3A_834 : memref<40xf32, #tpu.memory_space<vmem>>) dst(%dma_wait3A_838 : memref<10240xf32, #tpu.memory_space<vmem_shared>>)
      %lt3A_839 = arith.constant 49 : i32
      %lt3A_840 = arith.cmpi slt, %add3A_694, %lt3A_839 : i32
      %convert_element_type3A_841 = arith.extui %lt3A_840 : i1 to i32
      %cond3A_842 = arith.constant 0 : i32
      %cond3A_843 = arith.cmpi ne, %convert_element_type3A_841, %cond3A_842 : i32
      scf.if %cond3A_843 {
        %dma_start3A_866 = arith.constant 120 : i32
        %dma_start3A_867 = tpu.memref_slice %arg7[%dma_start3A_866] : memref<200xi32, #tpu.memory_space<vmem>> -> memref<40xi32, #tpu.memory_space<vmem>>
        %dma_start3A_868 = arith.constant 0 : i32
        %dma_start3A_869 = arith.constant 0 : i32
        %dma_start3A_870 = tpu.memref_slice %arg2[%dma_start3A_868, %dma_start3A_869] : memref<10000x128xf32, #tpu.memory_space<hbm>> -> memref<10000x128xf32, #tpu.memory_space<hbm>>
        tpu.enqueue_indirect_dma source(%dma_start3A_870 : memref<10000x128xf32, #tpu.memory_space<hbm>>) target(%arg14 : memref<40x128xf32, #tpu.memory_space<vmem>>) offsets(%dma_start3A_867 : memref<40xi32, #tpu.memory_space<vmem>>) semaphore(%arg23 : memref<!tpu.dma_semaphore, #tpu.memory_space<semaphore_mem>>)
      } else {
      }
      %dma_wait3A_844 = arith.constant 160 : i32
      %dma_wait3A_845 = tpu.memref_slice %arg10[%dma_wait3A_844] : memref<200xi32, #tpu.memory_space<vmem>> -> memref<40xi32, #tpu.memory_space<vmem>>
      %dma_wait3A_846 = arith.constant 0 : i32
      %dma_wait3A_847 = arith.constant 0 : i32
      %dma_wait3A_848 = tpu.memref_slice %arg18[%dma_wait3A_846, %dma_wait3A_847] : memref<10240x128xf32, #tpu.memory_space<vmem_shared>> -> memref<10240x128xf32, #tpu.memory_space<vmem_shared>>
      tpu.wait_indirect_dma semaphore(%arg29 : memref<!tpu.dma_semaphore, #tpu.memory_space<semaphore_mem>>) src(%arg15 : memref<40x128xf32, #tpu.memory_space<vmem>>) dst(%dma_wait3A_848 : memref<10240x128xf32, #tpu.memory_space<vmem_shared>>)
      %dma_wait3A_849 = arith.constant 0 : i32
      %dma_wait3A_850 = tpu.memref_slice %arg16[%dma_wait3A_849] : memref<48xf32, #tpu.memory_space<vmem>> -> memref<40xf32, #tpu.memory_space<vmem>>
      %dma_wait3A_851 = arith.constant 160 : i32
      %dma_wait3A_852 = tpu.memref_slice %arg10[%dma_wait3A_851] : memref<200xi32, #tpu.memory_space<vmem>> -> memref<40xi32, #tpu.memory_space<vmem>>
      %dma_wait3A_853 = arith.constant 0 : i32
      %dma_wait3A_854 = tpu.memref_slice %arg19[%dma_wait3A_853] : memref<10240xf32, #tpu.memory_space<vmem_shared>> -> memref<10240xf32, #tpu.memory_space<vmem_shared>>
      tpu.wait_indirect_dma semaphore(%arg34 : memref<!tpu.dma_semaphore, #tpu.memory_space<semaphore_mem>>) src(%dma_wait3A_850 : memref<40xf32, #tpu.memory_space<vmem>>) dst(%dma_wait3A_854 : memref<10240xf32, #tpu.memory_space<vmem_shared>>)
      %lt3A_855 = arith.constant 49 : i32
      %lt3A_856 = arith.cmpi slt, %add3A_694, %lt3A_855 : i32
      %convert_element_type3A_857 = arith.extui %lt3A_856 : i1 to i32
      %cond3A_858 = arith.constant 0 : i32
      %cond3A_859 = arith.cmpi ne, %convert_element_type3A_857, %cond3A_858 : i32
      scf.if %cond3A_859 {
        %dma_start3A_866 = arith.constant 160 : i32
        %dma_start3A_867 = tpu.memref_slice %arg7[%dma_start3A_866] : memref<200xi32, #tpu.memory_space<vmem>> -> memref<40xi32, #tpu.memory_space<vmem>>
        %dma_start3A_868 = arith.constant 0 : i32
        %dma_start3A_869 = arith.constant 0 : i32
        %dma_start3A_870 = tpu.memref_slice %arg2[%dma_start3A_868, %dma_start3A_869] : memref<10000x128xf32, #tpu.memory_space<hbm>> -> memref<10000x128xf32, #tpu.memory_space<hbm>>
        tpu.enqueue_indirect_dma source(%dma_start3A_870 : memref<10000x128xf32, #tpu.memory_space<hbm>>) target(%arg15 : memref<40x128xf32, #tpu.memory_space<vmem>>) offsets(%dma_start3A_867 : memref<40xi32, #tpu.memory_space<vmem>>) semaphore(%arg24 : memref<!tpu.dma_semaphore, #tpu.memory_space<semaphore_mem>>)
      } else {
      }
      %lt3A_860 = arith.constant 48 : i32
      %lt3A_861 = arith.cmpi slt, %add3A_694, %lt3A_860 : i32
      %convert_element_type3A_862 = arith.extui %lt3A_861 : i1 to i32
      %cond3A_863 = arith.constant 0 : i32
      %cond3A_864 = arith.cmpi ne, %convert_element_type3A_862, %cond3A_863 : i32
      scf.if %cond3A_864 {
        %add3A_866 = arith.constant 2 : i32
        %add3A_867 = arith.addi %add3A_694, %add3A_866 : i32
        %mul3A_868 = arith.constant 5 : i32
        %mul3A_869 = arith.muli %add3A_867, %mul3A_868 : i32
        %mul3A_870 = arith.constant 40 : i32
        %mul3A_871 = arith.muli %mul3A_869, %mul3A_870 : i32
        %add3A_872 = arith.addi %mul3A_2, %mul3A_871 : i32
        %mul3A_873 = arith.constant 5 : i32
        %mul3A_874 = arith.muli %add3A_867, %mul3A_873 : i32
        %mul3A_875 = arith.constant 40 : i32
        %mul3A_876 = arith.muli %mul3A_874, %mul3A_875 : i32
        %add3A_877 = arith.addi %mul3A_2, %mul3A_876 : i32
        %dma_start3A_878 = tpu.memref_slice %arg3[%add3A_872] : memref<320000xi32, #tpu.memory_space<hbm>> -> memref<200xi32, #tpu.memory_space<hbm>>
        %dma_start3A_879 = tpu.memref_slice %arg3[%add3A_872] : memref<320000xi32, #tpu.memory_space<hbm>> -> memref<200xi32, #tpu.memory_space<hbm>>
        tpu.enqueue_dma source(%dma_start3A_879 : memref<200xi32, #tpu.memory_space<hbm>>) target(%arg8 : memref<200xi32, #tpu.memory_space<vmem>>) target_semaphore(%arg36 : memref<!tpu.dma_semaphore, #tpu.memory_space<semaphore_mem>>)
        %dma_start3A_880 = tpu.memref_slice %arg4[%add3A_877] : memref<320000xi32, #tpu.memory_space<hbm>> -> memref<200xi32, #tpu.memory_space<hbm>>
        %dma_start3A_881 = tpu.memref_slice %arg4[%add3A_877] : memref<320000xi32, #tpu.memory_space<hbm>> -> memref<200xi32, #tpu.memory_space<hbm>>
        tpu.enqueue_dma source(%dma_start3A_881 : memref<200xi32, #tpu.memory_space<hbm>>) target(%arg10 : memref<200xi32, #tpu.memory_space<vmem>>) target_semaphore(%arg38 : memref<!tpu.dma_semaphore, #tpu.memory_space<semaphore_mem>>)
      } else {
      }
      %scan3A_865 = arith.constant 0 : i32
      scf.yield %scan3A_865 : i32
    }
    %scan3A_516 = arith.constant 25 : i32
    %barrier3A_517 = arith.constant 0 : index
    tpu.barrier barrier_id(%barrier3A_517)
    "tpu.region"() ({
      %run_scoped3A = tpu.sem_alloc : memref<!tpu.dma_semaphore, #tpu.memory_space<semaphore_mem>>
      %dma_start3A_518 = arith.constant 0 : i32
      %dma_start3A_519 = tpu.memref_slice %arg5[%arg0, %mul3A_25, %dma_start3A_518] : memref<2x10240x128xf32, #tpu.memory_space<hbm>> -> memref<1x640x128xf32, #tpu.memory_space<hbm>>
      %dma_start3A_520 = tpu.memref_squeeze %dma_start3A_519 : memref<1x640x128xf32, #tpu.memory_space<hbm>> -> memref<640x128xf32, #tpu.memory_space<hbm>>
      %dma_start3A_521 = arith.constant 0 : i32
      %dma_start3A_522 = tpu.memref_slice %arg18[%mul3A_25, %dma_start3A_521] : memref<10240x128xf32, #tpu.memory_space<vmem_shared>> -> memref<640x128xf32, #tpu.memory_space<vmem_shared>>
      tpu.enqueue_dma source(%dma_start3A_522 : memref<640x128xf32, #tpu.memory_space<vmem_shared>>) target(%dma_start3A_520 : memref<640x128xf32, #tpu.memory_space<hbm>>) target_semaphore(%run_scoped3A : memref<!tpu.dma_semaphore, #tpu.memory_space<semaphore_mem>>)
      %dma_wait3A_523 = arith.constant 0 : i32
      %dma_wait3A_524 = tpu.memref_slice %arg5[%arg0, %mul3A_25, %dma_wait3A_523] : memref<2x10240x128xf32, #tpu.memory_space<hbm>> -> memref<1x640x128xf32, #tpu.memory_space<hbm>>
      %dma_wait3A_525 = tpu.memref_squeeze %dma_wait3A_524 : memref<1x640x128xf32, #tpu.memory_space<hbm>> -> memref<640x128xf32, #tpu.memory_space<hbm>>
      %dma_wait3A_526 = arith.constant 0 : i32
      %dma_wait3A_527 = tpu.memref_slice %arg18[%mul3A_25, %dma_wait3A_526] : memref<10240x128xf32, #tpu.memory_space<vmem_shared>> -> memref<640x128xf32, #tpu.memory_space<vmem_shared>>
      tpu.wait_dma2 semaphore(%run_scoped3A : memref<!tpu.dma_semaphore, #tpu.memory_space<semaphore_mem>>) src(%dma_wait3A_527 : memref<640x128xf32, #tpu.memory_space<vmem_shared>>) dst(%dma_wait3A_525 : memref<640x128xf32, #tpu.memory_space<hbm>>)
      tpu.yield
    }) : () -> ()
    "tpu.region"() ({
      %run_scoped3A = tpu.sem_alloc : memref<!tpu.dma_semaphore, #tpu.memory_space<semaphore_mem>>
      %dma_start3A_518 = tpu.memref_slice %arg6[%arg0, %mul3A_25] : memref<2x10240xf32, #tpu.memory_space<hbm>> -> memref<1x640xf32, #tpu.memory_space<hbm>>
      %dma_start3A_519 = tpu.memref_squeeze %dma_start3A_518 : memref<1x640xf32, #tpu.memory_space<hbm>> -> memref<640xf32, #tpu.memory_space<hbm>>
      %dma_start3A_520 = tpu.memref_slice %arg19[%mul3A_25] : memref<10240xf32, #tpu.memory_space<vmem_shared>> -> memref<640xf32, #tpu.memory_space<vmem_shared>>
      tpu.enqueue_dma source(%dma_start3A_520 : memref<640xf32, #tpu.memory_space<vmem_shared>>) target(%dma_start3A_519 : memref<640xf32, #tpu.memory_space<hbm>>) target_semaphore(%run_scoped3A : memref<!tpu.dma_semaphore, #tpu.memory_space<semaphore_mem>>)
      %dma_wait3A_521 = tpu.memref_slice %arg6[%arg0, %mul3A_25] : memref<2x10240xf32, #tpu.memory_space<hbm>> -> memref<1x640xf32, #tpu.memory_space<hbm>>
      %dma_wait3A_522 = tpu.memref_squeeze %dma_wait3A_521 : memref<1x640xf32, #tpu.memory_space<hbm>> -> memref<640xf32, #tpu.memory_space<hbm>>
      %dma_wait3A_523 = tpu.memref_slice %arg19[%mul3A_25] : memref<10240xf32, #tpu.memory_space<vmem_shared>> -> memref<640xf32, #tpu.memory_space<vmem_shared>>
      tpu.wait_dma2 semaphore(%run_scoped3A : memref<!tpu.dma_semaphore, #tpu.memory_space<semaphore_mem>>) src(%dma_wait3A_523 : memref<640xf32, #tpu.memory_space<vmem_shared>>) dst(%dma_wait3A_522 : memref<640xf32, #tpu.memory_space<hbm>>)
      tpu.yield
    }) : () -> ()
    return
  }
}

#map = affine_map<(d0, d1) -> (0, 0)>
#map1 = affine_map<(d0, d1) -> (0)>
#map2 = affine_map<(d0, d1) -> (0, 0, 0)>
module attributes {stable_mosaic.version = 14 : i64} {
  func.func @_sc_agg_body(%arg0: i32, %arg1: i32, %arg2: memref<10000x128xf32, #tpu.memory_space<hbm>>, %arg3: memref<320000xi32, #tpu.memory_space<hbm>>, %arg4: memref<320000xi32, #tpu.memory_space<hbm>>, %arg5: memref<2x10240x128xf32, #tpu.memory_space<hbm>>, %arg6: memref<2x10240xf32, #tpu.memory_space<hbm>>, %arg7: memref<200xi32, #tpu.memory_space<vmem>>, %arg8: memref<200xi32, #tpu.memory_space<vmem>>, %arg9: memref<200xi32, #tpu.memory_space<vmem>>, %arg10: memref<200xi32, #tpu.memory_space<vmem>>, %arg11: memref<40x128xf32, #tpu.memory_space<vmem>>, %arg12: memref<40x128xf32, #tpu.memory_space<vmem>>, %arg13: memref<40x128xf32, #tpu.memory_space<vmem>>, %arg14: memref<40x128xf32, #tpu.memory_space<vmem>>, %arg15: memref<40x128xf32, #tpu.memory_space<vmem>>, %arg16: memref<48xf32, #tpu.memory_space<vmem>>, %arg17: memref<640xf32, #tpu.memory_space<vmem>>, %arg18: memref<10240x128xf32, #tpu.memory_space<vmem_shared>>, %arg19: memref<10240xf32, #tpu.memory_space<vmem_shared>>, %arg20: memref<!tpu.dma_semaphore, #tpu.memory_space<semaphore_mem>>, %arg21: memref<!tpu.dma_semaphore, #tpu.memory_space<semaphore_mem>>, %arg22: memref<!tpu.dma_semaphore, #tpu.memory_space<semaphore_mem>>, %arg23: memref<!tpu.dma_semaphore, #tpu.memory_space<semaphore_mem>>, %arg24: memref<!tpu.dma_semaphore, #tpu.memory_space<semaphore_mem>>, %arg25: memref<!tpu.dma_semaphore, #tpu.memory_space<semaphore_mem>>, %arg26: memref<!tpu.dma_semaphore, #tpu.memory_space<semaphore_mem>>, %arg27: memref<!tpu.dma_semaphore, #tpu.memory_space<semaphore_mem>>, %arg28: memref<!tpu.dma_semaphore, #tpu.memory_space<semaphore_mem>>, %arg29: memref<!tpu.dma_semaphore, #tpu.memory_space<semaphore_mem>>, %arg30: memref<!tpu.dma_semaphore, #tpu.memory_space<semaphore_mem>>, %arg31: memref<!tpu.dma_semaphore, #tpu.memory_space<semaphore_mem>>, %arg32: memref<!tpu.dma_semaphore, #tpu.memory_space<semaphore_mem>>, %arg33: memref<!tpu.dma_semaphore, #tpu.memory_space<semaphore_mem>>, %arg34: memref<!tpu.dma_semaphore, #tpu.memory_space<semaphore_mem>>, %arg35: memref<!tpu.dma_semaphore, #tpu.memory_space<semaphore_mem>>, %arg36: memref<!tpu.dma_semaphore, #tpu.memory_space<semaphore_mem>>, %arg37: memref<!tpu.dma_semaphore, #tpu.memory_space<semaphore_mem>>, %arg38: memref<!tpu.dma_semaphore, #tpu.memory_space<semaphore_mem>>) attributes {dimension_semantics = [#tpu.dimension_semantics<core_parallel>, #tpu.dimension_semantics<subcore_parallel>], iteration_bounds = array<i64: 2, 16>, scalar_prefetch = 0 : i64, scratch_operands = 32 : i64, tpu.core_type = #tpu.core_type<sc_vector_subcore>, window_params = [{transform_indices = #map}, {transform_indices = #map1}, {transform_indices = #map1}, {transform_indices = #map2}, {transform_indices = #map}]} {
    %mul3A = arith.constant 16 : i32
    %mul3A_0 = arith.muli %arg0, %mul3A : i32
    %add3A = arith.addi %mul3A_0, %arg1 : i32
    %mul3A_1 = arith.constant 10000 : i32
    %mul3A_2 = arith.muli %add3A, %mul3A_1 : i32
    %add3A_3 = arith.constant 0 : i32
    %add3A_4 = arith.addi %mul3A_2, %add3A_3 : i32
    %add3A_5 = arith.constant 0 : i32
    %add3A_6 = arith.addi %mul3A_2, %add3A_5 : i32
    %dma_start3A = tpu.memref_slice %arg3[%add3A_4] : memref<320000xi32, #tpu.memory_space<hbm>> -> memref<200xi32, #tpu.memory_space<hbm>>
    %dma_start3A_7 = tpu.memref_slice %arg3[%add3A_4] : memref<320000xi32, #tpu.memory_space<hbm>> -> memref<200xi32, #tpu.memory_space<hbm>>
    tpu.enqueue_dma source(%dma_start3A_7 : memref<200xi32, #tpu.memory_space<hbm>>) target(%arg7 : memref<200xi32, #tpu.memory_space<vmem>>) target_semaphore(%arg35 : memref<!tpu.dma_semaphore, #tpu.memory_space<semaphore_mem>>)
    %dma_start3A_8 = tpu.memref_slice %arg4[%add3A_6] : memref<320000xi32, #tpu.memory_space<hbm>> -> memref<200xi32, #tpu.memory_space<hbm>>
    %dma_start3A_9 = tpu.memref_slice %arg4[%add3A_6] : memref<320000xi32, #tpu.memory_space<hbm>> -> memref<200xi32, #tpu.memory_space<hbm>>
    tpu.enqueue_dma source(%dma_start3A_9 : memref<200xi32, #tpu.memory_space<hbm>>) target(%arg9 : memref<200xi32, #tpu.memory_space<vmem>>) target_semaphore(%arg37 : memref<!tpu.dma_semaphore, #tpu.memory_space<semaphore_mem>>)
    %add3A_10 = arith.constant 200 : i32
    %add3A_11 = arith.addi %mul3A_2, %add3A_10 : i32
    %add3A_12 = arith.constant 200 : i32
    %add3A_13 = arith.addi %mul3A_2, %add3A_12 : i32
    %dma_start3A_14 = tpu.memref_slice %arg3[%add3A_11] : memref<320000xi32, #tpu.memory_space<hbm>> -> memref<200xi32, #tpu.memory_space<hbm>>
    %dma_start3A_15 = tpu.memref_slice %arg3[%add3A_11] : memref<320000xi32, #tpu.memory_space<hbm>> -> memref<200xi32, #tpu.memory_space<hbm>>
    tpu.enqueue_dma source(%dma_start3A_15 : memref<200xi32, #tpu.memory_space<hbm>>) target(%arg8 : memref<200xi32, #tpu.memory_space<vmem>>) target_semaphore(%arg36 : memref<!tpu.dma_semaphore, #tpu.memory_space<semaphore_mem>>)
    %dma_start3A_16 = tpu.memref_slice %arg4[%add3A_13] : memref<320000xi32, #tpu.memory_space<hbm>> -> memref<200xi32, #tpu.memory_space<hbm>>
    %dma_start3A_17 = tpu.memref_slice %arg4[%add3A_13] : memref<320000xi32, #tpu.memory_space<hbm>> -> memref<200xi32, #tpu.memory_space<hbm>>
    tpu.enqueue_dma source(%dma_start3A_17 : memref<200xi32, #tpu.memory_space<hbm>>) target(%arg10 : memref<200xi32, #tpu.memory_space<vmem>>) target_semaphore(%arg38 : memref<!tpu.dma_semaphore, #tpu.memory_space<semaphore_mem>>)
    %scan3A = arith.constant 0 : i32
    %scan3A_18 = arith.constant 0 : i32
    %scan3A_19 = arith.constant 320 : i32
    %scan3A_20 = arith.addi %scan3A_18, %scan3A_19 : i32
    %scan3A_21 = arith.constant 1 : i32
    %scan3A_22 = scf.for %scan3A_258 = %scan3A_18 to %scan3A_20 step %scan3A_21 iter_args(%scan3A_259 = %scan3A) -> (i32)  : i32 {
      %jit3A = arith.constant 8 : i32
      %div3A = arith.divsi %scan3A_258, %jit3A : i32
      %sign3A = arith.constant 0 : i32
      %sign3A_260 = arith.cmpi sgt, %scan3A_258, %sign3A : i32
      %sign3A_261 = arith.extui %sign3A_260 : i1 to i32
      %sign3A_262 = arith.constant 0 : i32
      %sign3A_263 = arith.cmpi slt, %scan3A_258, %sign3A_262 : i32
      %sign3A_264 = arith.extui %sign3A_263 : i1 to i32
      %sign3A_265 = arith.subi %sign3A_261, %sign3A_264 : i32
      %sign3A_266 = arith.constant 0 : i32
      %sign3A_267 = arith.cmpi sgt, %jit3A, %sign3A_266 : i32
      %sign3A_268 = arith.extui %sign3A_267 : i1 to i32
      %sign3A_269 = arith.constant 0 : i32
      %sign3A_270 = arith.cmpi slt, %jit3A, %sign3A_269 : i32
      %sign3A_271 = arith.extui %sign3A_270 : i1 to i32
      %sign3A_272 = arith.subi %sign3A_268, %sign3A_271 : i32
      %ne3A = arith.cmpi ne, %sign3A_265, %sign3A_272 : i32
      %rem3A = arith.remsi %scan3A_258, %jit3A : i32
      %ne3A_273 = arith.constant 0 : i32
      %ne3A_274 = arith.cmpi ne, %rem3A, %ne3A_273 : i32
      %and3A = arith.andi %ne3A, %ne3A_274 : i1
      %sub3A = arith.constant 1 : i32
      %sub3A_275 = arith.subi %div3A, %sub3A : i32
      %select_n3A = arith.select %and3A, %sub3A_275, %div3A : i32
      %mul3A_276 = arith.constant 8 : i32
      %mul3A_277 = arith.muli %select_n3A, %mul3A_276 : i32
      %sub3A_278 = arith.subi %scan3A_258, %mul3A_277 : i32
      %broadcast_in_dim3A = arith.constant 0.000000e+00 : f32
      %broadcast_in_dim3A_279 = vector.broadcast %broadcast_in_dim3A : f32 to vector<16xf32>
      %mul3A_280 = arith.constant 16 : i32
      %mul3A_281 = arith.muli %sub3A_278, %mul3A_280 : i32
      %swap3A = arith.index_cast %select_n3A : i32 to index
      %swap3A_282 = arith.index_cast %mul3A_281 : i32 to index
      %swap3A_283 = tpu.vector_load %arg11[%swap3A, %swap3A_282] {strides = array<i32>} : memref<40x128xf32, #tpu.memory_space<vmem>>, vector<1x16xf32>,
      %swap3A_284 = vector.shape_cast %swap3A_283 : vector<1x16xf32> to vector<16xf32>
      %swap3A_285 = vector.shape_cast %broadcast_in_dim3A_279 : vector<16xf32> to vector<1x16xf32>
      tpu.vector_store %arg11[%swap3A, %swap3A_282], %swap3A_285 {strides = array<i32>} : memref<40x128xf32, #tpu.memory_space<vmem>>, vector<1x16xf32>,
      %scan3A_286 = arith.constant 0 : i32
      scf.yield %scan3A_286 : i32
    }
    %scan3A_23 = arith.constant 320 : i32
    %mul3A_24 = arith.constant 640 : i32
    %mul3A_25 = arith.muli %arg1, %mul3A_24 : i32
    %add3A_26 = arith.constant 0 : i32
    %add3A_27 = arith.addi %mul3A_25, %add3A_26 : i32
    %dma_start3A_28 = arith.constant 0 : i32
    %dma_start3A_29 = tpu.memref_slice %arg18[%add3A_27, %dma_start3A_28] : memref<10240x128xf32, #tpu.memory_space<vmem_shared>> -> memref<40x128xf32, #tpu.memory_space<vmem_shared>>
    %dma_start3A_30 = arith.constant 0 : i32
    %dma_start3A_31 = tpu.memref_slice %arg18[%add3A_27, %dma_start3A_30] : memref<10240x128xf32, #tpu.memory_space<vmem_shared>> -> memref<40x128xf32, #tpu.memory_space<vmem_shared>>
    tpu.enqueue_dma source(%arg11 : memref<40x128xf32, #tpu.memory_space<vmem>>) target(%dma_start3A_31 : memref<40x128xf32, #tpu.memory_space<vmem_shared>>) target_semaphore(%arg25 : memref<!tpu.dma_semaphore, #tpu.memory_space<semaphore_mem>>)
    %add3A_32 = arith.constant 40 : i32
    %add3A_33 = arith.addi %mul3A_25, %add3A_32 : i32
    %dma_start3A_34 = arith.constant 0 : i32
    %dma_start3A_35 = tpu.memref_slice %arg18[%add3A_33, %dma_start3A_34] : memref<10240x128xf32, #tpu.memory_space<vmem_shared>> -> memref<40x128xf32, #tpu.memory_space<vmem_shared>>
    %dma_start3A_36 = arith.constant 0 : i32
    %dma_start3A_37 = tpu.memref_slice %arg18[%add3A_33, %dma_start3A_36] : memref<10240x128xf32, #tpu.memory_space<vmem_shared>> -> memref<40x128xf32, #tpu.memory_space<vmem_shared>>
    tpu.enqueue_dma source(%arg11 : memref<40x128xf32, #tpu.memory_space<vmem>>) target(%dma_start3A_37 : memref<40x128xf32, #tpu.memory_space<vmem_shared>>) target_semaphore(%arg26 : memref<!tpu.dma_semaphore, #tpu.memory_space<semaphore_mem>>)
    %add3A_38 = arith.constant 80 : i32
    %add3A_39 = arith.addi %mul3A_25, %add3A_38 : i32
    %dma_start3A_40 = arith.constant 0 : i32
    %dma_start3A_41 = tpu.memref_slice %arg18[%add3A_39, %dma_start3A_40] : memref<10240x128xf32, #tpu.memory_space<vmem_shared>> -> memref<40x128xf32, #tpu.memory_space<vmem_shared>>
    %dma_start3A_42 = arith.constant 0 : i32
    %dma_start3A_43 = tpu.memref_slice %arg18[%add3A_39, %dma_start3A_42] : memref<10240x128xf32, #tpu.memory_space<vmem_shared>> -> memref<40x128xf32, #tpu.memory_space<vmem_shared>>
    tpu.enqueue_dma source(%arg11 : memref<40x128xf32, #tpu.memory_space<vmem>>) target(%dma_start3A_43 : memref<40x128xf32, #tpu.memory_space<vmem_shared>>) target_semaphore(%arg27 : memref<!tpu.dma_semaphore, #tpu.memory_space<semaphore_mem>>)
    %add3A_44 = arith.constant 120 : i32
    %add3A_45 = arith.addi %mul3A_25, %add3A_44 : i32
    %dma_start3A_46 = arith.constant 0 : i32
    %dma_start3A_47 = tpu.memref_slice %arg18[%add3A_45, %dma_start3A_46] : memref<10240x128xf32, #tpu.memory_space<vmem_shared>> -> memref<40x128xf32, #tpu.memory_space<vmem_shared>>
    %dma_start3A_48 = arith.constant 0 : i32
    %dma_start3A_49 = tpu.memref_slice %arg18[%add3A_45, %dma_start3A_48] : memref<10240x128xf32, #tpu.memory_space<vmem_shared>> -> memref<40x128xf32, #tpu.memory_space<vmem_shared>>
    tpu.enqueue_dma source(%arg11 : memref<40x128xf32, #tpu.memory_space<vmem>>) target(%dma_start3A_49 : memref<40x128xf32, #tpu.memory_space<vmem_shared>>) target_semaphore(%arg28 : memref<!tpu.dma_semaphore, #tpu.memory_space<semaphore_mem>>)
    %add3A_50 = arith.constant 160 : i32
    %add3A_51 = arith.addi %mul3A_25, %add3A_50 : i32
    %dma_start3A_52 = arith.constant 0 : i32
    %dma_start3A_53 = tpu.memref_slice %arg18[%add3A_51, %dma_start3A_52] : memref<10240x128xf32, #tpu.memory_space<vmem_shared>> -> memref<40x128xf32, #tpu.memory_space<vmem_shared>>
    %dma_start3A_54 = arith.constant 0 : i32
    %dma_start3A_55 = tpu.memref_slice %arg18[%add3A_51, %dma_start3A_54] : memref<10240x128xf32, #tpu.memory_space<vmem_shared>> -> memref<40x128xf32, #tpu.memory_space<vmem_shared>>
    tpu.enqueue_dma source(%arg11 : memref<40x128xf32, #tpu.memory_space<vmem>>) target(%dma_start3A_55 : memref<40x128xf32, #tpu.memory_space<vmem_shared>>) target_semaphore(%arg29 : memref<!tpu.dma_semaphore, #tpu.memory_space<semaphore_mem>>)
    %add3A_56 = arith.constant 200 : i32
    %add3A_57 = arith.addi %mul3A_25, %add3A_56 : i32
    %dma_start3A_58 = arith.constant 0 : i32
    %dma_start3A_59 = tpu.memref_slice %arg18[%add3A_57, %dma_start3A_58] : memref<10240x128xf32, #tpu.memory_space<vmem_shared>> -> memref<40x128xf32, #tpu.memory_space<vmem_shared>>
    %dma_start3A_60 = arith.constant 0 : i32
    %dma_start3A_61 = tpu.memref_slice %arg18[%add3A_57, %dma_start3A_60] : memref<10240x128xf32, #tpu.memory_space<vmem_shared>> -> memref<40x128xf32, #tpu.memory_space<vmem_shared>>
    tpu.enqueue_dma source(%arg11 : memref<40x128xf32, #tpu.memory_space<vmem>>) target(%dma_start3A_61 : memref<40x128xf32, #tpu.memory_space<vmem_shared>>) target_semaphore(%arg25 : memref<!tpu.dma_semaphore, #tpu.memory_space<semaphore_mem>>)
    %add3A_62 = arith.constant 240 : i32
    %add3A_63 = arith.addi %mul3A_25, %add3A_62 : i32
    %dma_start3A_64 = arith.constant 0 : i32
    %dma_start3A_65 = tpu.memref_slice %arg18[%add3A_63, %dma_start3A_64] : memref<10240x128xf32, #tpu.memory_space<vmem_shared>> -> memref<40x128xf32, #tpu.memory_space<vmem_shared>>
    %dma_start3A_66 = arith.constant 0 : i32
    %dma_start3A_67 = tpu.memref_slice %arg18[%add3A_63, %dma_start3A_66] : memref<10240x128xf32, #tpu.memory_space<vmem_shared>> -> memref<40x128xf32, #tpu.memory_space<vmem_shared>>
    tpu.enqueue_dma source(%arg11 : memref<40x128xf32, #tpu.memory_space<vmem>>) target(%dma_start3A_67 : memref<40x128xf32, #tpu.memory_space<vmem_shared>>) target_semaphore(%arg26 : memref<!tpu.dma_semaphore, #tpu.memory_space<semaphore_mem>>)
    %add3A_68 = arith.constant 280 : i32
    %add3A_69 = arith.addi %mul3A_25, %add3A_68 : i32
    %dma_start3A_70 = arith.constant 0 : i32
    %dma_start3A_71 = tpu.memref_slice %arg18[%add3A_69, %dma_start3A_70] : memref<10240x128xf32, #tpu.memory_space<vmem_shared>> -> memref<40x128xf32, #tpu.memory_space<vmem_shared>>
    %dma_start3A_72 = arith.constant 0 : i32
    %dma_start3A_73 = tpu.memref_slice %arg18[%add3A_69, %dma_start3A_72] : memref<10240x128xf32, #tpu.memory_space<vmem_shared>> -> memref<40x128xf32, #tpu.memory_space<vmem_shared>>
    tpu.enqueue_dma source(%arg11 : memref<40x128xf32, #tpu.memory_space<vmem>>) target(%dma_start3A_73 : memref<40x128xf32, #tpu.memory_space<vmem_shared>>) target_semaphore(%arg27 : memref<!tpu.dma_semaphore, #tpu.memory_space<semaphore_mem>>)
    %add3A_74 = arith.constant 320 : i32
    %add3A_75 = arith.addi %mul3A_25, %add3A_74 : i32
    %dma_start3A_76 = arith.constant 0 : i32
    %dma_start3A_77 = tpu.memref_slice %arg18[%add3A_75, %dma_start3A_76] : memref<10240x128xf32, #tpu.memory_space<vmem_shared>> -> memref<40x128xf32, #tpu.memory_space<vmem_shared>>
    %dma_start3A_78 = arith.constant 0 : i32
    %dma_start3A_79 = tpu.memref_slice %arg18[%add3A_75, %dma_start3A_78] : memref<10240x128xf32, #tpu.memory_space<vmem_shared>> -> memref<40x128xf32, #tpu.memory_space<vmem_shared>>
    tpu.enqueue_dma source(%arg11 : memref<40x128xf32, #tpu.memory_space<vmem>>) target(%dma_start3A_79 : memref<40x128xf32, #tpu.memory_space<vmem_shared>>) target_semaphore(%arg28 : memref<!tpu.dma_semaphore, #tpu.memory_space<semaphore_mem>>)
    %add3A_80 = arith.constant 360 : i32
    %add3A_81 = arith.addi %mul3A_25, %add3A_80 : i32
    %dma_start3A_82 = arith.constant 0 : i32
    %dma_start3A_83 = tpu.memref_slice %arg18[%add3A_81, %dma_start3A_82] : memref<10240x128xf32, #tpu.memory_space<vmem_shared>> -> memref<40x128xf32, #tpu.memory_space<vmem_shared>>
    %dma_start3A_84 = arith.constant 0 : i32
    %dma_start3A_85 = tpu.memref_slice %arg18[%add3A_81, %dma_start3A_84] : memref<10240x128xf32, #tpu.memory_space<vmem_shared>> -> memref<40x128xf32, #tpu.memory_space<vmem_shared>>
    tpu.enqueue_dma source(%arg11 : memref<40x128xf32, #tpu.memory_space<vmem>>) target(%dma_start3A_85 : memref<40x128xf32, #tpu.memory_space<vmem_shared>>) target_semaphore(%arg29 : memref<!tpu.dma_semaphore, #tpu.memory_space<semaphore_mem>>)
    %add3A_86 = arith.constant 400 : i32
    %add3A_87 = arith.addi %mul3A_25, %add3A_86 : i32
    %dma_start3A_88 = arith.constant 0 : i32
    %dma_start3A_89 = tpu.memref_slice %arg18[%add3A_87, %dma_start3A_88] : memref<10240x128xf32, #tpu.memory_space<vmem_shared>> -> memref<40x128xf32, #tpu.memory_space<vmem_shared>>
    %dma_start3A_90 = arith.constant 0 : i32
    %dma_start3A_91 = tpu.memref_slice %arg18[%add3A_87, %dma_start3A_90] : memref<10240x128xf32, #tpu.memory_space<vmem_shared>> -> memref<40x128xf32, #tpu.memory_space<vmem_shared>>
    tpu.enqueue_dma source(%arg11 : memref<40x128xf32, #tpu.memory_space<vmem>>) target(%dma_start3A_91 : memref<40x128xf32, #tpu.memory_space<vmem_shared>>) target_semaphore(%arg25 : memref<!tpu.dma_semaphore, #tpu.memory_space<semaphore_mem>>)
    %add3A_92 = arith.constant 440 : i32
    %add3A_93 = arith.addi %mul3A_25, %add3A_92 : i32
    %dma_start3A_94 = arith.constant 0 : i32
    %dma_start3A_95 = tpu.memref_slice %arg18[%add3A_93, %dma_start3A_94] : memref<10240x128xf32, #tpu.memory_space<vmem_shared>> -> memref<40x128xf32, #tpu.memory_space<vmem_shared>>
    %dma_start3A_96 = arith.constant 0 : i32
    %dma_start3A_97 = tpu.memref_slice %arg18[%add3A_93, %dma_start3A_96] : memref<10240x128xf32, #tpu.memory_space<vmem_shared>> -> memref<40x128xf32, #tpu.memory_space<vmem_shared>>
    tpu.enqueue_dma source(%arg11 : memref<40x128xf32, #tpu.memory_space<vmem>>) target(%dma_start3A_97 : memref<40x128xf32, #tpu.memory_space<vmem_shared>>) target_semaphore(%arg26 : memref<!tpu.dma_semaphore, #tpu.memory_space<semaphore_mem>>)
    %add3A_98 = arith.constant 480 : i32
    %add3A_99 = arith.addi %mul3A_25, %add3A_98 : i32
    %dma_start3A_100 = arith.constant 0 : i32
    %dma_start3A_101 = tpu.memref_slice %arg18[%add3A_99, %dma_start3A_100] : memref<10240x128xf32, #tpu.memory_space<vmem_shared>> -> memref<40x128xf32, #tpu.memory_space<vmem_shared>>
    %dma_start3A_102 = arith.constant 0 : i32
    %dma_start3A_103 = tpu.memref_slice %arg18[%add3A_99, %dma_start3A_102] : memref<10240x128xf32, #tpu.memory_space<vmem_shared>> -> memref<40x128xf32, #tpu.memory_space<vmem_shared>>
    tpu.enqueue_dma source(%arg11 : memref<40x128xf32, #tpu.memory_space<vmem>>) target(%dma_start3A_103 : memref<40x128xf32, #tpu.memory_space<vmem_shared>>) target_semaphore(%arg27 : memref<!tpu.dma_semaphore, #tpu.memory_space<semaphore_mem>>)
    %add3A_104 = arith.constant 520 : i32
    %add3A_105 = arith.addi %mul3A_25, %add3A_104 : i32
    %dma_start3A_106 = arith.constant 0 : i32
    %dma_start3A_107 = tpu.memref_slice %arg18[%add3A_105, %dma_start3A_106] : memref<10240x128xf32, #tpu.memory_space<vmem_shared>> -> memref<40x128xf32, #tpu.memory_space<vmem_shared>>
    %dma_start3A_108 = arith.constant 0 : i32
    %dma_start3A_109 = tpu.memref_slice %arg18[%add3A_105, %dma_start3A_108] : memref<10240x128xf32, #tpu.memory_space<vmem_shared>> -> memref<40x128xf32, #tpu.memory_space<vmem_shared>>
    tpu.enqueue_dma source(%arg11 : memref<40x128xf32, #tpu.memory_space<vmem>>) target(%dma_start3A_109 : memref<40x128xf32, #tpu.memory_space<vmem_shared>>) target_semaphore(%arg28 : memref<!tpu.dma_semaphore, #tpu.memory_space<semaphore_mem>>)
    %add3A_110 = arith.constant 560 : i32
    %add3A_111 = arith.addi %mul3A_25, %add3A_110 : i32
    %dma_start3A_112 = arith.constant 0 : i32
    %dma_start3A_113 = tpu.memref_slice %arg18[%add3A_111, %dma_start3A_112] : memref<10240x128xf32, #tpu.memory_space<vmem_shared>> -> memref<40x128xf32, #tpu.memory_space<vmem_shared>>
    %dma_start3A_114 = arith.constant 0 : i32
    %dma_start3A_115 = tpu.memref_slice %arg18[%add3A_111, %dma_start3A_114] : memref<10240x128xf32, #tpu.memory_space<vmem_shared>> -> memref<40x128xf32, #tpu.memory_space<vmem_shared>>
    tpu.enqueue_dma source(%arg11 : memref<40x128xf32, #tpu.memory_space<vmem>>) target(%dma_start3A_115 : memref<40x128xf32, #tpu.memory_space<vmem_shared>>) target_semaphore(%arg29 : memref<!tpu.dma_semaphore, #tpu.memory_space<semaphore_mem>>)
    %add3A_116 = arith.constant 600 : i32
    %add3A_117 = arith.addi %mul3A_25, %add3A_116 : i32
    %dma_start3A_118 = arith.constant 0 : i32
    %dma_start3A_119 = tpu.memref_slice %arg18[%add3A_117, %dma_start3A_118] : memref<10240x128xf32, #tpu.memory_space<vmem_shared>> -> memref<40x128xf32, #tpu.memory_space<vmem_shared>>
    %dma_start3A_120 = arith.constant 0 : i32
    %dma_start3A_121 = tpu.memref_slice %arg18[%add3A_117, %dma_start3A_120] : memref<10240x128xf32, #tpu.memory_space<vmem_shared>> -> memref<40x128xf32, #tpu.memory_space<vmem_shared>>
    tpu.enqueue_dma source(%arg11 : memref<40x128xf32, #tpu.memory_space<vmem>>) target(%dma_start3A_121 : memref<40x128xf32, #tpu.memory_space<vmem_shared>>) target_semaphore(%arg25 : memref<!tpu.dma_semaphore, #tpu.memory_space<semaphore_mem>>)
    %add3A_122 = arith.constant 0 : i32
    %add3A_123 = arith.addi %mul3A_25, %add3A_122 : i32
    %dma_wait3A = arith.constant 0 : i32
    %dma_wait3A_124 = tpu.memref_slice %arg18[%add3A_123, %dma_wait3A] : memref<10240x128xf32, #tpu.memory_space<vmem_shared>> -> memref<40x128xf32, #tpu.memory_space<vmem_shared>>
    %dma_wait3A_125 = arith.constant 0 : i32
    %dma_wait3A_126 = tpu.memref_slice %arg18[%add3A_123, %dma_wait3A_125] : memref<10240x128xf32, #tpu.memory_space<vmem_shared>> -> memref<40x128xf32, #tpu.memory_space<vmem_shared>>
    tpu.wait_dma2 semaphore(%arg25 : memref<!tpu.dma_semaphore, #tpu.memory_space<semaphore_mem>>) src(%arg11 : memref<40x128xf32, #tpu.memory_space<vmem>>) dst(%dma_wait3A_126 : memref<40x128xf32, #tpu.memory_space<vmem_shared>>)
    %add3A_127 = arith.constant 40 : i32
    %add3A_128 = arith.addi %mul3A_25, %add3A_127 : i32
    %dma_wait3A_129 = arith.constant 0 : i32
    %dma_wait3A_130 = tpu.memref_slice %arg18[%add3A_128, %dma_wait3A_129] : memref<10240x128xf32, #tpu.memory_space<vmem_shared>> -> memref<40x128xf32, #tpu.memory_space<vmem_shared>>
    %dma_wait3A_131 = arith.constant 0 : i32
    %dma_wait3A_132 = tpu.memref_slice %arg18[%add3A_128, %dma_wait3A_131] : memref<10240x128xf32, #tpu.memory_space<vmem_shared>> -> memref<40x128xf32, #tpu.memory_space<vmem_shared>>
    tpu.wait_dma2 semaphore(%arg26 : memref<!tpu.dma_semaphore, #tpu.memory_space<semaphore_mem>>) src(%arg11 : memref<40x128xf32, #tpu.memory_space<vmem>>) dst(%dma_wait3A_132 : memref<40x128xf32, #tpu.memory_space<vmem_shared>>)
    %add3A_133 = arith.constant 80 : i32
    %add3A_134 = arith.addi %mul3A_25, %add3A_133 : i32
    %dma_wait3A_135 = arith.constant 0 : i32
    %dma_wait3A_136 = tpu.memref_slice %arg18[%add3A_134, %dma_wait3A_135] : memref<10240x128xf32, #tpu.memory_space<vmem_shared>> -> memref<40x128xf32, #tpu.memory_space<vmem_shared>>
    %dma_wait3A_137 = arith.constant 0 : i32
    %dma_wait3A_138 = tpu.memref_slice %arg18[%add3A_134, %dma_wait3A_137] : memref<10240x128xf32, #tpu.memory_space<vmem_shared>> -> memref<40x128xf32, #tpu.memory_space<vmem_shared>>
    tpu.wait_dma2 semaphore(%arg27 : memref<!tpu.dma_semaphore, #tpu.memory_space<semaphore_mem>>) src(%arg11 : memref<40x128xf32, #tpu.memory_space<vmem>>) dst(%dma_wait3A_138 : memref<40x128xf32, #tpu.memory_space<vmem_shared>>)
    %add3A_139 = arith.constant 120 : i32
    %add3A_140 = arith.addi %mul3A_25, %add3A_139 : i32
    %dma_wait3A_141 = arith.constant 0 : i32
    %dma_wait3A_142 = tpu.memref_slice %arg18[%add3A_140, %dma_wait3A_141] : memref<10240x128xf32, #tpu.memory_space<vmem_shared>> -> memref<40x128xf32, #tpu.memory_space<vmem_shared>>
    %dma_wait3A_143 = arith.constant 0 : i32
    %dma_wait3A_144 = tpu.memref_slice %arg18[%add3A_140, %dma_wait3A_143] : memref<10240x128xf32, #tpu.memory_space<vmem_shared>> -> memref<40x128xf32, #tpu.memory_space<vmem_shared>>
    tpu.wait_dma2 semaphore(%arg28 : memref<!tpu.dma_semaphore, #tpu.memory_space<semaphore_mem>>) src(%arg11 : memref<40x128xf32, #tpu.memory_space<vmem>>) dst(%dma_wait3A_144 : memref<40x128xf32, #tpu.memory_space<vmem_shared>>)
    %add3A_145 = arith.constant 160 : i32
    %add3A_146 = arith.addi %mul3A_25, %add3A_145 : i32
    %dma_wait3A_147 = arith.constant 0 : i32
    %dma_wait3A_148 = tpu.memref_slice %arg18[%add3A_146, %dma_wait3A_147] : memref<10240x128xf32, #tpu.memory_space<vmem_shared>> -> memref<40x128xf32, #tpu.memory_space<vmem_shared>>
    %dma_wait3A_149 = arith.constant 0 : i32
    %dma_wait3A_150 = tpu.memref_slice %arg18[%add3A_146, %dma_wait3A_149] : memref<10240x128xf32, #tpu.memory_space<vmem_shared>> -> memref<40x128xf32, #tpu.memory_space<vmem_shared>>
    tpu.wait_dma2 semaphore(%arg29 : memref<!tpu.dma_semaphore, #tpu.memory_space<semaphore_mem>>) src(%arg11 : memref<40x128xf32, #tpu.memory_space<vmem>>) dst(%dma_wait3A_150 : memref<40x128xf32, #tpu.memory_space<vmem_shared>>)
    %add3A_151 = arith.constant 200 : i32
    %add3A_152 = arith.addi %mul3A_25, %add3A_151 : i32
    %dma_wait3A_153 = arith.constant 0 : i32
    %dma_wait3A_154 = tpu.memref_slice %arg18[%add3A_152, %dma_wait3A_153] : memref<10240x128xf32, #tpu.memory_space<vmem_shared>> -> memref<40x128xf32, #tpu.memory_space<vmem_shared>>
    %dma_wait3A_155 = arith.constant 0 : i32
    %dma_wait3A_156 = tpu.memref_slice %arg18[%add3A_152, %dma_wait3A_155] : memref<10240x128xf32, #tpu.memory_space<vmem_shared>> -> memref<40x128xf32, #tpu.memory_space<vmem_shared>>
    tpu.wait_dma2 semaphore(%arg25 : memref<!tpu.dma_semaphore, #tpu.memory_space<semaphore_mem>>) src(%arg11 : memref<40x128xf32, #tpu.memory_space<vmem>>) dst(%dma_wait3A_156 : memref<40x128xf32, #tpu.memory_space<vmem_shared>>)
    %add3A_157 = arith.constant 240 : i32
    %add3A_158 = arith.addi %mul3A_25, %add3A_157 : i32
    %dma_wait3A_159 = arith.constant 0 : i32
    %dma_wait3A_160 = tpu.memref_slice %arg18[%add3A_158, %dma_wait3A_159] : memref<10240x128xf32, #tpu.memory_space<vmem_shared>> -> memref<40x128xf32, #tpu.memory_space<vmem_shared>>
    %dma_wait3A_161 = arith.constant 0 : i32
    %dma_wait3A_162 = tpu.memref_slice %arg18[%add3A_158, %dma_wait3A_161] : memref<10240x128xf32, #tpu.memory_space<vmem_shared>> -> memref<40x128xf32, #tpu.memory_space<vmem_shared>>
    tpu.wait_dma2 semaphore(%arg26 : memref<!tpu.dma_semaphore, #tpu.memory_space<semaphore_mem>>) src(%arg11 : memref<40x128xf32, #tpu.memory_space<vmem>>) dst(%dma_wait3A_162 : memref<40x128xf32, #tpu.memory_space<vmem_shared>>)
    %add3A_163 = arith.constant 280 : i32
    %add3A_164 = arith.addi %mul3A_25, %add3A_163 : i32
    %dma_wait3A_165 = arith.constant 0 : i32
    %dma_wait3A_166 = tpu.memref_slice %arg18[%add3A_164, %dma_wait3A_165] : memref<10240x128xf32, #tpu.memory_space<vmem_shared>> -> memref<40x128xf32, #tpu.memory_space<vmem_shared>>
    %dma_wait3A_167 = arith.constant 0 : i32
    %dma_wait3A_168 = tpu.memref_slice %arg18[%add3A_164, %dma_wait3A_167] : memref<10240x128xf32, #tpu.memory_space<vmem_shared>> -> memref<40x128xf32, #tpu.memory_space<vmem_shared>>
    tpu.wait_dma2 semaphore(%arg27 : memref<!tpu.dma_semaphore, #tpu.memory_space<semaphore_mem>>) src(%arg11 : memref<40x128xf32, #tpu.memory_space<vmem>>) dst(%dma_wait3A_168 : memref<40x128xf32, #tpu.memory_space<vmem_shared>>)
    %add3A_169 = arith.constant 320 : i32
    %add3A_170 = arith.addi %mul3A_25, %add3A_169 : i32
    %dma_wait3A_171 = arith.constant 0 : i32
    %dma_wait3A_172 = tpu.memref_slice %arg18[%add3A_170, %dma_wait3A_171] : memref<10240x128xf32, #tpu.memory_space<vmem_shared>> -> memref<40x128xf32, #tpu.memory_space<vmem_shared>>
    %dma_wait3A_173 = arith.constant 0 : i32
    %dma_wait3A_174 = tpu.memref_slice %arg18[%add3A_170, %dma_wait3A_173] : memref<10240x128xf32, #tpu.memory_space<vmem_shared>> -> memref<40x128xf32, #tpu.memory_space<vmem_shared>>
    tpu.wait_dma2 semaphore(%arg28 : memref<!tpu.dma_semaphore, #tpu.memory_space<semaphore_mem>>) src(%arg11 : memref<40x128xf32, #tpu.memory_space<vmem>>) dst(%dma_wait3A_174 : memref<40x128xf32, #tpu.memory_space<vmem_shared>>)
    %add3A_175 = arith.constant 360 : i32
    %add3A_176 = arith.addi %mul3A_25, %add3A_175 : i32
    %dma_wait3A_177 = arith.constant 0 : i32
    %dma_wait3A_178 = tpu.memref_slice %arg18[%add3A_176, %dma_wait3A_177] : memref<10240x128xf32, #tpu.memory_space<vmem_shared>> -> memref<40x128xf32, #tpu.memory_space<vmem_shared>>
    %dma_wait3A_179 = arith.constant 0 : i32
    %dma_wait3A_180 = tpu.memref_slice %arg18[%add3A_176, %dma_wait3A_179] : memref<10240x128xf32, #tpu.memory_space<vmem_shared>> -> memref<40x128xf32, #tpu.memory_space<vmem_shared>>
    tpu.wait_dma2 semaphore(%arg29 : memref<!tpu.dma_semaphore, #tpu.memory_space<semaphore_mem>>) src(%arg11 : memref<40x128xf32, #tpu.memory_space<vmem>>) dst(%dma_wait3A_180 : memref<40x128xf32, #tpu.memory_space<vmem_shared>>)
    %add3A_181 = arith.constant 400 : i32
    %add3A_182 = arith.addi %mul3A_25, %add3A_181 : i32
    %dma_wait3A_183 = arith.constant 0 : i32
    %dma_wait3A_184 = tpu.memref_slice %arg18[%add3A_182, %dma_wait3A_183] : memref<10240x128xf32, #tpu.memory_space<vmem_shared>> -> memref<40x128xf32, #tpu.memory_space<vmem_shared>>
    %dma_wait3A_185 = arith.constant 0 : i32
    %dma_wait3A_186 = tpu.memref_slice %arg18[%add3A_182, %dma_wait3A_185] : memref<10240x128xf32, #tpu.memory_space<vmem_shared>> -> memref<40x128xf32, #tpu.memory_space<vmem_shared>>
    tpu.wait_dma2 semaphore(%arg25 : memref<!tpu.dma_semaphore, #tpu.memory_space<semaphore_mem>>) src(%arg11 : memref<40x128xf32, #tpu.memory_space<vmem>>) dst(%dma_wait3A_186 : memref<40x128xf32, #tpu.memory_space<vmem_shared>>)
    %add3A_187 = arith.constant 440 : i32
    %add3A_188 = arith.addi %mul3A_25, %add3A_187 : i32
    %dma_wait3A_189 = arith.constant 0 : i32
    %dma_wait3A_190 = tpu.memref_slice %arg18[%add3A_188, %dma_wait3A_189] : memref<10240x128xf32, #tpu.memory_space<vmem_shared>> -> memref<40x128xf32, #tpu.memory_space<vmem_shared>>
    %dma_wait3A_191 = arith.constant 0 : i32
    %dma_wait3A_192 = tpu.memref_slice %arg18[%add3A_188, %dma_wait3A_191] : memref<10240x128xf32, #tpu.memory_space<vmem_shared>> -> memref<40x128xf32, #tpu.memory_space<vmem_shared>>
    tpu.wait_dma2 semaphore(%arg26 : memref<!tpu.dma_semaphore, #tpu.memory_space<semaphore_mem>>) src(%arg11 : memref<40x128xf32, #tpu.memory_space<vmem>>) dst(%dma_wait3A_192 : memref<40x128xf32, #tpu.memory_space<vmem_shared>>)
    %add3A_193 = arith.constant 480 : i32
    %add3A_194 = arith.addi %mul3A_25, %add3A_193 : i32
    %dma_wait3A_195 = arith.constant 0 : i32
    %dma_wait3A_196 = tpu.memref_slice %arg18[%add3A_194, %dma_wait3A_195] : memref<10240x128xf32, #tpu.memory_space<vmem_shared>> -> memref<40x128xf32, #tpu.memory_space<vmem_shared>>
    %dma_wait3A_197 = arith.constant 0 : i32
    %dma_wait3A_198 = tpu.memref_slice %arg18[%add3A_194, %dma_wait3A_197] : memref<10240x128xf32, #tpu.memory_space<vmem_shared>> -> memref<40x128xf32, #tpu.memory_space<vmem_shared>>
    tpu.wait_dma2 semaphore(%arg27 : memref<!tpu.dma_semaphore, #tpu.memory_space<semaphore_mem>>) src(%arg11 : memref<40x128xf32, #tpu.memory_space<vmem>>) dst(%dma_wait3A_198 : memref<40x128xf32, #tpu.memory_space<vmem_shared>>)
    %add3A_199 = arith.constant 520 : i32
    %add3A_200 = arith.addi %mul3A_25, %add3A_199 : i32
    %dma_wait3A_201 = arith.constant 0 : i32
    %dma_wait3A_202 = tpu.memref_slice %arg18[%add3A_200, %dma_wait3A_201] : memref<10240x128xf32, #tpu.memory_space<vmem_shared>> -> memref<40x128xf32, #tpu.memory_space<vmem_shared>>
    %dma_wait3A_203 = arith.constant 0 : i32
    %dma_wait3A_204 = tpu.memref_slice %arg18[%add3A_200, %dma_wait3A_203] : memref<10240x128xf32, #tpu.memory_space<vmem_shared>> -> memref<40x128xf32, #tpu.memory_space<vmem_shared>>
    tpu.wait_dma2 semaphore(%arg28 : memref<!tpu.dma_semaphore, #tpu.memory_space<semaphore_mem>>) src(%arg11 : memref<40x128xf32, #tpu.memory_space<vmem>>) dst(%dma_wait3A_204 : memref<40x128xf32, #tpu.memory_space<vmem_shared>>)
    %add3A_205 = arith.constant 560 : i32
    %add3A_206 = arith.addi %mul3A_25, %add3A_205 : i32
    %dma_wait3A_207 = arith.constant 0 : i32
    %dma_wait3A_208 = tpu.memref_slice %arg18[%add3A_206, %dma_wait3A_207] : memref<10240x128xf32, #tpu.memory_space<vmem_shared>> -> memref<40x128xf32, #tpu.memory_space<vmem_shared>>
    %dma_wait3A_209 = arith.constant 0 : i32
    %dma_wait3A_210 = tpu.memref_slice %arg18[%add3A_206, %dma_wait3A_209] : memref<10240x128xf32, #tpu.memory_space<vmem_shared>> -> memref<40x128xf32, #tpu.memory_space<vmem_shared>>
    tpu.wait_dma2 semaphore(%arg29 : memref<!tpu.dma_semaphore, #tpu.memory_space<semaphore_mem>>) src(%arg11 : memref<40x128xf32, #tpu.memory_space<vmem>>) dst(%dma_wait3A_210 : memref<40x128xf32, #tpu.memory_space<vmem_shared>>)
    %add3A_211 = arith.constant 600 : i32
    %add3A_212 = arith.addi %mul3A_25, %add3A_211 : i32
    %dma_wait3A_213 = arith.constant 0 : i32
    %dma_wait3A_214 = tpu.memref_slice %arg18[%add3A_212, %dma_wait3A_213] : memref<10240x128xf32, #tpu.memory_space<vmem_shared>> -> memref<40x128xf32, #tpu.memory_space<vmem_shared>>
    %dma_wait3A_215 = arith.constant 0 : i32
    %dma_wait3A_216 = tpu.memref_slice %arg18[%add3A_212, %dma_wait3A_215] : memref<10240x128xf32, #tpu.memory_space<vmem_shared>> -> memref<40x128xf32, #tpu.memory_space<vmem_shared>>
    tpu.wait_dma2 semaphore(%arg25 : memref<!tpu.dma_semaphore, #tpu.memory_space<semaphore_mem>>) src(%arg11 : memref<40x128xf32, #tpu.memory_space<vmem>>) dst(%dma_wait3A_216 : memref<40x128xf32, #tpu.memory_space<vmem_shared>>)
    %add3A_217 = arith.constant 0 : i32
    %add3A_218 = arith.addi %mul3A_2, %add3A_217 : i32
    %dma_wait3A_219 = tpu.memref_slice %arg3[%add3A_218] : memref<320000xi32, #tpu.memory_space<hbm>> -> memref<200xi32, #tpu.memory_space<hbm>>
    %dma_wait3A_220 = tpu.memref_slice %arg3[%add3A_218] : memref<320000xi32, #tpu.memory_space<hbm>> -> memref<200xi32, #tpu.memory_space<hbm>>
    tpu.wait_dma2 semaphore(%arg35 : memref<!tpu.dma_semaphore, #tpu.memory_space<semaphore_mem>>) src(%dma_wait3A_220 : memref<200xi32, #tpu.memory_space<hbm>>) dst(%arg7 : memref<200xi32, #tpu.memory_space<vmem>>)
    %add3A_221 = arith.constant 0 : i32
    %add3A_222 = arith.addi %mul3A_2, %add3A_221 : i32
    %dma_wait3A_223 = tpu.memref_slice %arg4[%add3A_222] : memref<320000xi32, #tpu.memory_space<hbm>> -> memref<200xi32, #tpu.memory_space<hbm>>
    %dma_wait3A_224 = tpu.memref_slice %arg4[%add3A_222] : memref<320000xi32, #tpu.memory_space<hbm>> -> memref<200xi32, #tpu.memory_space<hbm>>
    tpu.wait_dma2 semaphore(%arg37 : memref<!tpu.dma_semaphore, #tpu.memory_space<semaphore_mem>>) src(%dma_wait3A_224 : memref<200xi32, #tpu.memory_space<hbm>>) dst(%arg9 : memref<200xi32, #tpu.memory_space<vmem>>)
    %dma_start3A_225 = arith.constant 0 : i32
    %dma_start3A_226 = tpu.memref_slice %arg7[%dma_start3A_225] : memref<200xi32, #tpu.memory_space<vmem>> -> memref<40xi32, #tpu.memory_space<vmem>>
    %dma_start3A_227 = arith.constant 0 : i32
    %dma_start3A_228 = arith.constant 0 : i32
    %dma_start3A_229 = tpu.memref_slice %arg2[%dma_start3A_227, %dma_start3A_228] : memref<10000x128xf32, #tpu.memory_space<hbm>> -> memref<10000x128xf32, #tpu.memory_space<hbm>>
    tpu.enqueue_indirect_dma source(%dma_start3A_229 : memref<10000x128xf32, #tpu.memory_space<hbm>>) target(%arg11 : memref<40x128xf32, #tpu.memory_space<vmem>>) offsets(%dma_start3A_226 : memref<40xi32, #tpu.memory_space<vmem>>) semaphore(%arg20 : memref<!tpu.dma_semaphore, #tpu.memory_space<semaphore_mem>>)
    %dma_start3A_230 = arith.constant 40 : i32
    %dma_start3A_231 = tpu.memref_slice %arg7[%dma_start3A_230] : memref<200xi32, #tpu.memory_space<vmem>> -> memref<40xi32, #tpu.memory_space<vmem>>
    %dma_start3A_232 = arith.constant 0 : i32
    %dma_start3A_233 = arith.constant 0 : i32
    %dma_start3A_234 = tpu.memref_slice %arg2[%dma_start3A_232, %dma_start3A_233] : memref<10000x128xf32, #tpu.memory_space<hbm>> -> memref<10000x128xf32, #tpu.memory_space<hbm>>
    tpu.enqueue_indirect_dma source(%dma_start3A_234 : memref<10000x128xf32, #tpu.memory_space<hbm>>) target(%arg12 : memref<40x128xf32, #tpu.memory_space<vmem>>) offsets(%dma_start3A_231 : memref<40xi32, #tpu.memory_space<vmem>>) semaphore(%arg21 : memref<!tpu.dma_semaphore, #tpu.memory_space<semaphore_mem>>)
    %dma_start3A_235 = arith.constant 80 : i32
    %dma_start3A_236 = tpu.memref_slice %arg7[%dma_start3A_235] : memref<200xi32, #tpu.memory_space<vmem>> -> memref<40xi32, #tpu.memory_space<vmem>>
    %dma_start3A_237 = arith.constant 0 : i32
    %dma_start3A_238 = arith.constant 0 : i32
    %dma_start3A_239 = tpu.memref_slice %arg2[%dma_start3A_237, %dma_start3A_238] : memref<10000x128xf32, #tpu.memory_space<hbm>> -> memref<10000x128xf32, #tpu.memory_space<hbm>>
    tpu.enqueue_indirect_dma source(%dma_start3A_239 : memref<10000x128xf32, #tpu.memory_space<hbm>>) target(%arg13 : memref<40x128xf32, #tpu.memory_space<vmem>>) offsets(%dma_start3A_236 : memref<40xi32, #tpu.memory_space<vmem>>) semaphore(%arg22 : memref<!tpu.dma_semaphore, #tpu.memory_space<semaphore_mem>>)
    %dma_start3A_240 = arith.constant 120 : i32
    %dma_start3A_241 = tpu.memref_slice %arg7[%dma_start3A_240] : memref<200xi32, #tpu.memory_space<vmem>> -> memref<40xi32, #tpu.memory_space<vmem>>
    %dma_start3A_242 = arith.constant 0 : i32
    %dma_start3A_243 = arith.constant 0 : i32
    %dma_start3A_244 = tpu.memref_slice %arg2[%dma_start3A_242, %dma_start3A_243] : memref<10000x128xf32, #tpu.memory_space<hbm>> -> memref<10000x128xf32, #tpu.memory_space<hbm>>
    tpu.enqueue_indirect_dma source(%dma_start3A_244 : memref<10000x128xf32, #tpu.memory_space<hbm>>) target(%arg14 : memref<40x128xf32, #tpu.memory_space<vmem>>) offsets(%dma_start3A_241 : memref<40xi32, #tpu.memory_space<vmem>>) semaphore(%arg23 : memref<!tpu.dma_semaphore, #tpu.memory_space<semaphore_mem>>)
    %dma_start3A_245 = arith.constant 160 : i32
    %dma_start3A_246 = tpu.memref_slice %arg7[%dma_start3A_245] : memref<200xi32, #tpu.memory_space<vmem>> -> memref<40xi32, #tpu.memory_space<vmem>>
    %dma_start3A_247 = arith.constant 0 : i32
    %dma_start3A_248 = arith.constant 0 : i32
    %dma_start3A_249 = tpu.memref_slice %arg2[%dma_start3A_247, %dma_start3A_248] : memref<10000x128xf32, #tpu.memory_space<hbm>> -> memref<10000x128xf32, #tpu.memory_space<hbm>>
    tpu.enqueue_indirect_dma source(%dma_start3A_249 : memref<10000x128xf32, #tpu.memory_space<hbm>>) target(%arg15 : memref<40x128xf32, #tpu.memory_space<vmem>>) offsets(%dma_start3A_246 : memref<40xi32, #tpu.memory_space<vmem>>) semaphore(%arg24 : memref<!tpu.dma_semaphore, #tpu.memory_space<semaphore_mem>>)
    %barrier3A = arith.constant 0 : index
    tpu.barrier barrier_id(%barrier3A)
    %scan3A_250 = arith.constant 0 : i32
    %scan3A_251 = arith.constant 0 : i32
    %scan3A_252 = arith.constant 25 : i32
    %scan3A_253 = arith.addi %scan3A_251, %scan3A_252 : i32
    %scan3A_254 = arith.constant 1 : i32
    %scan3A_255 = scf.for %scan3A_258 = %scan3A_251 to %scan3A_253 step %scan3A_254 iter_args(%scan3A_259 = %scan3A_250) -> (i32)  : i32 {
      %mul3A_260 = arith.constant 2 : i32
      %mul3A_261 = arith.muli %mul3A_260, %scan3A_258 : i32
      %add3A_262 = arith.constant 0 : i32
      %add3A_263 = arith.addi %mul3A_261, %add3A_262 : i32
      %dma_wait3A_264 = arith.constant 0 : i32
      %dma_wait3A_265 = tpu.memref_slice %arg7[%dma_wait3A_264] : memref<200xi32, #tpu.memory_space<vmem>> -> memref<40xi32, #tpu.memory_space<vmem>>
      %dma_wait3A_266 = arith.constant 0 : i32
      %dma_wait3A_267 = arith.constant 0 : i32
      %dma_wait3A_268 = tpu.memref_slice %arg2[%dma_wait3A_266, %dma_wait3A_267] : memref<10000x128xf32, #tpu.memory_space<hbm>> -> memref<10000x128xf32, #tpu.memory_space<hbm>>
      tpu.wait_indirect_dma semaphore(%arg20 : memref<!tpu.dma_semaphore, #tpu.memory_space<semaphore_mem>>) src(%dma_wait3A_268 : memref<10000x128xf32, #tpu.memory_space<hbm>>) dst(%arg11 : memref<40x128xf32, #tpu.memory_space<vmem>>)
      %dma_start3A_269 = arith.constant 0 : i32
      %dma_start3A_270 = tpu.memref_slice %arg9[%dma_start3A_269] : memref<200xi32, #tpu.memory_space<vmem>> -> memref<40xi32, #tpu.memory_space<vmem>>
      %dma_start3A_271 = arith.constant 0 : i32
      %dma_start3A_272 = arith.constant 0 : i32
      %dma_start3A_273 = tpu.memref_slice %arg18[%dma_start3A_271, %dma_start3A_272] : memref<10240x128xf32, #tpu.memory_space<vmem_shared>> -> memref<10240x128xf32, #tpu.memory_space<vmem_shared>>
      tpu.enqueue_indirect_dma source(%arg11 : memref<40x128xf32, #tpu.memory_space<vmem>>) target(%dma_start3A_273 : memref<10240x128xf32, #tpu.memory_space<vmem_shared>>) offsets(%dma_start3A_270 : memref<40xi32, #tpu.memory_space<vmem>>) semaphore(%arg25 : memref<!tpu.dma_semaphore, #tpu.memory_space<semaphore_mem>>) {add = true}
      %dma_wait3A_274 = arith.constant 40 : i32
      %dma_wait3A_275 = tpu.memref_slice %arg7[%dma_wait3A_274] : memref<200xi32, #tpu.memory_space<vmem>> -> memref<40xi32, #tpu.memory_space<vmem>>
      %dma_wait3A_276 = arith.constant 0 : i32
      %dma_wait3A_277 = arith.constant 0 : i32
      %dma_wait3A_278 = tpu.memref_slice %arg2[%dma_wait3A_276, %dma_wait3A_277] : memref<10000x128xf32, #tpu.memory_space<hbm>> -> memref<10000x128xf32, #tpu.memory_space<hbm>>
      tpu.wait_indirect_dma semaphore(%arg21 : memref<!tpu.dma_semaphore, #tpu.memory_space<semaphore_mem>>) src(%dma_wait3A_278 : memref<10000x128xf32, #tpu.memory_space<hbm>>) dst(%arg12 : memref<40x128xf32, #tpu.memory_space<vmem>>)
      %dma_start3A_279 = arith.constant 40 : i32
      %dma_start3A_280 = tpu.memref_slice %arg9[%dma_start3A_279] : memref<200xi32, #tpu.memory_space<vmem>> -> memref<40xi32, #tpu.memory_space<vmem>>
      %dma_start3A_281 = arith.constant 0 : i32
      %dma_start3A_282 = arith.constant 0 : i32
      %dma_start3A_283 = tpu.memref_slice %arg18[%dma_start3A_281, %dma_start3A_282] : memref<10240x128xf32, #tpu.memory_space<vmem_shared>> -> memref<10240x128xf32, #tpu.memory_space<vmem_shared>>
      tpu.enqueue_indirect_dma source(%arg12 : memref<40x128xf32, #tpu.memory_space<vmem>>) target(%dma_start3A_283 : memref<10240x128xf32, #tpu.memory_space<vmem_shared>>) offsets(%dma_start3A_280 : memref<40xi32, #tpu.memory_space<vmem>>) semaphore(%arg26 : memref<!tpu.dma_semaphore, #tpu.memory_space<semaphore_mem>>) {add = true}
      %dma_wait3A_284 = arith.constant 80 : i32
      %dma_wait3A_285 = tpu.memref_slice %arg7[%dma_wait3A_284] : memref<200xi32, #tpu.memory_space<vmem>> -> memref<40xi32, #tpu.memory_space<vmem>>
      %dma_wait3A_286 = arith.constant 0 : i32
      %dma_wait3A_287 = arith.constant 0 : i32
      %dma_wait3A_288 = tpu.memref_slice %arg2[%dma_wait3A_286, %dma_wait3A_287] : memref<10000x128xf32, #tpu.memory_space<hbm>> -> memref<10000x128xf32, #tpu.memory_space<hbm>>
      tpu.wait_indirect_dma semaphore(%arg22 : memref<!tpu.dma_semaphore, #tpu.memory_space<semaphore_mem>>) src(%dma_wait3A_288 : memref<10000x128xf32, #tpu.memory_space<hbm>>) dst(%arg13 : memref<40x128xf32, #tpu.memory_space<vmem>>)
      %dma_start3A_289 = arith.constant 80 : i32
      %dma_start3A_290 = tpu.memref_slice %arg9[%dma_start3A_289] : memref<200xi32, #tpu.memory_space<vmem>> -> memref<40xi32, #tpu.memory_space<vmem>>
      %dma_start3A_291 = arith.constant 0 : i32
      %dma_start3A_292 = arith.constant 0 : i32
      %dma_start3A_293 = tpu.memref_slice %arg18[%dma_start3A_291, %dma_start3A_292] : memref<10240x128xf32, #tpu.memory_space<vmem_shared>> -> memref<10240x128xf32, #tpu.memory_space<vmem_shared>>
      tpu.enqueue_indirect_dma source(%arg13 : memref<40x128xf32, #tpu.memory_space<vmem>>) target(%dma_start3A_293 : memref<10240x128xf32, #tpu.memory_space<vmem_shared>>) offsets(%dma_start3A_290 : memref<40xi32, #tpu.memory_space<vmem>>) semaphore(%arg27 : memref<!tpu.dma_semaphore, #tpu.memory_space<semaphore_mem>>) {add = true}
      %dma_wait3A_294 = arith.constant 120 : i32
      %dma_wait3A_295 = tpu.memref_slice %arg7[%dma_wait3A_294] : memref<200xi32, #tpu.memory_space<vmem>> -> memref<40xi32, #tpu.memory_space<vmem>>
      %dma_wait3A_296 = arith.constant 0 : i32
      %dma_wait3A_297 = arith.constant 0 : i32
      %dma_wait3A_298 = tpu.memref_slice %arg2[%dma_wait3A_296, %dma_wait3A_297] : memref<10000x128xf32, #tpu.memory_space<hbm>> -> memref<10000x128xf32, #tpu.memory_space<hbm>>
      tpu.wait_indirect_dma semaphore(%arg23 : memref<!tpu.dma_semaphore, #tpu.memory_space<semaphore_mem>>) src(%dma_wait3A_298 : memref<10000x128xf32, #tpu.memory_space<hbm>>) dst(%arg14 : memref<40x128xf32, #tpu.memory_space<vmem>>)
      %dma_start3A_299 = arith.constant 120 : i32
      %dma_start3A_300 = tpu.memref_slice %arg9[%dma_start3A_299] : memref<200xi32, #tpu.memory_space<vmem>> -> memref<40xi32, #tpu.memory_space<vmem>>
      %dma_start3A_301 = arith.constant 0 : i32
      %dma_start3A_302 = arith.constant 0 : i32
      %dma_start3A_303 = tpu.memref_slice %arg18[%dma_start3A_301, %dma_start3A_302] : memref<10240x128xf32, #tpu.memory_space<vmem_shared>> -> memref<10240x128xf32, #tpu.memory_space<vmem_shared>>
      tpu.enqueue_indirect_dma source(%arg14 : memref<40x128xf32, #tpu.memory_space<vmem>>) target(%dma_start3A_303 : memref<10240x128xf32, #tpu.memory_space<vmem_shared>>) offsets(%dma_start3A_300 : memref<40xi32, #tpu.memory_space<vmem>>) semaphore(%arg28 : memref<!tpu.dma_semaphore, #tpu.memory_space<semaphore_mem>>) {add = true}
      %dma_wait3A_304 = arith.constant 160 : i32
      %dma_wait3A_305 = tpu.memref_slice %arg7[%dma_wait3A_304] : memref<200xi32, #tpu.memory_space<vmem>> -> memref<40xi32, #tpu.memory_space<vmem>>
      %dma_wait3A_306 = arith.constant 0 : i32
      %dma_wait3A_307 = arith.constant 0 : i32
      %dma_wait3A_308 = tpu.memref_slice %arg2[%dma_wait3A_306, %dma_wait3A_307] : memref<10000x128xf32, #tpu.memory_space<hbm>> -> memref<10000x128xf32, #tpu.memory_space<hbm>>
      tpu.wait_indirect_dma semaphore(%arg24 : memref<!tpu.dma_semaphore, #tpu.memory_space<semaphore_mem>>) src(%dma_wait3A_308 : memref<10000x128xf32, #tpu.memory_space<hbm>>) dst(%arg15 : memref<40x128xf32, #tpu.memory_space<vmem>>)
      %dma_start3A_309 = arith.constant 160 : i32
      %dma_start3A_310 = tpu.memref_slice %arg9[%dma_start3A_309] : memref<200xi32, #tpu.memory_space<vmem>> -> memref<40xi32, #tpu.memory_space<vmem>>
      %dma_start3A_311 = arith.constant 0 : i32
      %dma_start3A_312 = arith.constant 0 : i32
      %dma_start3A_313 = tpu.memref_slice %arg18[%dma_start3A_311, %dma_start3A_312] : memref<10240x128xf32, #tpu.memory_space<vmem_shared>> -> memref<10240x128xf32, #tpu.memory_space<vmem_shared>>
      tpu.enqueue_indirect_dma source(%arg15 : memref<40x128xf32, #tpu.memory_space<vmem>>) target(%dma_start3A_313 : memref<10240x128xf32, #tpu.memory_space<vmem_shared>>) offsets(%dma_start3A_310 : memref<40xi32, #tpu.memory_space<vmem>>) semaphore(%arg29 : memref<!tpu.dma_semaphore, #tpu.memory_space<semaphore_mem>>) {add = true}
      %lt3A = arith.constant 49 : i32
      %lt3A_314 = arith.cmpi slt, %add3A_263, %lt3A : i32
      %convert_element_type3A = arith.extui %lt3A_314 : i1 to i32
      %cond3A = arith.constant 0 : i32
      %cond3A_315 = arith.cmpi ne, %convert_element_type3A, %cond3A : i32
      scf.if %cond3A_315 {
        %add3A_486 = arith.constant 1 : i32
        %add3A_487 = arith.addi %add3A_263, %add3A_486 : i32
        %mul3A_488 = arith.constant 5 : i32
        %mul3A_489 = arith.muli %add3A_487, %mul3A_488 : i32
        %mul3A_490 = arith.constant 40 : i32
        %mul3A_491 = arith.muli %mul3A_489, %mul3A_490 : i32
        %add3A_492 = arith.addi %mul3A_2, %mul3A_491 : i32
        %dma_wait3A_493 = tpu.memref_slice %arg3[%add3A_492] : memref<320000xi32, #tpu.memory_space<hbm>> -> memref<200xi32, #tpu.memory_space<hbm>>
        %dma_wait3A_494 = tpu.memref_slice %arg3[%add3A_492] : memref<320000xi32, #tpu.memory_space<hbm>> -> memref<200xi32, #tpu.memory_space<hbm>>
        tpu.wait_dma2 semaphore(%arg36 : memref<!tpu.dma_semaphore, #tpu.memory_space<semaphore_mem>>) src(%dma_wait3A_494 : memref<200xi32, #tpu.memory_space<hbm>>) dst(%arg8 : memref<200xi32, #tpu.memory_space<vmem>>)
        %mul3A_495 = arith.constant 5 : i32
        %mul3A_496 = arith.muli %add3A_487, %mul3A_495 : i32
        %mul3A_497 = arith.constant 40 : i32
        %mul3A_498 = arith.muli %mul3A_496, %mul3A_497 : i32
        %add3A_499 = arith.addi %mul3A_2, %mul3A_498 : i32
        %dma_wait3A_500 = tpu.memref_slice %arg4[%add3A_499] : memref<320000xi32, #tpu.memory_space<hbm>> -> memref<200xi32, #tpu.memory_space<hbm>>
        %dma_wait3A_501 = tpu.memref_slice %arg4[%add3A_499] : memref<320000xi32, #tpu.memory_space<hbm>> -> memref<200xi32, #tpu.memory_space<hbm>>
        tpu.wait_dma2 semaphore(%arg38 : memref<!tpu.dma_semaphore, #tpu.memory_space<semaphore_mem>>) src(%dma_wait3A_501 : memref<200xi32, #tpu.memory_space<hbm>>) dst(%arg10 : memref<200xi32, #tpu.memory_space<vmem>>)
      } else {
      }
      %dma_wait3A_316 = arith.constant 0 : i32
      %dma_wait3A_317 = tpu.memref_slice %arg9[%dma_wait3A_316] : memref<200xi32, #tpu.memory_space<vmem>> -> memref<40xi32, #tpu.memory_space<vmem>>
      %dma_wait3A_318 = arith.constant 0 : i32
      %dma_wait3A_319 = arith.constant 0 : i32
      %dma_wait3A_320 = tpu.memref_slice %arg18[%dma_wait3A_318, %dma_wait3A_319] : memref<10240x128xf32, #tpu.memory_space<vmem_shared>> -> memref<10240x128xf32, #tpu.memory_space<vmem_shared>>
      tpu.wait_indirect_dma semaphore(%arg25 : memref<!tpu.dma_semaphore, #tpu.memory_space<semaphore_mem>>) src(%arg11 : memref<40x128xf32, #tpu.memory_space<vmem>>) dst(%dma_wait3A_320 : memref<10240x128xf32, #tpu.memory_space<vmem_shared>>)
      %lt3A_321 = arith.constant 49 : i32
      %lt3A_322 = arith.cmpi slt, %add3A_263, %lt3A_321 : i32
      %convert_element_type3A_323 = arith.extui %lt3A_322 : i1 to i32
      %cond3A_324 = arith.constant 0 : i32
      %cond3A_325 = arith.cmpi ne, %convert_element_type3A_323, %cond3A_324 : i32
      scf.if %cond3A_325 {
        %dma_start3A_486 = arith.constant 0 : i32
        %dma_start3A_487 = tpu.memref_slice %arg8[%dma_start3A_486] : memref<200xi32, #tpu.memory_space<vmem>> -> memref<40xi32, #tpu.memory_space<vmem>>
        %dma_start3A_488 = arith.constant 0 : i32
        %dma_start3A_489 = arith.constant 0 : i32
        %dma_start3A_490 = tpu.memref_slice %arg2[%dma_start3A_488, %dma_start3A_489] : memref<10000x128xf32, #tpu.memory_space<hbm>> -> memref<10000x128xf32, #tpu.memory_space<hbm>>
        tpu.enqueue_indirect_dma source(%dma_start3A_490 : memref<10000x128xf32, #tpu.memory_space<hbm>>) target(%arg11 : memref<40x128xf32, #tpu.memory_space<vmem>>) offsets(%dma_start3A_487 : memref<40xi32, #tpu.memory_space<vmem>>) semaphore(%arg20 : memref<!tpu.dma_semaphore, #tpu.memory_space<semaphore_mem>>)
      } else {
      }
      %dma_wait3A_326 = arith.constant 40 : i32
      %dma_wait3A_327 = tpu.memref_slice %arg9[%dma_wait3A_326] : memref<200xi32, #tpu.memory_space<vmem>> -> memref<40xi32, #tpu.memory_space<vmem>>
      %dma_wait3A_328 = arith.constant 0 : i32
      %dma_wait3A_329 = arith.constant 0 : i32
      %dma_wait3A_330 = tpu.memref_slice %arg18[%dma_wait3A_328, %dma_wait3A_329] : memref<10240x128xf32, #tpu.memory_space<vmem_shared>> -> memref<10240x128xf32, #tpu.memory_space<vmem_shared>>
      tpu.wait_indirect_dma semaphore(%arg26 : memref<!tpu.dma_semaphore, #tpu.memory_space<semaphore_mem>>) src(%arg12 : memref<40x128xf32, #tpu.memory_space<vmem>>) dst(%dma_wait3A_330 : memref<10240x128xf32, #tpu.memory_space<vmem_shared>>)
      %lt3A_331 = arith.constant 49 : i32
      %lt3A_332 = arith.cmpi slt, %add3A_263, %lt3A_331 : i32
      %convert_element_type3A_333 = arith.extui %lt3A_332 : i1 to i32
      %cond3A_334 = arith.constant 0 : i32
      %cond3A_335 = arith.cmpi ne, %convert_element_type3A_333, %cond3A_334 : i32
      scf.if %cond3A_335 {
        %dma_start3A_486 = arith.constant 40 : i32
        %dma_start3A_487 = tpu.memref_slice %arg8[%dma_start3A_486] : memref<200xi32, #tpu.memory_space<vmem>> -> memref<40xi32, #tpu.memory_space<vmem>>
        %dma_start3A_488 = arith.constant 0 : i32
        %dma_start3A_489 = arith.constant 0 : i32
        %dma_start3A_490 = tpu.memref_slice %arg2[%dma_start3A_488, %dma_start3A_489] : memref<10000x128xf32, #tpu.memory_space<hbm>> -> memref<10000x128xf32, #tpu.memory_space<hbm>>
        tpu.enqueue_indirect_dma source(%dma_start3A_490 : memref<10000x128xf32, #tpu.memory_space<hbm>>) target(%arg12 : memref<40x128xf32, #tpu.memory_space<vmem>>) offsets(%dma_start3A_487 : memref<40xi32, #tpu.memory_space<vmem>>) semaphore(%arg21 : memref<!tpu.dma_semaphore, #tpu.memory_space<semaphore_mem>>)
      } else {
      }
      %dma_wait3A_336 = arith.constant 80 : i32
      %dma_wait3A_337 = tpu.memref_slice %arg9[%dma_wait3A_336] : memref<200xi32, #tpu.memory_space<vmem>> -> memref<40xi32, #tpu.memory_space<vmem>>
      %dma_wait3A_338 = arith.constant 0 : i32
      %dma_wait3A_339 = arith.constant 0 : i32
      %dma_wait3A_340 = tpu.memref_slice %arg18[%dma_wait3A_338, %dma_wait3A_339] : memref<10240x128xf32, #tpu.memory_space<vmem_shared>> -> memref<10240x128xf32, #tpu.memory_space<vmem_shared>>
      tpu.wait_indirect_dma semaphore(%arg27 : memref<!tpu.dma_semaphore, #tpu.memory_space<semaphore_mem>>) src(%arg13 : memref<40x128xf32, #tpu.memory_space<vmem>>) dst(%dma_wait3A_340 : memref<10240x128xf32, #tpu.memory_space<vmem_shared>>)
      %lt3A_341 = arith.constant 49 : i32
      %lt3A_342 = arith.cmpi slt, %add3A_263, %lt3A_341 : i32
      %convert_element_type3A_343 = arith.extui %lt3A_342 : i1 to i32
      %cond3A_344 = arith.constant 0 : i32
      %cond3A_345 = arith.cmpi ne, %convert_element_type3A_343, %cond3A_344 : i32
      scf.if %cond3A_345 {
        %dma_start3A_486 = arith.constant 80 : i32
        %dma_start3A_487 = tpu.memref_slice %arg8[%dma_start3A_486] : memref<200xi32, #tpu.memory_space<vmem>> -> memref<40xi32, #tpu.memory_space<vmem>>
        %dma_start3A_488 = arith.constant 0 : i32
        %dma_start3A_489 = arith.constant 0 : i32
        %dma_start3A_490 = tpu.memref_slice %arg2[%dma_start3A_488, %dma_start3A_489] : memref<10000x128xf32, #tpu.memory_space<hbm>> -> memref<10000x128xf32, #tpu.memory_space<hbm>>
        tpu.enqueue_indirect_dma source(%dma_start3A_490 : memref<10000x128xf32, #tpu.memory_space<hbm>>) target(%arg13 : memref<40x128xf32, #tpu.memory_space<vmem>>) offsets(%dma_start3A_487 : memref<40xi32, #tpu.memory_space<vmem>>) semaphore(%arg22 : memref<!tpu.dma_semaphore, #tpu.memory_space<semaphore_mem>>)
      } else {
      }
      %dma_wait3A_346 = arith.constant 120 : i32
      %dma_wait3A_347 = tpu.memref_slice %arg9[%dma_wait3A_346] : memref<200xi32, #tpu.memory_space<vmem>> -> memref<40xi32, #tpu.memory_space<vmem>>
      %dma_wait3A_348 = arith.constant 0 : i32
      %dma_wait3A_349 = arith.constant 0 : i32
      %dma_wait3A_350 = tpu.memref_slice %arg18[%dma_wait3A_348, %dma_wait3A_349] : memref<10240x128xf32, #tpu.memory_space<vmem_shared>> -> memref<10240x128xf32, #tpu.memory_space<vmem_shared>>
      tpu.wait_indirect_dma semaphore(%arg28 : memref<!tpu.dma_semaphore, #tpu.memory_space<semaphore_mem>>) src(%arg14 : memref<40x128xf32, #tpu.memory_space<vmem>>) dst(%dma_wait3A_350 : memref<10240x128xf32, #tpu.memory_space<vmem_shared>>)
      %lt3A_351 = arith.constant 49 : i32
      %lt3A_352 = arith.cmpi slt, %add3A_263, %lt3A_351 : i32
      %convert_element_type3A_353 = arith.extui %lt3A_352 : i1 to i32
      %cond3A_354 = arith.constant 0 : i32
      %cond3A_355 = arith.cmpi ne, %convert_element_type3A_353, %cond3A_354 : i32
      scf.if %cond3A_355 {
        %dma_start3A_486 = arith.constant 120 : i32
        %dma_start3A_487 = tpu.memref_slice %arg8[%dma_start3A_486] : memref<200xi32, #tpu.memory_space<vmem>> -> memref<40xi32, #tpu.memory_space<vmem>>
        %dma_start3A_488 = arith.constant 0 : i32
        %dma_start3A_489 = arith.constant 0 : i32
        %dma_start3A_490 = tpu.memref_slice %arg2[%dma_start3A_488, %dma_start3A_489] : memref<10000x128xf32, #tpu.memory_space<hbm>> -> memref<10000x128xf32, #tpu.memory_space<hbm>>
        tpu.enqueue_indirect_dma source(%dma_start3A_490 : memref<10000x128xf32, #tpu.memory_space<hbm>>) target(%arg14 : memref<40x128xf32, #tpu.memory_space<vmem>>) offsets(%dma_start3A_487 : memref<40xi32, #tpu.memory_space<vmem>>) semaphore(%arg23 : memref<!tpu.dma_semaphore, #tpu.memory_space<semaphore_mem>>)
      } else {
      }
      %dma_wait3A_356 = arith.constant 160 : i32
      %dma_wait3A_357 = tpu.memref_slice %arg9[%dma_wait3A_356] : memref<200xi32, #tpu.memory_space<vmem>> -> memref<40xi32, #tpu.memory_space<vmem>>
      %dma_wait3A_358 = arith.constant 0 : i32
      %dma_wait3A_359 = arith.constant 0 : i32
      %dma_wait3A_360 = tpu.memref_slice %arg18[%dma_wait3A_358, %dma_wait3A_359] : memref<10240x128xf32, #tpu.memory_space<vmem_shared>> -> memref<10240x128xf32, #tpu.memory_space<vmem_shared>>
      tpu.wait_indirect_dma semaphore(%arg29 : memref<!tpu.dma_semaphore, #tpu.memory_space<semaphore_mem>>) src(%arg15 : memref<40x128xf32, #tpu.memory_space<vmem>>) dst(%dma_wait3A_360 : memref<10240x128xf32, #tpu.memory_space<vmem_shared>>)
      %lt3A_361 = arith.constant 49 : i32
      %lt3A_362 = arith.cmpi slt, %add3A_263, %lt3A_361 : i32
      %convert_element_type3A_363 = arith.extui %lt3A_362 : i1 to i32
      %cond3A_364 = arith.constant 0 : i32
      %cond3A_365 = arith.cmpi ne, %convert_element_type3A_363, %cond3A_364 : i32
      scf.if %cond3A_365 {
        %dma_start3A_486 = arith.constant 160 : i32
        %dma_start3A_487 = tpu.memref_slice %arg8[%dma_start3A_486] : memref<200xi32, #tpu.memory_space<vmem>> -> memref<40xi32, #tpu.memory_space<vmem>>
        %dma_start3A_488 = arith.constant 0 : i32
        %dma_start3A_489 = arith.constant 0 : i32
        %dma_start3A_490 = tpu.memref_slice %arg2[%dma_start3A_488, %dma_start3A_489] : memref<10000x128xf32, #tpu.memory_space<hbm>> -> memref<10000x128xf32, #tpu.memory_space<hbm>>
        tpu.enqueue_indirect_dma source(%dma_start3A_490 : memref<10000x128xf32, #tpu.memory_space<hbm>>) target(%arg15 : memref<40x128xf32, #tpu.memory_space<vmem>>) offsets(%dma_start3A_487 : memref<40xi32, #tpu.memory_space<vmem>>) semaphore(%arg24 : memref<!tpu.dma_semaphore, #tpu.memory_space<semaphore_mem>>)
      } else {
      }
      %lt3A_366 = arith.constant 48 : i32
      %lt3A_367 = arith.cmpi slt, %add3A_263, %lt3A_366 : i32
      %convert_element_type3A_368 = arith.extui %lt3A_367 : i1 to i32
      %cond3A_369 = arith.constant 0 : i32
      %cond3A_370 = arith.cmpi ne, %convert_element_type3A_368, %cond3A_369 : i32
      scf.if %cond3A_370 {
        %add3A_486 = arith.constant 2 : i32
        %add3A_487 = arith.addi %add3A_263, %add3A_486 : i32
        %mul3A_488 = arith.constant 5 : i32
        %mul3A_489 = arith.muli %add3A_487, %mul3A_488 : i32
        %mul3A_490 = arith.constant 40 : i32
        %mul3A_491 = arith.muli %mul3A_489, %mul3A_490 : i32
        %add3A_492 = arith.addi %mul3A_2, %mul3A_491 : i32
        %mul3A_493 = arith.constant 5 : i32
        %mul3A_494 = arith.muli %add3A_487, %mul3A_493 : i32
        %mul3A_495 = arith.constant 40 : i32
        %mul3A_496 = arith.muli %mul3A_494, %mul3A_495 : i32
        %add3A_497 = arith.addi %mul3A_2, %mul3A_496 : i32
        %dma_start3A_498 = tpu.memref_slice %arg3[%add3A_492] : memref<320000xi32, #tpu.memory_space<hbm>> -> memref<200xi32, #tpu.memory_space<hbm>>
        %dma_start3A_499 = tpu.memref_slice %arg3[%add3A_492] : memref<320000xi32, #tpu.memory_space<hbm>> -> memref<200xi32, #tpu.memory_space<hbm>>
        tpu.enqueue_dma source(%dma_start3A_499 : memref<200xi32, #tpu.memory_space<hbm>>) target(%arg7 : memref<200xi32, #tpu.memory_space<vmem>>) target_semaphore(%arg35 : memref<!tpu.dma_semaphore, #tpu.memory_space<semaphore_mem>>)
        %dma_start3A_500 = tpu.memref_slice %arg4[%add3A_497] : memref<320000xi32, #tpu.memory_space<hbm>> -> memref<200xi32, #tpu.memory_space<hbm>>
        %dma_start3A_501 = tpu.memref_slice %arg4[%add3A_497] : memref<320000xi32, #tpu.memory_space<hbm>> -> memref<200xi32, #tpu.memory_space<hbm>>
        tpu.enqueue_dma source(%dma_start3A_501 : memref<200xi32, #tpu.memory_space<hbm>>) target(%arg9 : memref<200xi32, #tpu.memory_space<vmem>>) target_semaphore(%arg37 : memref<!tpu.dma_semaphore, #tpu.memory_space<semaphore_mem>>)
      } else {
      }
      %mul3A_371 = arith.constant 2 : i32
      %mul3A_372 = arith.muli %mul3A_371, %scan3A_258 : i32
      %add3A_373 = arith.constant 1 : i32
      %add3A_374 = arith.addi %mul3A_372, %add3A_373 : i32
      %dma_wait3A_375 = arith.constant 0 : i32
      %dma_wait3A_376 = tpu.memref_slice %arg8[%dma_wait3A_375] : memref<200xi32, #tpu.memory_space<vmem>> -> memref<40xi32, #tpu.memory_space<vmem>>
      %dma_wait3A_377 = arith.constant 0 : i32
      %dma_wait3A_378 = arith.constant 0 : i32
      %dma_wait3A_379 = tpu.memref_slice %arg2[%dma_wait3A_377, %dma_wait3A_378] : memref<10000x128xf32, #tpu.memory_space<hbm>> -> memref<10000x128xf32, #tpu.memory_space<hbm>>
      tpu.wait_indirect_dma semaphore(%arg20 : memref<!tpu.dma_semaphore, #tpu.memory_space<semaphore_mem>>) src(%dma_wait3A_379 : memref<10000x128xf32, #tpu.memory_space<hbm>>) dst(%arg11 : memref<40x128xf32, #tpu.memory_space<vmem>>)
      %dma_start3A_380 = arith.constant 0 : i32
      %dma_start3A_381 = tpu.memref_slice %arg10[%dma_start3A_380] : memref<200xi32, #tpu.memory_space<vmem>> -> memref<40xi32, #tpu.memory_space<vmem>>
      %dma_start3A_382 = arith.constant 0 : i32
      %dma_start3A_383 = arith.constant 0 : i32
      %dma_start3A_384 = tpu.memref_slice %arg18[%dma_start3A_382, %dma_start3A_383] : memref<10240x128xf32, #tpu.memory_space<vmem_shared>> -> memref<10240x128xf32, #tpu.memory_space<vmem_shared>>
      tpu.enqueue_indirect_dma source(%arg11 : memref<40x128xf32, #tpu.memory_space<vmem>>) target(%dma_start3A_384 : memref<10240x128xf32, #tpu.memory_space<vmem_shared>>) offsets(%dma_start3A_381 : memref<40xi32, #tpu.memory_space<vmem>>) semaphore(%arg25 : memref<!tpu.dma_semaphore, #tpu.memory_space<semaphore_mem>>) {add = true}
      %dma_wait3A_385 = arith.constant 40 : i32
      %dma_wait3A_386 = tpu.memref_slice %arg8[%dma_wait3A_385] : memref<200xi32, #tpu.memory_space<vmem>> -> memref<40xi32, #tpu.memory_space<vmem>>
      %dma_wait3A_387 = arith.constant 0 : i32
      %dma_wait3A_388 = arith.constant 0 : i32
      %dma_wait3A_389 = tpu.memref_slice %arg2[%dma_wait3A_387, %dma_wait3A_388] : memref<10000x128xf32, #tpu.memory_space<hbm>> -> memref<10000x128xf32, #tpu.memory_space<hbm>>
      tpu.wait_indirect_dma semaphore(%arg21 : memref<!tpu.dma_semaphore, #tpu.memory_space<semaphore_mem>>) src(%dma_wait3A_389 : memref<10000x128xf32, #tpu.memory_space<hbm>>) dst(%arg12 : memref<40x128xf32, #tpu.memory_space<vmem>>)
      %dma_start3A_390 = arith.constant 40 : i32
      %dma_start3A_391 = tpu.memref_slice %arg10[%dma_start3A_390] : memref<200xi32, #tpu.memory_space<vmem>> -> memref<40xi32, #tpu.memory_space<vmem>>
      %dma_start3A_392 = arith.constant 0 : i32
      %dma_start3A_393 = arith.constant 0 : i32
      %dma_start3A_394 = tpu.memref_slice %arg18[%dma_start3A_392, %dma_start3A_393] : memref<10240x128xf32, #tpu.memory_space<vmem_shared>> -> memref<10240x128xf32, #tpu.memory_space<vmem_shared>>
      tpu.enqueue_indirect_dma source(%arg12 : memref<40x128xf32, #tpu.memory_space<vmem>>) target(%dma_start3A_394 : memref<10240x128xf32, #tpu.memory_space<vmem_shared>>) offsets(%dma_start3A_391 : memref<40xi32, #tpu.memory_space<vmem>>) semaphore(%arg26 : memref<!tpu.dma_semaphore, #tpu.memory_space<semaphore_mem>>) {add = true}
      %dma_wait3A_395 = arith.constant 80 : i32
      %dma_wait3A_396 = tpu.memref_slice %arg8[%dma_wait3A_395] : memref<200xi32, #tpu.memory_space<vmem>> -> memref<40xi32, #tpu.memory_space<vmem>>
      %dma_wait3A_397 = arith.constant 0 : i32
      %dma_wait3A_398 = arith.constant 0 : i32
      %dma_wait3A_399 = tpu.memref_slice %arg2[%dma_wait3A_397, %dma_wait3A_398] : memref<10000x128xf32, #tpu.memory_space<hbm>> -> memref<10000x128xf32, #tpu.memory_space<hbm>>
      tpu.wait_indirect_dma semaphore(%arg22 : memref<!tpu.dma_semaphore, #tpu.memory_space<semaphore_mem>>) src(%dma_wait3A_399 : memref<10000x128xf32, #tpu.memory_space<hbm>>) dst(%arg13 : memref<40x128xf32, #tpu.memory_space<vmem>>)
      %dma_start3A_400 = arith.constant 80 : i32
      %dma_start3A_401 = tpu.memref_slice %arg10[%dma_start3A_400] : memref<200xi32, #tpu.memory_space<vmem>> -> memref<40xi32, #tpu.memory_space<vmem>>
      %dma_start3A_402 = arith.constant 0 : i32
      %dma_start3A_403 = arith.constant 0 : i32
      %dma_start3A_404 = tpu.memref_slice %arg18[%dma_start3A_402, %dma_start3A_403] : memref<10240x128xf32, #tpu.memory_space<vmem_shared>> -> memref<10240x128xf32, #tpu.memory_space<vmem_shared>>
      tpu.enqueue_indirect_dma source(%arg13 : memref<40x128xf32, #tpu.memory_space<vmem>>) target(%dma_start3A_404 : memref<10240x128xf32, #tpu.memory_space<vmem_shared>>) offsets(%dma_start3A_401 : memref<40xi32, #tpu.memory_space<vmem>>) semaphore(%arg27 : memref<!tpu.dma_semaphore, #tpu.memory_space<semaphore_mem>>) {add = true}
      %dma_wait3A_405 = arith.constant 120 : i32
      %dma_wait3A_406 = tpu.memref_slice %arg8[%dma_wait3A_405] : memref<200xi32, #tpu.memory_space<vmem>> -> memref<40xi32, #tpu.memory_space<vmem>>
      %dma_wait3A_407 = arith.constant 0 : i32
      %dma_wait3A_408 = arith.constant 0 : i32
      %dma_wait3A_409 = tpu.memref_slice %arg2[%dma_wait3A_407, %dma_wait3A_408] : memref<10000x128xf32, #tpu.memory_space<hbm>> -> memref<10000x128xf32, #tpu.memory_space<hbm>>
      tpu.wait_indirect_dma semaphore(%arg23 : memref<!tpu.dma_semaphore, #tpu.memory_space<semaphore_mem>>) src(%dma_wait3A_409 : memref<10000x128xf32, #tpu.memory_space<hbm>>) dst(%arg14 : memref<40x128xf32, #tpu.memory_space<vmem>>)
      %dma_start3A_410 = arith.constant 120 : i32
      %dma_start3A_411 = tpu.memref_slice %arg10[%dma_start3A_410] : memref<200xi32, #tpu.memory_space<vmem>> -> memref<40xi32, #tpu.memory_space<vmem>>
      %dma_start3A_412 = arith.constant 0 : i32
      %dma_start3A_413 = arith.constant 0 : i32
      %dma_start3A_414 = tpu.memref_slice %arg18[%dma_start3A_412, %dma_start3A_413] : memref<10240x128xf32, #tpu.memory_space<vmem_shared>> -> memref<10240x128xf32, #tpu.memory_space<vmem_shared>>
      tpu.enqueue_indirect_dma source(%arg14 : memref<40x128xf32, #tpu.memory_space<vmem>>) target(%dma_start3A_414 : memref<10240x128xf32, #tpu.memory_space<vmem_shared>>) offsets(%dma_start3A_411 : memref<40xi32, #tpu.memory_space<vmem>>) semaphore(%arg28 : memref<!tpu.dma_semaphore, #tpu.memory_space<semaphore_mem>>) {add = true}
      %dma_wait3A_415 = arith.constant 160 : i32
      %dma_wait3A_416 = tpu.memref_slice %arg8[%dma_wait3A_415] : memref<200xi32, #tpu.memory_space<vmem>> -> memref<40xi32, #tpu.memory_space<vmem>>
      %dma_wait3A_417 = arith.constant 0 : i32
      %dma_wait3A_418 = arith.constant 0 : i32
      %dma_wait3A_419 = tpu.memref_slice %arg2[%dma_wait3A_417, %dma_wait3A_418] : memref<10000x128xf32, #tpu.memory_space<hbm>> -> memref<10000x128xf32, #tpu.memory_space<hbm>>
      tpu.wait_indirect_dma semaphore(%arg24 : memref<!tpu.dma_semaphore, #tpu.memory_space<semaphore_mem>>) src(%dma_wait3A_419 : memref<10000x128xf32, #tpu.memory_space<hbm>>) dst(%arg15 : memref<40x128xf32, #tpu.memory_space<vmem>>)
      %dma_start3A_420 = arith.constant 160 : i32
      %dma_start3A_421 = tpu.memref_slice %arg10[%dma_start3A_420] : memref<200xi32, #tpu.memory_space<vmem>> -> memref<40xi32, #tpu.memory_space<vmem>>
      %dma_start3A_422 = arith.constant 0 : i32
      %dma_start3A_423 = arith.constant 0 : i32
      %dma_start3A_424 = tpu.memref_slice %arg18[%dma_start3A_422, %dma_start3A_423] : memref<10240x128xf32, #tpu.memory_space<vmem_shared>> -> memref<10240x128xf32, #tpu.memory_space<vmem_shared>>
      tpu.enqueue_indirect_dma source(%arg15 : memref<40x128xf32, #tpu.memory_space<vmem>>) target(%dma_start3A_424 : memref<10240x128xf32, #tpu.memory_space<vmem_shared>>) offsets(%dma_start3A_421 : memref<40xi32, #tpu.memory_space<vmem>>) semaphore(%arg29 : memref<!tpu.dma_semaphore, #tpu.memory_space<semaphore_mem>>) {add = true}
      %lt3A_425 = arith.constant 49 : i32
      %lt3A_426 = arith.cmpi slt, %add3A_374, %lt3A_425 : i32
      %convert_element_type3A_427 = arith.extui %lt3A_426 : i1 to i32
      %cond3A_428 = arith.constant 0 : i32
      %cond3A_429 = arith.cmpi ne, %convert_element_type3A_427, %cond3A_428 : i32
      scf.if %cond3A_429 {
        %add3A_486 = arith.constant 1 : i32
        %add3A_487 = arith.addi %add3A_374, %add3A_486 : i32
        %mul3A_488 = arith.constant 5 : i32
        %mul3A_489 = arith.muli %add3A_487, %mul3A_488 : i32
        %mul3A_490 = arith.constant 40 : i32
        %mul3A_491 = arith.muli %mul3A_489, %mul3A_490 : i32
        %add3A_492 = arith.addi %mul3A_2, %mul3A_491 : i32
        %dma_wait3A_493 = tpu.memref_slice %arg3[%add3A_492] : memref<320000xi32, #tpu.memory_space<hbm>> -> memref<200xi32, #tpu.memory_space<hbm>>
        %dma_wait3A_494 = tpu.memref_slice %arg3[%add3A_492] : memref<320000xi32, #tpu.memory_space<hbm>> -> memref<200xi32, #tpu.memory_space<hbm>>
        tpu.wait_dma2 semaphore(%arg35 : memref<!tpu.dma_semaphore, #tpu.memory_space<semaphore_mem>>) src(%dma_wait3A_494 : memref<200xi32, #tpu.memory_space<hbm>>) dst(%arg7 : memref<200xi32, #tpu.memory_space<vmem>>)
        %mul3A_495 = arith.constant 5 : i32
        %mul3A_496 = arith.muli %add3A_487, %mul3A_495 : i32
        %mul3A_497 = arith.constant 40 : i32
        %mul3A_498 = arith.muli %mul3A_496, %mul3A_497 : i32
        %add3A_499 = arith.addi %mul3A_2, %mul3A_498 : i32
        %dma_wait3A_500 = tpu.memref_slice %arg4[%add3A_499] : memref<320000xi32, #tpu.memory_space<hbm>> -> memref<200xi32, #tpu.memory_space<hbm>>
        %dma_wait3A_501 = tpu.memref_slice %arg4[%add3A_499] : memref<320000xi32, #tpu.memory_space<hbm>> -> memref<200xi32, #tpu.memory_space<hbm>>
        tpu.wait_dma2 semaphore(%arg37 : memref<!tpu.dma_semaphore, #tpu.memory_space<semaphore_mem>>) src(%dma_wait3A_501 : memref<200xi32, #tpu.memory_space<hbm>>) dst(%arg9 : memref<200xi32, #tpu.memory_space<vmem>>)
      } else {
      }
      %dma_wait3A_430 = arith.constant 0 : i32
      %dma_wait3A_431 = tpu.memref_slice %arg10[%dma_wait3A_430] : memref<200xi32, #tpu.memory_space<vmem>> -> memref<40xi32, #tpu.memory_space<vmem>>
      %dma_wait3A_432 = arith.constant 0 : i32
      %dma_wait3A_433 = arith.constant 0 : i32
      %dma_wait3A_434 = tpu.memref_slice %arg18[%dma_wait3A_432, %dma_wait3A_433] : memref<10240x128xf32, #tpu.memory_space<vmem_shared>> -> memref<10240x128xf32, #tpu.memory_space<vmem_shared>>
      tpu.wait_indirect_dma semaphore(%arg25 : memref<!tpu.dma_semaphore, #tpu.memory_space<semaphore_mem>>) src(%arg11 : memref<40x128xf32, #tpu.memory_space<vmem>>) dst(%dma_wait3A_434 : memref<10240x128xf32, #tpu.memory_space<vmem_shared>>)
      %lt3A_435 = arith.constant 49 : i32
      %lt3A_436 = arith.cmpi slt, %add3A_374, %lt3A_435 : i32
      %convert_element_type3A_437 = arith.extui %lt3A_436 : i1 to i32
      %cond3A_438 = arith.constant 0 : i32
      %cond3A_439 = arith.cmpi ne, %convert_element_type3A_437, %cond3A_438 : i32
      scf.if %cond3A_439 {
        %dma_start3A_486 = arith.constant 0 : i32
        %dma_start3A_487 = tpu.memref_slice %arg7[%dma_start3A_486] : memref<200xi32, #tpu.memory_space<vmem>> -> memref<40xi32, #tpu.memory_space<vmem>>
        %dma_start3A_488 = arith.constant 0 : i32
        %dma_start3A_489 = arith.constant 0 : i32
        %dma_start3A_490 = tpu.memref_slice %arg2[%dma_start3A_488, %dma_start3A_489] : memref<10000x128xf32, #tpu.memory_space<hbm>> -> memref<10000x128xf32, #tpu.memory_space<hbm>>
        tpu.enqueue_indirect_dma source(%dma_start3A_490 : memref<10000x128xf32, #tpu.memory_space<hbm>>) target(%arg11 : memref<40x128xf32, #tpu.memory_space<vmem>>) offsets(%dma_start3A_487 : memref<40xi32, #tpu.memory_space<vmem>>) semaphore(%arg20 : memref<!tpu.dma_semaphore, #tpu.memory_space<semaphore_mem>>)
      } else {
      }
      %dma_wait3A_440 = arith.constant 40 : i32
      %dma_wait3A_441 = tpu.memref_slice %arg10[%dma_wait3A_440] : memref<200xi32, #tpu.memory_space<vmem>> -> memref<40xi32, #tpu.memory_space<vmem>>
      %dma_wait3A_442 = arith.constant 0 : i32
      %dma_wait3A_443 = arith.constant 0 : i32
      %dma_wait3A_444 = tpu.memref_slice %arg18[%dma_wait3A_442, %dma_wait3A_443] : memref<10240x128xf32, #tpu.memory_space<vmem_shared>> -> memref<10240x128xf32, #tpu.memory_space<vmem_shared>>
      tpu.wait_indirect_dma semaphore(%arg26 : memref<!tpu.dma_semaphore, #tpu.memory_space<semaphore_mem>>) src(%arg12 : memref<40x128xf32, #tpu.memory_space<vmem>>) dst(%dma_wait3A_444 : memref<10240x128xf32, #tpu.memory_space<vmem_shared>>)
      %lt3A_445 = arith.constant 49 : i32
      %lt3A_446 = arith.cmpi slt, %add3A_374, %lt3A_445 : i32
      %convert_element_type3A_447 = arith.extui %lt3A_446 : i1 to i32
      %cond3A_448 = arith.constant 0 : i32
      %cond3A_449 = arith.cmpi ne, %convert_element_type3A_447, %cond3A_448 : i32
      scf.if %cond3A_449 {
        %dma_start3A_486 = arith.constant 40 : i32
        %dma_start3A_487 = tpu.memref_slice %arg7[%dma_start3A_486] : memref<200xi32, #tpu.memory_space<vmem>> -> memref<40xi32, #tpu.memory_space<vmem>>
        %dma_start3A_488 = arith.constant 0 : i32
        %dma_start3A_489 = arith.constant 0 : i32
        %dma_start3A_490 = tpu.memref_slice %arg2[%dma_start3A_488, %dma_start3A_489] : memref<10000x128xf32, #tpu.memory_space<hbm>> -> memref<10000x128xf32, #tpu.memory_space<hbm>>
        tpu.enqueue_indirect_dma source(%dma_start3A_490 : memref<10000x128xf32, #tpu.memory_space<hbm>>) target(%arg12 : memref<40x128xf32, #tpu.memory_space<vmem>>) offsets(%dma_start3A_487 : memref<40xi32, #tpu.memory_space<vmem>>) semaphore(%arg21 : memref<!tpu.dma_semaphore, #tpu.memory_space<semaphore_mem>>)
      } else {
      }
      %dma_wait3A_450 = arith.constant 80 : i32
      %dma_wait3A_451 = tpu.memref_slice %arg10[%dma_wait3A_450] : memref<200xi32, #tpu.memory_space<vmem>> -> memref<40xi32, #tpu.memory_space<vmem>>
      %dma_wait3A_452 = arith.constant 0 : i32
      %dma_wait3A_453 = arith.constant 0 : i32
      %dma_wait3A_454 = tpu.memref_slice %arg18[%dma_wait3A_452, %dma_wait3A_453] : memref<10240x128xf32, #tpu.memory_space<vmem_shared>> -> memref<10240x128xf32, #tpu.memory_space<vmem_shared>>
      tpu.wait_indirect_dma semaphore(%arg27 : memref<!tpu.dma_semaphore, #tpu.memory_space<semaphore_mem>>) src(%arg13 : memref<40x128xf32, #tpu.memory_space<vmem>>) dst(%dma_wait3A_454 : memref<10240x128xf32, #tpu.memory_space<vmem_shared>>)
      %lt3A_455 = arith.constant 49 : i32
      %lt3A_456 = arith.cmpi slt, %add3A_374, %lt3A_455 : i32
      %convert_element_type3A_457 = arith.extui %lt3A_456 : i1 to i32
      %cond3A_458 = arith.constant 0 : i32
      %cond3A_459 = arith.cmpi ne, %convert_element_type3A_457, %cond3A_458 : i32
      scf.if %cond3A_459 {
        %dma_start3A_486 = arith.constant 80 : i32
        %dma_start3A_487 = tpu.memref_slice %arg7[%dma_start3A_486] : memref<200xi32, #tpu.memory_space<vmem>> -> memref<40xi32, #tpu.memory_space<vmem>>
        %dma_start3A_488 = arith.constant 0 : i32
        %dma_start3A_489 = arith.constant 0 : i32
        %dma_start3A_490 = tpu.memref_slice %arg2[%dma_start3A_488, %dma_start3A_489] : memref<10000x128xf32, #tpu.memory_space<hbm>> -> memref<10000x128xf32, #tpu.memory_space<hbm>>
        tpu.enqueue_indirect_dma source(%dma_start3A_490 : memref<10000x128xf32, #tpu.memory_space<hbm>>) target(%arg13 : memref<40x128xf32, #tpu.memory_space<vmem>>) offsets(%dma_start3A_487 : memref<40xi32, #tpu.memory_space<vmem>>) semaphore(%arg22 : memref<!tpu.dma_semaphore, #tpu.memory_space<semaphore_mem>>)
      } else {
      }
      %dma_wait3A_460 = arith.constant 120 : i32
      %dma_wait3A_461 = tpu.memref_slice %arg10[%dma_wait3A_460] : memref<200xi32, #tpu.memory_space<vmem>> -> memref<40xi32, #tpu.memory_space<vmem>>
      %dma_wait3A_462 = arith.constant 0 : i32
      %dma_wait3A_463 = arith.constant 0 : i32
      %dma_wait3A_464 = tpu.memref_slice %arg18[%dma_wait3A_462, %dma_wait3A_463] : memref<10240x128xf32, #tpu.memory_space<vmem_shared>> -> memref<10240x128xf32, #tpu.memory_space<vmem_shared>>
      tpu.wait_indirect_dma semaphore(%arg28 : memref<!tpu.dma_semaphore, #tpu.memory_space<semaphore_mem>>) src(%arg14 : memref<40x128xf32, #tpu.memory_space<vmem>>) dst(%dma_wait3A_464 : memref<10240x128xf32, #tpu.memory_space<vmem_shared>>)
      %lt3A_465 = arith.constant 49 : i32
      %lt3A_466 = arith.cmpi slt, %add3A_374, %lt3A_465 : i32
      %convert_element_type3A_467 = arith.extui %lt3A_466 : i1 to i32
      %cond3A_468 = arith.constant 0 : i32
      %cond3A_469 = arith.cmpi ne, %convert_element_type3A_467, %cond3A_468 : i32
      scf.if %cond3A_469 {
        %dma_start3A_486 = arith.constant 120 : i32
        %dma_start3A_487 = tpu.memref_slice %arg7[%dma_start3A_486] : memref<200xi32, #tpu.memory_space<vmem>> -> memref<40xi32, #tpu.memory_space<vmem>>
        %dma_start3A_488 = arith.constant 0 : i32
        %dma_start3A_489 = arith.constant 0 : i32
        %dma_start3A_490 = tpu.memref_slice %arg2[%dma_start3A_488, %dma_start3A_489] : memref<10000x128xf32, #tpu.memory_space<hbm>> -> memref<10000x128xf32, #tpu.memory_space<hbm>>
        tpu.enqueue_indirect_dma source(%dma_start3A_490 : memref<10000x128xf32, #tpu.memory_space<hbm>>) target(%arg14 : memref<40x128xf32, #tpu.memory_space<vmem>>) offsets(%dma_start3A_487 : memref<40xi32, #tpu.memory_space<vmem>>) semaphore(%arg23 : memref<!tpu.dma_semaphore, #tpu.memory_space<semaphore_mem>>)
      } else {
      }
      %dma_wait3A_470 = arith.constant 160 : i32
      %dma_wait3A_471 = tpu.memref_slice %arg10[%dma_wait3A_470] : memref<200xi32, #tpu.memory_space<vmem>> -> memref<40xi32, #tpu.memory_space<vmem>>
      %dma_wait3A_472 = arith.constant 0 : i32
      %dma_wait3A_473 = arith.constant 0 : i32
      %dma_wait3A_474 = tpu.memref_slice %arg18[%dma_wait3A_472, %dma_wait3A_473] : memref<10240x128xf32, #tpu.memory_space<vmem_shared>> -> memref<10240x128xf32, #tpu.memory_space<vmem_shared>>
      tpu.wait_indirect_dma semaphore(%arg29 : memref<!tpu.dma_semaphore, #tpu.memory_space<semaphore_mem>>) src(%arg15 : memref<40x128xf32, #tpu.memory_space<vmem>>) dst(%dma_wait3A_474 : memref<10240x128xf32, #tpu.memory_space<vmem_shared>>)
      %lt3A_475 = arith.constant 49 : i32
      %lt3A_476 = arith.cmpi slt, %add3A_374, %lt3A_475 : i32
      %convert_element_type3A_477 = arith.extui %lt3A_476 : i1 to i32
      %cond3A_478 = arith.constant 0 : i32
      %cond3A_479 = arith.cmpi ne, %convert_element_type3A_477, %cond3A_478 : i32
      scf.if %cond3A_479 {
        %dma_start3A_486 = arith.constant 160 : i32
        %dma_start3A_487 = tpu.memref_slice %arg7[%dma_start3A_486] : memref<200xi32, #tpu.memory_space<vmem>> -> memref<40xi32, #tpu.memory_space<vmem>>
        %dma_start3A_488 = arith.constant 0 : i32
        %dma_start3A_489 = arith.constant 0 : i32
        %dma_start3A_490 = tpu.memref_slice %arg2[%dma_start3A_488, %dma_start3A_489] : memref<10000x128xf32, #tpu.memory_space<hbm>> -> memref<10000x128xf32, #tpu.memory_space<hbm>>
        tpu.enqueue_indirect_dma source(%dma_start3A_490 : memref<10000x128xf32, #tpu.memory_space<hbm>>) target(%arg15 : memref<40x128xf32, #tpu.memory_space<vmem>>) offsets(%dma_start3A_487 : memref<40xi32, #tpu.memory_space<vmem>>) semaphore(%arg24 : memref<!tpu.dma_semaphore, #tpu.memory_space<semaphore_mem>>)
      } else {
      }
      %lt3A_480 = arith.constant 48 : i32
      %lt3A_481 = arith.cmpi slt, %add3A_374, %lt3A_480 : i32
      %convert_element_type3A_482 = arith.extui %lt3A_481 : i1 to i32
      %cond3A_483 = arith.constant 0 : i32
      %cond3A_484 = arith.cmpi ne, %convert_element_type3A_482, %cond3A_483 : i32
      scf.if %cond3A_484 {
        %add3A_486 = arith.constant 2 : i32
        %add3A_487 = arith.addi %add3A_374, %add3A_486 : i32
        %mul3A_488 = arith.constant 5 : i32
        %mul3A_489 = arith.muli %add3A_487, %mul3A_488 : i32
        %mul3A_490 = arith.constant 40 : i32
        %mul3A_491 = arith.muli %mul3A_489, %mul3A_490 : i32
        %add3A_492 = arith.addi %mul3A_2, %mul3A_491 : i32
        %mul3A_493 = arith.constant 5 : i32
        %mul3A_494 = arith.muli %add3A_487, %mul3A_493 : i32
        %mul3A_495 = arith.constant 40 : i32
        %mul3A_496 = arith.muli %mul3A_494, %mul3A_495 : i32
        %add3A_497 = arith.addi %mul3A_2, %mul3A_496 : i32
        %dma_start3A_498 = tpu.memref_slice %arg3[%add3A_492] : memref<320000xi32, #tpu.memory_space<hbm>> -> memref<200xi32, #tpu.memory_space<hbm>>
        %dma_start3A_499 = tpu.memref_slice %arg3[%add3A_492] : memref<320000xi32, #tpu.memory_space<hbm>> -> memref<200xi32, #tpu.memory_space<hbm>>
        tpu.enqueue_dma source(%dma_start3A_499 : memref<200xi32, #tpu.memory_space<hbm>>) target(%arg8 : memref<200xi32, #tpu.memory_space<vmem>>) target_semaphore(%arg36 : memref<!tpu.dma_semaphore, #tpu.memory_space<semaphore_mem>>)
        %dma_start3A_500 = tpu.memref_slice %arg4[%add3A_497] : memref<320000xi32, #tpu.memory_space<hbm>> -> memref<200xi32, #tpu.memory_space<hbm>>
        %dma_start3A_501 = tpu.memref_slice %arg4[%add3A_497] : memref<320000xi32, #tpu.memory_space<hbm>> -> memref<200xi32, #tpu.memory_space<hbm>>
        tpu.enqueue_dma source(%dma_start3A_501 : memref<200xi32, #tpu.memory_space<hbm>>) target(%arg10 : memref<200xi32, #tpu.memory_space<vmem>>) target_semaphore(%arg38 : memref<!tpu.dma_semaphore, #tpu.memory_space<semaphore_mem>>)
      } else {
      }
      %scan3A_485 = arith.constant 0 : i32
      scf.yield %scan3A_485 : i32
    }
    %scan3A_256 = arith.constant 25 : i32
    %barrier3A_257 = arith.constant 0 : index
    tpu.barrier barrier_id(%barrier3A_257)
    "tpu.region"() ({
      %run_scoped3A = tpu.sem_alloc : memref<!tpu.dma_semaphore, #tpu.memory_space<semaphore_mem>>
      %dma_start3A_258 = arith.constant 0 : i32
      %dma_start3A_259 = tpu.memref_slice %arg5[%arg0, %mul3A_25, %dma_start3A_258] : memref<2x10240x128xf32, #tpu.memory_space<hbm>> -> memref<1x640x128xf32, #tpu.memory_space<hbm>>
      %dma_start3A_260 = tpu.memref_squeeze %dma_start3A_259 : memref<1x640x128xf32, #tpu.memory_space<hbm>> -> memref<640x128xf32, #tpu.memory_space<hbm>>
      %dma_start3A_261 = arith.constant 0 : i32
      %dma_start3A_262 = tpu.memref_slice %arg18[%mul3A_25, %dma_start3A_261] : memref<10240x128xf32, #tpu.memory_space<vmem_shared>> -> memref<640x128xf32, #tpu.memory_space<vmem_shared>>
      tpu.enqueue_dma source(%dma_start3A_262 : memref<640x128xf32, #tpu.memory_space<vmem_shared>>) target(%dma_start3A_260 : memref<640x128xf32, #tpu.memory_space<hbm>>) target_semaphore(%run_scoped3A : memref<!tpu.dma_semaphore, #tpu.memory_space<semaphore_mem>>)
      %dma_wait3A_263 = arith.constant 0 : i32
      %dma_wait3A_264 = tpu.memref_slice %arg5[%arg0, %mul3A_25, %dma_wait3A_263] : memref<2x10240x128xf32, #tpu.memory_space<hbm>> -> memref<1x640x128xf32, #tpu.memory_space<hbm>>
      %dma_wait3A_265 = tpu.memref_squeeze %dma_wait3A_264 : memref<1x640x128xf32, #tpu.memory_space<hbm>> -> memref<640x128xf32, #tpu.memory_space<hbm>>
      %dma_wait3A_266 = arith.constant 0 : i32
      %dma_wait3A_267 = tpu.memref_slice %arg18[%mul3A_25, %dma_wait3A_266] : memref<10240x128xf32, #tpu.memory_space<vmem_shared>> -> memref<640x128xf32, #tpu.memory_space<vmem_shared>>
      tpu.wait_dma2 semaphore(%run_scoped3A : memref<!tpu.dma_semaphore, #tpu.memory_space<semaphore_mem>>) src(%dma_wait3A_267 : memref<640x128xf32, #tpu.memory_space<vmem_shared>>) dst(%dma_wait3A_265 : memref<640x128xf32, #tpu.memory_space<hbm>>)
      tpu.yield
    }) : () -> ()
    return
  }
}

module attributes {stable_mosaic.version = 14 : i64} {
  func.func @_dense_body(%arg0: i32, %arg1: memref<5000x128xf32, #tpu.memory_space<vmem>>, %arg2: memref<2x5000x128xf32, #tpu.memory_space<vmem>>, %arg3: memref<5000x2xf32, #tpu.memory_space<vmem>>, %arg4: memref<128x128xf32, #tpu.memory_space<vmem>>, %arg5: memref<128x128xf32, #tpu.memory_space<vmem>>, %arg6: memref<1x128xf32, #tpu.memory_space<vmem>>, %arg7: memref<5000x128xf32, #tpu.memory_space<vmem>>) attributes {dimension_semantics = [#tpu.dimension_semantics<arbitrary>], iteration_bounds = array<i64: 2>, scalar_prefetch = 0 : i64, scratch_operands = 0 : i64, tpu.core_type = #tpu.core_type<tc>, window_params = [{transform_indices = @transform_0, window_bounds = array<i64: 5000, 128>}, {transform_indices = @transform_1, window_bounds = array<i64: 2, 5000, 128>}, {transform_indices = @transform_2, window_bounds = array<i64: 5000, 2>}, {pipeline_mode = #tpu.pipeline_mode<synchronous>, transform_indices = @transform_3, window_bounds = array<i64: 128, 128>}, {pipeline_mode = #tpu.pipeline_mode<synchronous>, transform_indices = @transform_4, window_bounds = array<i64: 128, 128>}, {pipeline_mode = #tpu.pipeline_mode<synchronous>, transform_indices = @transform_5, window_bounds = array<i64: 1, 128>}, {transform_indices = @transform_6, window_bounds = array<i64: 5000, 128>}]} {
    %get3A = arith.constant 0 : index
    %get3A_0 = arith.constant 0 : index
    %get3A_1 = vector.load %arg3[%get3A, %get3A_0] : memref<5000x2xf32, #tpu.memory_space<vmem>>, vector<5000x1xf32>
    %get3A_2 = vector.shape_cast %get3A_1 : vector<5000x1xf32> to vector<5000xf32>
    %get3A_3 = arith.constant 0 : index
    %get3A_4 = arith.constant 1 : index
    %get3A_5 = vector.load %arg3[%get3A_3, %get3A_4] : memref<5000x2xf32, #tpu.memory_space<vmem>>, vector<5000x1xf32>
    %get3A_6 = vector.shape_cast %get3A_5 : vector<5000x1xf32> to vector<5000xf32>
    %add3A = arith.addf %get3A_2, %get3A_6 : vector<5000xf32>
    %get3A_7 = arith.constant 0 : index
    %get3A_8 = arith.constant 0 : index
    %get3A_9 = arith.constant 0 : index
    %get3A_10 = vector.load %arg2[%get3A_7, %get3A_8, %get3A_9] : memref<2x5000x128xf32, #tpu.memory_space<vmem>>, vector<1x5000x128xf32>
    %get3A_11 = vector.shape_cast %get3A_10 : vector<1x5000x128xf32> to vector<5000x128xf32>
    %get3A_12 = arith.constant 1 : index
    %get3A_13 = arith.constant 0 : index
    %get3A_14 = arith.constant 0 : index
    %get3A_15 = vector.load %arg2[%get3A_12, %get3A_13, %get3A_14] : memref<2x5000x128xf32, #tpu.memory_space<vmem>>, vector<1x5000x128xf32>
    %get3A_16 = vector.shape_cast %get3A_15 : vector<1x5000x128xf32> to vector<5000x128xf32>
    %add3A_17 = arith.addf %get3A_11, %get3A_16 : vector<5000x128xf32>
    %max3A = arith.constant 1.000000e+00 : f32
    %max3A_18 = vector.broadcast %max3A : f32 to vector<5000xf32>
    %max3A_19 = arith.maximumf %add3A, %max3A_18 : vector<5000xf32>
    %broadcast_in_dim3A = vector.shape_cast %max3A_19 : vector<5000xf32> to vector<5000x1xf32>
    %div3A = vector.broadcast %broadcast_in_dim3A : vector<5000x1xf32> to vector<5000x128xf32>
    %div3A_20 = arith.divf %add3A_17, %div3A : vector<5000x128xf32>
    %get3A_21 = arith.constant 0 : index
    %get3A_22 = arith.constant 0 : index
    %get3A_23 = vector.load %arg4[%get3A_21, %get3A_22] : memref<128x128xf32, #tpu.memory_space<vmem>>, vector<128x128xf32>
    %dot_general3A = arith.constant dense<0.000000e+00> : vector<5000x128xf32>
    %dot_general3A_24 = tpu.matmul %div3A_20, %get3A_23, %dot_general3A {dimension_numbers = #tpu.dot_dimension_numbers<[1], [1], [0], [0], [0, 0, 1, 0], [], []>, transpose_lhs_hint = false} : vector<5000x128xf32>, vector<128x128xf32>, vector<5000x128xf32> -> vector<5000x128xf32>
    %get3A_25 = arith.constant 0 : index
    %get3A_26 = arith.constant 0 : index
    %get3A_27 = vector.load %arg1[%get3A_25, %get3A_26] : memref<5000x128xf32, #tpu.memory_space<vmem>>, vector<5000x128xf32>
    %get3A_28 = arith.constant 0 : index
    %get3A_29 = arith.constant 0 : index
    %get3A_30 = vector.load %arg5[%get3A_28, %get3A_29] : memref<128x128xf32, #tpu.memory_space<vmem>>, vector<128x128xf32>
    %dot_general3A_31 = arith.constant dense<0.000000e+00> : vector<5000x128xf32>
    %dot_general3A_32 = tpu.matmul %get3A_27, %get3A_30, %dot_general3A_31 {dimension_numbers = #tpu.dot_dimension_numbers<[1], [1], [0], [0], [0, 0, 1, 0], [], []>, transpose_lhs_hint = false} : vector<5000x128xf32>, vector<128x128xf32>, vector<5000x128xf32> -> vector<5000x128xf32>
    %add3A_33 = arith.addf %dot_general3A_24, %dot_general3A_32 : vector<5000x128xf32>
    %get3A_34 = arith.constant 0 : index
    %get3A_35 = arith.constant 0 : index
    %get3A_36 = vector.load %arg6[%get3A_34, %get3A_35] : memref<1x128xf32, #tpu.memory_space<vmem>>, vector<1x128xf32>
    %add3A_37 = vector.broadcast %get3A_36 : vector<1x128xf32> to vector<5000x128xf32>
    %add3A_38 = arith.addf %add3A_33, %add3A_37 : vector<5000x128xf32>
    %max3A_39 = arith.constant 0.000000e+00 : f32
    %max3A_40 = vector.broadcast %max3A_39 : f32 to vector<5000x128xf32>
    %max3A_41 = arith.maximumf %add3A_38, %max3A_40 : vector<5000x128xf32>
    %swap3A = arith.constant 0 : index
    %swap3A_42 = arith.constant 0 : index
    %swap3A_43 = vector.load %arg7[%swap3A, %swap3A_42] : memref<5000x128xf32, #tpu.memory_space<vmem>>, vector<5000x128xf32>
    tpu.vector_store %arg7[%swap3A, %swap3A_42], %max3A_41 {strides = array<i32>} : memref<5000x128xf32, #tpu.memory_space<vmem>>, vector<5000x128xf32>,
    return
  }
  func.func @transform_0(%arg0: i32) -> (i32, i32) {
    %c0_i32 = arith.constant 0 : i32
    %c0_i32_0 = arith.constant 0 : i32
    return %arg0, %c0_i32 : i32, i32
  }
  func.func @transform_1(%arg0: i32) -> (i32, i32, i32) {
    %c0_i32 = arith.constant 0 : i32
    %c0_i32_0 = arith.constant 0 : i32
    %c0_i32_1 = arith.constant 0 : i32
    return %c0_i32, %arg0, %c0_i32_0 : i32, i32, i32
  }
  func.func @transform_2(%arg0: i32) -> (i32, i32) {
    %c0_i32 = arith.constant 0 : i32
    %c0_i32_0 = arith.constant 0 : i32
    return %arg0, %c0_i32 : i32, i32
  }
  func.func @transform_3(%arg0: i32) -> (i32, i32) {
    %c0_i32 = arith.constant 0 : i32
    %c0_i32_0 = arith.constant 0 : i32
    %c0_i32_1 = arith.constant 0 : i32
    return %c0_i32, %c0_i32_0 : i32, i32
  }
  func.func @transform_4(%arg0: i32) -> (i32, i32) {
    %c0_i32 = arith.constant 0 : i32
    %c0_i32_0 = arith.constant 0 : i32
    %c0_i32_1 = arith.constant 0 : i32
    return %c0_i32, %c0_i32_0 : i32, i32
  }
  func.func @transform_5(%arg0: i32) -> (i32, i32) {
    %c0_i32 = arith.constant 0 : i32
    %c0_i32_0 = arith.constant 0 : i32
    %c0_i32_1 = arith.constant 0 : i32
    return %c0_i32, %c0_i32_0 : i32, i32
  }
  func.func @transform_6(%arg0: i32) -> (i32, i32) {
    %c0_i32 = arith.constant 0 : i32
    %c0_i32_0 = arith.constant 0 : i32
    return %arg0, %c0_i32 : i32, i32
  }
}

module attributes {stable_mosaic.version = 14 : i64} {
  func.func @_dense_body(%arg0: i32, %arg1: memref<5000x128xf32, #tpu.memory_space<vmem>>, %arg2: memref<2x5000x128xf32, #tpu.memory_space<vmem>>, %arg3: memref<5000x2xf32, #tpu.memory_space<vmem>>, %arg4: memref<128x128xf32, #tpu.memory_space<vmem>>, %arg5: memref<128x128xf32, #tpu.memory_space<vmem>>, %arg6: memref<1x128xf32, #tpu.memory_space<vmem>>, %arg7: memref<5000x128xf32, #tpu.memory_space<vmem>>) attributes {dimension_semantics = [#tpu.dimension_semantics<arbitrary>], iteration_bounds = array<i64: 2>, scalar_prefetch = 0 : i64, scratch_operands = 0 : i64, tpu.core_type = #tpu.core_type<tc>, window_params = [{transform_indices = @transform_0, window_bounds = array<i64: 5000, 128>}, {transform_indices = @transform_1, window_bounds = array<i64: 2, 5000, 128>}, {transform_indices = @transform_2, window_bounds = array<i64: 5000, 2>}, {pipeline_mode = #tpu.pipeline_mode<synchronous>, transform_indices = @transform_3, window_bounds = array<i64: 128, 128>}, {pipeline_mode = #tpu.pipeline_mode<synchronous>, transform_indices = @transform_4, window_bounds = array<i64: 128, 128>}, {pipeline_mode = #tpu.pipeline_mode<synchronous>, transform_indices = @transform_5, window_bounds = array<i64: 1, 128>}, {transform_indices = @transform_6, window_bounds = array<i64: 5000, 128>}]} {
    %get3A = arith.constant 0 : index
    %get3A_0 = arith.constant 0 : index
    %get3A_1 = vector.load %arg3[%get3A, %get3A_0] : memref<5000x2xf32, #tpu.memory_space<vmem>>, vector<5000x1xf32>
    %get3A_2 = vector.shape_cast %get3A_1 : vector<5000x1xf32> to vector<5000xf32>
    %get3A_3 = arith.constant 0 : index
    %get3A_4 = arith.constant 1 : index
    %get3A_5 = vector.load %arg3[%get3A_3, %get3A_4] : memref<5000x2xf32, #tpu.memory_space<vmem>>, vector<5000x1xf32>
    %get3A_6 = vector.shape_cast %get3A_5 : vector<5000x1xf32> to vector<5000xf32>
    %add3A = arith.addf %get3A_2, %get3A_6 : vector<5000xf32>
    %get3A_7 = arith.constant 0 : index
    %get3A_8 = arith.constant 0 : index
    %get3A_9 = arith.constant 0 : index
    %get3A_10 = vector.load %arg2[%get3A_7, %get3A_8, %get3A_9] : memref<2x5000x128xf32, #tpu.memory_space<vmem>>, vector<1x5000x128xf32>
    %get3A_11 = vector.shape_cast %get3A_10 : vector<1x5000x128xf32> to vector<5000x128xf32>
    %get3A_12 = arith.constant 1 : index
    %get3A_13 = arith.constant 0 : index
    %get3A_14 = arith.constant 0 : index
    %get3A_15 = vector.load %arg2[%get3A_12, %get3A_13, %get3A_14] : memref<2x5000x128xf32, #tpu.memory_space<vmem>>, vector<1x5000x128xf32>
    %get3A_16 = vector.shape_cast %get3A_15 : vector<1x5000x128xf32> to vector<5000x128xf32>
    %add3A_17 = arith.addf %get3A_11, %get3A_16 : vector<5000x128xf32>
    %max3A = arith.constant 1.000000e+00 : f32
    %max3A_18 = vector.broadcast %max3A : f32 to vector<5000xf32>
    %max3A_19 = arith.maximumf %add3A, %max3A_18 : vector<5000xf32>
    %broadcast_in_dim3A = vector.shape_cast %max3A_19 : vector<5000xf32> to vector<5000x1xf32>
    %div3A = vector.broadcast %broadcast_in_dim3A : vector<5000x1xf32> to vector<5000x128xf32>
    %div3A_20 = arith.divf %add3A_17, %div3A : vector<5000x128xf32>
    %get3A_21 = arith.constant 0 : index
    %get3A_22 = arith.constant 0 : index
    %get3A_23 = vector.load %arg4[%get3A_21, %get3A_22] : memref<128x128xf32, #tpu.memory_space<vmem>>, vector<128x128xf32>
    %dot_general3A = arith.constant dense<0.000000e+00> : vector<5000x128xf32>
    %dot_general3A_24 = tpu.matmul %div3A_20, %get3A_23, %dot_general3A {dimension_numbers = #tpu.dot_dimension_numbers<[1], [1], [0], [0], [0, 0, 1, 0], [], []>, transpose_lhs_hint = false} : vector<5000x128xf32>, vector<128x128xf32>, vector<5000x128xf32> -> vector<5000x128xf32>
    %get3A_25 = arith.constant 0 : index
    %get3A_26 = arith.constant 0 : index
    %get3A_27 = vector.load %arg1[%get3A_25, %get3A_26] : memref<5000x128xf32, #tpu.memory_space<vmem>>, vector<5000x128xf32>
    %get3A_28 = arith.constant 0 : index
    %get3A_29 = arith.constant 0 : index
    %get3A_30 = vector.load %arg5[%get3A_28, %get3A_29] : memref<128x128xf32, #tpu.memory_space<vmem>>, vector<128x128xf32>
    %dot_general3A_31 = arith.constant dense<0.000000e+00> : vector<5000x128xf32>
    %dot_general3A_32 = tpu.matmul %get3A_27, %get3A_30, %dot_general3A_31 {dimension_numbers = #tpu.dot_dimension_numbers<[1], [1], [0], [0], [0, 0, 1, 0], [], []>, transpose_lhs_hint = false} : vector<5000x128xf32>, vector<128x128xf32>, vector<5000x128xf32> -> vector<5000x128xf32>
    %add3A_33 = arith.addf %dot_general3A_24, %dot_general3A_32 : vector<5000x128xf32>
    %get3A_34 = arith.constant 0 : index
    %get3A_35 = arith.constant 0 : index
    %get3A_36 = vector.load %arg6[%get3A_34, %get3A_35] : memref<1x128xf32, #tpu.memory_space<vmem>>, vector<1x128xf32>
    %add3A_37 = vector.broadcast %get3A_36 : vector<1x128xf32> to vector<5000x128xf32>
    %add3A_38 = arith.addf %add3A_33, %add3A_37 : vector<5000x128xf32>
    %max3A_39 = arith.constant 0.000000e+00 : f32
    %max3A_40 = vector.broadcast %max3A_39 : f32 to vector<5000x128xf32>
    %max3A_41 = arith.maximumf %add3A_38, %max3A_40 : vector<5000x128xf32>
    %swap3A = arith.constant 0 : index
    %swap3A_42 = arith.constant 0 : index
    %swap3A_43 = vector.load %arg7[%swap3A, %swap3A_42] : memref<5000x128xf32, #tpu.memory_space<vmem>>, vector<5000x128xf32>
    tpu.vector_store %arg7[%swap3A, %swap3A_42], %max3A_41 {strides = array<i32>} : memref<5000x128xf32, #tpu.memory_space<vmem>>, vector<5000x128xf32>,
    return
  }
  func.func @transform_0(%arg0: i32) -> (i32, i32) {
    %c0_i32 = arith.constant 0 : i32
    %c0_i32_0 = arith.constant 0 : i32
    return %arg0, %c0_i32 : i32, i32
  }
  func.func @transform_1(%arg0: i32) -> (i32, i32, i32) {
    %c0_i32 = arith.constant 0 : i32
    %c0_i32_0 = arith.constant 0 : i32
    %c0_i32_1 = arith.constant 0 : i32
    return %c0_i32, %arg0, %c0_i32_0 : i32, i32, i32
  }
  func.func @transform_2(%arg0: i32) -> (i32, i32) {
    %c0_i32 = arith.constant 0 : i32
    %c0_i32_0 = arith.constant 0 : i32
    return %arg0, %c0_i32 : i32, i32
  }
  func.func @transform_3(%arg0: i32) -> (i32, i32) {
    %c0_i32 = arith.constant 0 : i32
    %c0_i32_0 = arith.constant 0 : i32
    %c0_i32_1 = arith.constant 0 : i32
    return %c0_i32, %c0_i32_0 : i32, i32
  }
  func.func @transform_4(%arg0: i32) -> (i32, i32) {
    %c0_i32 = arith.constant 0 : i32
    %c0_i32_0 = arith.constant 0 : i32
    %c0_i32_1 = arith.constant 0 : i32
    return %c0_i32, %c0_i32_0 : i32, i32
  }
  func.func @transform_5(%arg0: i32) -> (i32, i32) {
    %c0_i32 = arith.constant 0 : i32
    %c0_i32_0 = arith.constant 0 : i32
    %c0_i32_1 = arith.constant 0 : i32
    return %c0_i32, %c0_i32_0 : i32, i32
  }
  func.func @transform_6(%arg0: i32) -> (i32, i32) {
    %c0_i32 = arith.constant 0 : i32
    %c0_i32_0 = arith.constant 0 : i32
    return %arg0, %c0_i32 : i32, i32
  }
}

</mosaic_0001>

<sc_bundles>
// kernel: kernel.6.cloned.1.call-start
scs
__scs_entry_jumppad:
0x0: {  	(pc) =	sbr.rel $0x88, $3  }
0x1: {  	(tag) =	ssettag $0x0;
	lr =	simm.s32 $0x1  }
0x2: {  	[smem:$0x3F99] =	sst lr;
	_ =	strace $0xD0000000  }
0x3: {  	_ = 	snop  }
0x4: {  	_ = 	snop  }
0x5: {  	_ = 	snop  }
0x6: {  	_ = 	snop  }
0x7: {  	_ = 	snop  }
__scs_overlays_trampoline_lowered:
0x8: {  	[smem:$0x3FA8] =	sst s0  }
0x9: {  	[smem:$0x3FA9] =	sst s1  }
0xa: {  	[smem:$0x3FAA] =	sst s2  }
0xb: {  	[smem:$0x3FAB] =	sst s3  }
0xc: {  	[smem:$0x3FAC] =	sst s4  }
0xd: {  	[smem:$0x3FAD] =	sst s5  }
0xe: {  	[smem:$0x3FAE] =	sst s6  }
0xf: {  	[smem:$0x3FAF] =	sst s7  }
0x10: {  	[smem:$0x3FB0] =	sst s8  }
0x11: {  	[smem:$0x3FB1] =	sst s9;
	s0 =	simm.s32 @!p0 $0x0  }
0x12: {  	s1 =	sld [smem:$0x3F97];
	s0 =	simm.s32 @p0 $0x1  }
0x13: {  	[smem:$0x3FB2] =	sst s0;
	s0 =	simm.s32 @!p1 $0x0  }
0x14: {  	s2 =	sld [smem:$0x3F96];
	s0 =	simm.s32 @p1 $0x1  }
0x15: {  	[smem:$0x3FB3] =	sst s0;
	s0 =	simm.s32 @!p2 $0x0  }
0x16: {  	s3 =	sld [smem:$0x3FDB];
	s0 =	simm.s32 @p2 $0x1  }
0x17: {  	s4 =	simm.s32 $0x1BF5;
	[smem:$0x3FB5] =	sst s0  }
0x18: {  	s0 =	sld [smem:$0x3F98];
	_ =	swait.ge [sflag:s4], $0x0  }
0x19: {  	s7 =	sld [smem:$0x3F99]  }
0x1a: {  	s8 =	sadd.s32 $0xFFFFE003, lr  }
0x1b: {  	s9 =	sadd.s32 $0xFFFFFEF7, lr;
	s5 =	simm.s32 $0xFFFFFFFF;
	p2 =	slt.u32 s8, $0xFFFFF086  }
0x1c: {  	p1 =	slt.u32 s9, $0xF7A;
	s5 =	simm.s32 @!p2 $0x0  }
0x1d: {  	s5 =	simm.s32 @p1 $0x1;
	p0 =	seq.s32 s7, s2  }
0x1e: {  	s7 =	smul.u32 @!p0 $0xF7A, s2;
	p2 =	seq.s32 @!p0 s5, $0x0  }
0x1f: {  	s9 =	smul.u32 $0xF7A, s1;
	s8 =	simm.s32 @!p0 $0x1BF5;
	p2 =	por !p2, p0  }
0x20: {  	[sflag:s8] =	ssyncset.s32 @!p0 $0xFFFFF086;
	s6 =	sadd.s32 @!p0 s3, s7;
	s7 =	simm.s32 @!p0 $0x108  }
0x21: {  	s3 =	sadd.s32 s3, s9;
	s6 =	sadd.s32 @!p0 $0x88, s6;
	s7 =	simm.s32 @p2 $0x1082  }
0x22: {  	[simem:s7], [sflag:s8] =	dma.local @!p0 [hbm:s6], $0xF7A  }
0x23: {  	s9 =	sor.u32 $0xD0000000, s2;
	s6 =	simm.s32 $0x108;
	_ =	swait.ge @!p0 [sflag:s8], $0x0  }
0x24: {  	s3 =	sadd.s32 $0x88, s3;
	s6 =	simm.s32 @!p1 $0x1082;
	[sflag:s4] =	ssyncset.s32 $0xFFFFF086  }
0x25: {  	[simem:s6], [sflag:s4] =	dma.local [hbm:s3], $0xF7A  }
0x26: {  	[smem:$0x3F99] =	sst s1;
	(tag) =	ssettag s2;
	_ =	strace s9  }
0x27: {  	s1 =	sld [smem:$0x3FA9]  }
0x28: {  	s2 =	sld [smem:$0x3FAA]  }
0x29: {  	s4 =	sld [smem:$0x3FAC]  }
0x2a: {  	p0 =	seq.s32 s5, $0x0;
	s5 =	sld [smem:$0x3FAD]  }
0x2b: {  	s6 =	sld [smem:$0x3FAE]  }
0x2c: {  	s7 =	sld [smem:$0x3FAF]  }
0x2d: {  	s3 =	simm.s32 $0x108;
	s8 =	sld [smem:$0x3FB0]  }
0x2e: {  	s3 =	simm.s32 @!p0 $0x1082;
	s9 =	sld [smem:$0x3FB1]  }
0x2f: {  	lr =	sadd.s32 s0, s3;
	s0 =	sld [smem:$0x3FA8]  }
0x30: {  	s3 =	sld [smem:$0x3FAB]  }
0x31: {  	[smem:$0x3FB4] =	sst s10  }
0x32: {  	s10 =	sld [smem:$0x3FB2];
	_ =	sdelay $0x3  }
0x33: {  	p0 =	seq.s32 s10, $0x1;
	s10 =	sld [smem:$0x3FB4];
	_ =	sdelay $0x3  }
0x34: {  	[smem:$0x3FB4] =	sst s10  }
0x35: {  	s10 =	sld [smem:$0x3FB3];
	_ =	sdelay $0x3  }
0x36: {  	p1 =	seq.s32 s10, $0x1;
	s10 =	sld [smem:$0x3FB4];
	_ =	sdelay $0x3  }
0x37: {  	[smem:$0x3FB4] =	sst s10  }
0x38: {  	s10 =	sld [smem:$0x3FB5]  }
0x39: {  	_ = 	snop;
	(pc) =	sbr.ind lr, $3  }
0x3a: {  	_ = 	snop  }
0x3b: {  	_ = 	snop  }
0x3c: {  	p2 =	seq.s32 s10, $0x1;
	s10 =	sld [smem:$0x3FB4]  }
0x3d: {  	_ =	shalt  }
0x3e: {  	_ =	shalt  }
0x3f: {  	_ =	shalt  }
0x40: {  	_ =	shalt  }
0x41: {  	_ =	shalt  }
0x42: {  	_ =	shalt  }
0x43: {  	_ =	shalt  }
0x44: {  	_ =	shalt  }
0x45: {  	_ =	shalt  }
0x46: {  	_ =	shalt  }
0x47: {  	_ =	shalt  }
0x48: {  	_ =	shalt  }
0x49: {  	_ =	shalt  }
0x4a: {  	_ =	shalt  }
0x4b: {  	_ =	shalt  }
0x4c: {  	_ =	shalt  }
0x4d: {  	_ =	shalt  }
0x4e: {  	_ =	shalt  }
0x4f: {  	_ =	shalt  }
0x50: {  	_ =	shalt  }
0x51: {  	_ =	shalt  }
0x52: {  	_ =	shalt  }
0x53: {  	_ =	shalt  }
0x54: {  	_ =	shalt  }
0x55: {  	_ =	shalt  }
0x56: {  	_ =	shalt  }
0x57: {  	_ =	shalt  }
0x58: {  	_ =	shalt  }
0x59: {  	_ =	shalt  }
0x5a: {  	_ =	shalt  }
0x5b: {  	_ =	shalt  }
0x5c: {  	_ =	shalt  }
0x5d: {  	_ =	shalt  }
0x5e: {  	_ =	shalt  }
0x5f: {  	_ =	shalt  }
0x60: {  	_ =	shalt  }
0x61: {  	_ =	shalt  }
0x62: {  	_ =	shalt  }
0x63: {  	_ =	shalt  }
0x64: {  	_ =	shalt  }
0x65: {  	_ =	shalt  }
0x66: {  	_ =	shalt  }
0x67: {  	_ =	shalt  }
0x68: {  	_ =	shalt  }
0x69: {  	_ =	shalt  }
0x6a: {  	_ =	shalt  }
0x6b: {  	_ =	shalt  }
0x6c: {  	_ =	shalt  }
0x6d: {  	_ =	shalt  }
0x6e: {  	_ =	shalt  }
0x6f: {  	_ =	shalt  }
0x70: {  	_ =	shalt  }
0x71: {  	_ =	shalt  }
0x72: {  	_ =	shalt  }
0x73: {  	_ =	shalt  }
0x74: {  	_ =	shalt  }
0x75: {  	_ =	shalt  }
0x76: {  	_ =	shalt  }
0x77: {  	_ =	shalt  }
0x78: {  	_ =	shalt  }
0x79: {  	_ =	shalt  }
0x7a: {  	_ =	shalt  }
0x7b: {  	_ =	shalt  }
0x7c: {  	_ =	shalt  }
0x7d: {  	_ =	shalt  }
0x7e: {  	_ =	shalt  }
0x7f: {  	_ =	shalt  }
0x80: {  	_ =	shalt  }
0x81: {  	_ =	shalt  }
0x82: {  	_ =	shalt  }
0x83: {  	_ =	shalt  }
0x84: {  	_ =	shalt  }
0x85: {  	_ =	shalt  }
0x86: {  	_ =	shalt  }
0x87: {  	_ =	shalt  }
.Lfunc_end0:
.L_simem_size_0:
called_computation_lowered:
.L_overlay_start_0:
0x88: {  	s2 =	sld [smem:$0x3FD9]  }
0x89: {  	s3 =	sld [smem:$0x3FFE];
	_ =	sdelay $0x1  }
0x8a: {  	s1 =	srdreg.scid  }
0x8b: {  	s0 =	sand.u32 $0x1, s1  }
0x8c: {  	s17 =	sshll.u32 s0, $0xA;
	s2 =	sadd.s32 s3, s2  }
0x8d: {  	s2 =	sadd.s32 s2, s17  }
0x8e: {  	[smem:$0x3FC0] =	sst s2  }
0x8f: {  	_ = 	snop  }
0x90: {  	s2 =	sld [smem:$0x3FC9]  }
0x91: {  	s18 =	sld [smem:$0x3FD0];
	(tm) =	ssettm $0x1  }
0x92: {  	s4 =	sld [smem:$0x3FFB];
	_ =	sdelay $0x3  }
0x93: {  	_ =	strace s4  }
0x94: {  	s4 =	sld [smem:$0x3FFC];
	_ =	sdelay $0x3  }
0x95: {  	_ =	strace s4  }
0x96: {  	s4 =	sld [smem:$0x3FFD];
	_ =	sdelay $0x3  }
0x97: {  	_ =	strace s4  }
0x98: {  	_ =	strace $0x8FFFFFFF  }
0x99: {  	s19 =	sld [smem:$0x3FDB];
	_ =	sdelay $0x1  }
0x9a: {  	s5 =	simm.s32 $_scs_section_size  }
0x9b: {  	s6 =	simm.s32 $_size__tile_overlayer_lowered;
	s7 =	simm.s32 $_tile_overlayer_lowered  }
0x9c: {  	s22 =	simm.s32 $0x1BFF;
	s21 =	sshll.u32 s7, $0x1;
	s4 =	sadd.s32 s5, s19  }
0x9d: {  	s8 =	simm.s32 $0x0;
	s20 =	sshll.u32 s6, $0x1;
	s6 =	sadd.s32 s21, s4  }
0x9e: {  	[timem:s8], [sflag:s22] =	dma.local [hbm:s6], s20  }
0x9f: {  	_ =	swait.ge [sflag:s22], s20  }
0xa0: {  	s5 =	ssub.s32 $0x0, s20;
	[sflag:s22] =	ssyncset.done $0x0  }
0xa1: {  	[sflag:s22] =	ssyncadd.s32 s5;
	_ =	sdelay $0x1  }
0xa2: {  	s23 =	simm.s32 $0x1B8B  }
0xa3: {  	_ =	swait.ge [sflag:s23], $0x1  }
0xa4: {  	[sflag:s23] =	ssyncset.done $0x0  }
0xa5: {  	s25 =	simm.s32 $0x1B8E;
	s24 =	sld [smem:$0x3FFE];
	[sflag:s23] =	ssyncadd.s32 $0xFFFFFFFF  }
0xa6: {  	s26 =	simm.s32 $execute0_lowered;
	[smem:$0x3FD2] =	sst s25  }
0xa7: {  	s6 =	sshll.u32 s26, $0x1;
	_ =	strace $0x80000046;
	[dreg:$0x1] =	wrdreg $0xFFFFFFFF  }
0xa8: {  	s28 =	simm.s32 $_size_execute0_lowered;
	s4 =	sadd.s32 s4, s6;
	[dreg:$0x0] =	wrdreg $0x0  }
0xa9: {  	s6 =	sshll.u32 s28, $0x1;
	[dreg:$0x2] =	wrdreg s4  }
0xaa: {  	[dreg:$0x3] =	wrdreg s6  }
0xab: {  	[dreg:$0x4] =	wrdreg $0xC0  }
0xac: {  	_ =	task [dreg:s8], $0x5FFFF  }
0xad: {  	[dreg:$0x1] =	wrdreg $0xFFFFFFFF  }
0xae: {  	[dreg:$0x0] =	wrdreg $0x60  }
0xaf: {  	[dreg:$0x2] =	wrdreg s2  }
0xb0: {  	[dreg:$0x3] =	wrdreg s24  }
0xb1: {  	[dreg:$0x4] =	wrdreg s18  }
0xb2: {  	[dreg:$0x5] =	wrdreg $0x6B000  }
0xb3: {  	[dreg:$0x6] =	wrdreg $0x1AB000  }
0xb4: {  	[dreg:$0x7] =	wrdreg $0x9  }
0xb5: {  	_ =	task.clear_ibuf [dreg:s8], $0x8FFFF;
	_ =	strace $0x90000046  }
0xb6: {  	s29 =	simm.s32 $0x9;
	_ =	strace $0x80000048  }
0xb7: {  	_ =	swait.ge [sflag:s29], $0x1  }
0xb8: {  	[sflag:s29] =	ssyncadd.s32 $0xFFFFFFFF  }
0xb9: {  	_ =	strace $0x90000048  }
0xba: {  	_ =	sfence  }
0xbb: {  	s30 =	sld [smem:$0x0];
	_ =	sdelay $0x2  }
0xbc: {  	s31 =	sshll.u32 s1, $0xD;
	s1 =	sshrl.u32 s1, $0x2  }
0xbd: {  	s3 =	sand.u32 $0x4000, s31;
	s1 =	sadd.s32 s1, s30  }
0xbe: {  	s0 =	sor.u32 s3, s0;
	s1 =	sshll.u32 s1, $0x11  }
0xbf: {  	s0 =	sor.u32 s1, s0  }
0xc0: {  	s0 =	sadd.s32 $0x8F2B, s0  }
0xc1: {  	[sflag:s0] =	ssyncadd.remote.s32 $0x1  }
0xc2: {  	_ =	sfence.sel $0xFFFF  }
0xc3: {  	[dreg:$0x0] =	wrdreg $0xFFFFFFFF;
	(pc) =	sbr.abs _section_cstart, $3  }
0xc4: {  	[dreg:$0x1] =	wrdreg $0xFFFFFFFF  }
0xc5: {  	_ =	task.clear_ibuf [dreg:s8], $0x2FFFF;
	_ =	strace $0x9FFFFFFF  }
0xc6: {  	(tm) =	ssettm $0x7FFFFFFF  }
0xc7: {  	_ =	shalt  }
tec
execute0_lowered:
.L_overlay_start_1:
0x0: {  	(tag) =	ssettag $0x1  }
0x1: {  	s1 =	rddreg [dreg:$0x0]  }
0x2: {  	s0 =	rddreg [dreg:$0x1]  }
0x3: {  	s4 =	rddreg [dreg:$0x2]  }
0x4: {  	s2 =	rddreg [dreg:$0x3]  }
0x5: {  	s3 =	rddreg [dreg:$0x4];
	s12 =	stileid.u32  }
0x6: {  	s5 =	srdreg.scid;
	s9 =	smul.u32 $0x14000, s12  }
0x7: {  	s6 =	simm.s32 $0x0;
	s28 =	simm.s32 $0x4000;
	s11 =	smul.u32 $0x50000, s12  }
0x8: {  	s30 =	simm.s32 $0x5400;
	s5 =	sand.u32 $0x1, s5;
	s22 =	smul.u32 $0x500, s12  }
0x9: {  	s31 =	simm.s32 $0x6800;
	s8 =	smul.u32 $0x140000, s5;
	s10 =	sshll.u32 s5, $0x4  }
0xa: {  	[smem:$0x7FF] =	sst s6;
	s24 =	smul.u32 $0xA00, s12;
	s16 =	sor.u32 s12, s10  }
0xb: {  	s6 =	sadd.s32 $0xC000, s0;
	s8 =	sadd.s32 s9, s8;
	s9 =	smul.u32 $0x2710, s16  }
0xc: {  	s7 =	sadd.s32 $0x2200, s0;
	s29 =	smul.u32 $0x2710, s12;
	_ =	strace $0x80000047  }
0xd: {  	s17 =	ssub.s32 $0x2, s5;
	s8 =	sshrl.u32 s8, $0x3;
	s19 =	sshrl.u32 s9, $0x3  }
0xe: {  	s18 =	sshrl.u32 s17, $0x1;
	s0 =	sadd.s32 s8, s0;
	s13 =	sadd.s32 s6, s19  }
0xf: {  	s8 =	ssub.s32 s17, s18;
	s10 =	sadd.s32 s7, s19;
	[dreg:$0x6] =	wrdreg s13  }
0x10: {  	s9 =	sadd.s32 $0xC8, s9;
	s0 =	sadd.s32 $0x15E00, s0;
	[dreg:$0x7] =	wrdreg s10  }
0x11: {  	s9 =	sshrl.u32 s9, $0x3;
	s19 =	smax.u32 s8, $0x1;
	[dreg:$0x15] =	wrdreg s0  }
0x12: {  	s25 =	sshll.u32 s5, $0x7;
	s20 =	sadd.s32 s6, s9;
	[dreg:$0x16] =	wrdreg s19  }
0x13: {  	s11 =	sshrl.u32 s11, $0x2;
	s9 =	sadd.s32 s7, s9;
	[dreg:$0x8] =	wrdreg s20  }
0x14: {  	s5 =	smul.u32 $0x27100, s5;
	s13 =	sadd.s32 s11, s2;
	[dreg:$0xa] =	wrdreg s9  }
0x15: {  	s12 =	simm.s32 $0x400;
	s21 =	sadd.s32 $0x1400, s13;
	[dreg:$0x9] =	wrdreg s13  }
0x16: {  	s5 =	sadd.s32 s29, s5;
	s23 =	sadd.s32 $0x2800, s13;
	[dreg:$0xb] =	wrdreg s21  }
0x17: {  	s17 =	sshrl.u32 s24, $0x2;
	s14 =	sadd.s32 $0x3C00, s13;
	[dreg:$0xc] =	wrdreg s23  }
0x18: {  	s8 =	simm.s32 $0xC;
	s26 =	sadd.s32 $0x5000, s13;
	[dreg:$0xd] =	wrdreg s14  }
0x19: {  	s0 =	simm.s32 $0x2;
	s15 =	sadd.s32 $0x7800, s13;
	[dreg:$0xe] =	wrdreg s26  }
0x1a: {  	s19 =	simm.s32 $0x4;
	s16 =	sadd.s32 $0x8C00, s13;
	[dreg:$0x10] =	wrdreg s15  }
0x1b: {  	s11 =	simm.s32 $0xF;
	s18 =	sadd.s32 $0xA000, s13;
	[dreg:$0x12] =	wrdreg s16  }
0x1c: {  	s9 =	sor.u32 s25, s22;
	s20 =	sadd.s32 $0x258, s5;
	[dreg:$0x13] =	wrdreg s18  }
0x1d: {  	s22 =	sadd.s32 $0xC800, s13;
	s24 =	sadd.s32 $0xF000, s13;
	[dreg:$0x17] =	wrdreg s20  }
0x1e: {  	s25 =	sadd.s32 $0x10400, s13;
	s29 =	sadd.s32 $0x12C00, s13;
	[dreg:$0x19] =	wrdreg s22  }
0x1f: {  	s5 =	simm.s32 $0x300;
	s9 =	sshrl.u32 s9, $0x3;
	[dreg:$0x1b] =	wrdreg s24  }
0x20: {  	s14 =	sadd.s32 $0x6400, s13;
	s21 =	sadd.s32 $0xB400, s13;
	[dreg:$0x1c] =	wrdreg s25  }
0x21: {  	s23 =	sadd.s32 $0xDC00, s13;
	s26 =	sadd.s32 $0x11800, s13;
	[dreg:$0x1e] =	wrdreg s29  }
0x22: {  	s15 =	simm.s32 $0x200;
	s16 =	simm.s32 $0x9;
	[dreg:$0xf] =	wrdreg s14  }
0x23: {  	s13 =	simm.s32 $0x2C00;
	s25 =	simm.s32 $0x1;
	[dreg:$0x18] =	wrdreg s21  }
0x24: {  	s20 =	simm.s32 $0x3;
	s22 =	simm.s32 $0xE;
	[dreg:$0x1a] =	wrdreg s23  }
0x25: {  	s18 =	simm.s32 $0x0;
	s4 =	sadd.s32 s4, s9;
	[dreg:$0x1d] =	wrdreg s26  }
0x26: {  	s23 =	simm.s32 $0x100;
	s14 =	simm.s32 $0x7;
	s21 =	simm.s32 $0x28  }
0x27: {  	s26 =	simm.s32 $0x5;
	[dreg:$0x11] =	wrdreg s4;
	s4 =	sadd.s32 s17, s3  }
0x28: {  	v0 =	vimm.f32 $0.0e+00;
	v1 =	vimm.f32 $1.000000000e+00;
	s17 =	simm.s32 $0xA;
	[dreg:$0x14] =	wrdreg s4;
	s4 =	simm.s32 $0xD  }
.LBB2_1:
0x29: {  	[dreg:$0x1f] =	wrdreg s18  }
0x2a: {  	s18 =	simm.s32 $0x0;
	s10 =	rddreg [dreg:$0x6]  }
0x2b: {  	[tilespmem:s18], [sflag:$0x10] =	stream.linear.gather [hbm4b:s10+s18], $0xC8, $0x38;
	[tilespmem:$0x1AD80] =	vst v63  }
0x2c: {  	s9 =	rddreg [dreg:$0x7]  }
0x2d: {  	[tilespmem:s15], [sflag:$0x12] =	stream.linear.gather [hbm4b:s9+s18], $0xC8, $0x38;
	[tilespmem:$0x1AD80] =	vst v63  }
0x2e: {  	s24 =	rddreg [dreg:$0x8];
	s15 =	simm.s32 $0x0  }
0x2f: {  	[tilespmem:s23], [sflag:$0x11] =	stream.linear.gather [hbm4b:s24+s18], $0xC8, $0x38;
	[tilespmem:$0x1AD80] =	vst v63  }
0x30: {  	s24 =	sand.u32 $0xFFFFFF80, s15  }
0x31: {  	s9 =	rddreg [dreg:$0xa];
	s23 =	ssub.s32 $0x0, s24  }
0x32: {  	[tilespmem:s5], [sflag:$0x13] =	stream.linear.gather [hbm4b:s9+s18], $0xC8, $0x38;
	[tilespmem:$0x1AD80] =	vst v63  }
0x33: {  	s10 =	sand.u32 $0x3FFFFF80, s15;
	s23 =	sand.u32 $0xFFFFFF80, s23  }
0x34: {  	s29 =	sand.u32 $0x70, s18;
	s23 =	sadd.s32 s23, s10  }
0x35: {  	s10 =	simm.s32 $0x1;
	s23 =	sor.u32 s29, s23;
	s29 =	simm.s32 $0x0  }
.LBB2_2:
0x36: {  	s18 =	sshll.u32 s10, $0x4;
	p0 =	sne.s32 s10, $0x13F;
	s10 =	sadd.s32 $0x1, s10;
	[tilespmem:s23+$0x400] =	vst v0  }
.Ltmp0:
0x37: {  	s29 =	sadd.s32 $0x10, s29;
	s23 =	sand.u32 $0xFFFFFF80, s18;
	(pc) =	sbr.rel @p0 .LBB2_2-.Ltmp0, $4  }
0x38: {  	s23 =	ssub.s32 s29, s23  }
0x39: {  	s18 =	sand.u32 $0x3FFFFF80, s18;
	s23 =	sand.u32 $0xFFFFFF80, s23  }
0x3a: {  	s24 =	sand.u32 $0x70, s29;
	s18 =	sadd.s32 s23, s18  }
0x3b: {  	s23 =	sor.u32 s24, s18  }
0x3c: {  	[tilespmem:s23+$0x400] =	vst v0;
	s10 =	rddreg [dreg:$0x9]  }
0x3d: {  	[spmem:s10] =	stream.linear.scatter [tilespmem:s12], [sflag:$0x6], $0x1400, $0x38;
	[tilespmem:$0x1AD80] =	vst v63  }
0x3e: {  	s24 =	rddreg [dreg:$0xb]  }
0x3f: {  	[spmem:s24] =	stream.linear.scatter [tilespmem:s12], [sflag:$0x7], $0x1400, $0x38;
	[tilespmem:$0x1AD80] =	vst v63  }
0x40: {  	s5 =	rddreg [dreg:$0xc]  }
0x41: {  	[spmem:s5] =	stream.linear.scatter [tilespmem:s12], [sflag:$0x8], $0x1400, $0x38;
	[tilespmem:$0x1AD80] =	vst v63  }
0x42: {  	s9 =	rddreg [dreg:$0xd]  }
0x43: {  	[spmem:s9] =	stream.linear.scatter [tilespmem:s12], [sflag:$0x9], $0x1400, $0x38;
	[tilespmem:$0x1AD80] =	vst v63  }
0x44: {  	s15 =	rddreg [dreg:$0xe]  }
0x45: {  	[spmem:s15] =	stream.linear.scatter [tilespmem:s12], [sflag:$0xA], $0x1400, $0x38;
	[tilespmem:$0x1AD80] =	vst v63  }
0x46: {  	s18 =	rddreg [dreg:$0xf]  }
0x47: {  	[spmem:s18] =	stream.linear.scatter [tilespmem:s12], [sflag:$0x6], $0x1400, $0x38;
	[tilespmem:$0x1AD80] =	vst v63  }
0x48: {  	s23 =	rddreg [dreg:$0x10]  }
0x49: {  	[spmem:s23] =	stream.linear.scatter [tilespmem:s12], [sflag:$0x7], $0x1400, $0x38;
	[tilespmem:$0x1AD80] =	vst v63  }
0x4a: {  	s24 =	rddreg [dreg:$0x12]  }
0x4b: {  	[spmem:s24] =	stream.linear.scatter [tilespmem:s12], [sflag:$0x8], $0x1400, $0x38;
	[tilespmem:$0x1AD80] =	vst v63  }
0x4c: {  	s5 =	rddreg [dreg:$0x13]  }
0x4d: {  	[spmem:s5] =	stream.linear.scatter [tilespmem:s12], [sflag:$0x9], $0x1400, $0x38;
	[tilespmem:$0x1AD80] =	vst v63  }
0x4e: {  	s9 =	rddreg [dreg:$0x18]  }
0x4f: {  	[spmem:s9] =	stream.linear.scatter [tilespmem:s12], [sflag:$0xA], $0x1400, $0x38;
	[tilespmem:$0x1AD80] =	vst v63  }
0x50: {  	s15 =	rddreg [dreg:$0x19]  }
0x51: {  	[spmem:s15] =	stream.linear.scatter [tilespmem:s12], [sflag:$0x6], $0x1400, $0x38;
	[tilespmem:$0x1AD80] =	vst v63  }
0x52: {  	s18 =	rddreg [dreg:$0x1a]  }
0x53: {  	[spmem:s18] =	stream.linear.scatter [tilespmem:s12], [sflag:$0x7], $0x1400, $0x38;
	[tilespmem:$0x1AD80] =	vst v63  }
0x54: {  	s23 =	rddreg [dreg:$0x1b]  }
0x55: {  	[spmem:s23] =	stream.linear.scatter [tilespmem:s12], [sflag:$0x8], $0x1400, $0x38;
	[tilespmem:$0x1AD80] =	vst v63  }
0x56: {  	s24 =	rddreg [dreg:$0x1c]  }
0x57: {  	[spmem:s24] =	stream.linear.scatter [tilespmem:s12], [sflag:$0x9], $0x1400, $0x38;
	[tilespmem:$0x1AD80] =	vst v63  }
0x58: {  	s5 =	rddreg [dreg:$0x1d]  }
0x59: {  	[spmem:s5] =	stream.linear.scatter [tilespmem:s12], [sflag:$0xA], $0x1400, $0x38;
	[tilespmem:$0x1AD80] =	vst v63  }
0x5a: {  	s9 =	rddreg [dreg:$0x1e]  }
0x5b: {  	[spmem:s9] =	stream.linear.scatter [tilespmem:s12], [sflag:$0x6], $0x1400, $0x38;
	[tilespmem:$0x1AD80] =	vst v63  }
0x5c: {  	[tilespmem:$0x6880] =	vst v0  }
0x5d: {  	[tilespmem:$0x6890] =	vst v0  }
0x5e: {  	[tilespmem:$0x68A0] =	vst v0  }
0x5f: {  	[tilespmem:$0x68B0] =	vst v0  }
0x60: {  	[tilespmem:$0x68C0] =	vst v0  }
0x61: {  	[tilespmem:$0x68D0] =	vst v0  }
0x62: {  	[tilespmem:$0x68E0] =	vst v0  }
0x63: {  	[tilespmem:$0x68F0] =	vst v0  }
0x64: {  	[tilespmem:$0x6900] =	vst v0  }
0x65: {  	[tilespmem:$0x6910] =	vst v0  }
0x66: {  	[tilespmem:$0x6920] =	vst v0  }
0x67: {  	[tilespmem:$0x6930] =	vst v0  }
0x68: {  	[tilespmem:$0x6940] =	vst v0  }
0x69: {  	[tilespmem:$0x6950] =	vst v0  }
0x6a: {  	[tilespmem:$0x6960] =	vst v0  }
0x6b: {  	[tilespmem:$0x6970] =	vst v0  }
0x6c: {  	[tilespmem:$0x6980] =	vst v0  }
0x6d: {  	[tilespmem:$0x6990] =	vst v0  }
0x6e: {  	[tilespmem:$0x69A0] =	vst v0  }
0x6f: {  	[tilespmem:$0x69B0] =	vst v0  }
0x70: {  	[tilespmem:$0x69C0] =	vst v0  }
0x71: {  	[tilespmem:$0x69D0] =	vst v0  }
0x72: {  	[tilespmem:$0x69E0] =	vst v0  }
0x73: {  	[tilespmem:$0x69F0] =	vst v0  }
0x74: {  	[tilespmem:$0x6A00] =	vst v0  }
0x75: {  	[tilespmem:$0x6A10] =	vst v0  }
0x76: {  	[tilespmem:$0x6A20] =	vst v0  }
0x77: {  	[tilespmem:$0x6A30] =	vst v0  }
0x78: {  	[tilespmem:$0x6A40] =	vst v0  }
0x79: {  	[tilespmem:$0x6A50] =	vst v0  }
0x7a: {  	[tilespmem:$0x6A60] =	vst v0  }
0x7b: {  	[tilespmem:$0x6A70] =	vst v0  }
0x7c: {  	[tilespmem:$0x6A80] =	vst v0  }
0x7d: {  	[tilespmem:$0x6A90] =	vst v0  }
0x7e: {  	[tilespmem:$0x6AA0] =	vst v0  }
0x7f: {  	[tilespmem:$0x6AB0] =	vst v0  }
0x80: {  	[tilespmem:$0x6AC0] =	vst v0  }
0x81: {  	[tilespmem:$0x6AD0] =	vst v0  }
0x82: {  	[tilespmem:$0x6AE0] =	vst v0  }
0x83: {  	s15 =	rddreg [dreg:$0x14];
	s5 =	simm.s32 $0x6880;
	[tilespmem:$0x6AF0] =	vst v0  }
0x84: {  	[spmem:s15] =	stream.linear.scatter [tilespmem:s5], [sflag:$0xB], $0x280, $0x38;
	[tilespmem:$0x1AD80] =	vst v63  }
0x85: {  	[tilespmem:$0x6800] =	vst v1  }
0x86: {  	[tilespmem:$0x6810] =	vst v1  }
0x87: {  	s18 =	simm.s32 $0x6;
	[tilespmem:$0x6820] =	vst v1  }
0x88: {  	_ =	swait.ge [sflag:s18], $0x1400  }
0x89: {  	[sflag:s18] =	ssyncset.done $0x0  }
0x8a: {  	[sflag:s18] =	ssyncadd.s32 $0xFFFFEC00  }
0x8b: {  	_ =	swait.ge [sflag:s14], $0x1400  }
0x8c: {  	[sflag:s14] =	ssyncset.done $0x0  }
0x8d: {  	s23 =	simm.s32 $0x8;
	[sflag:s14] =	ssyncadd.s32 $0xFFFFEC00  }
0x8e: {  	_ =	swait.ge [sflag:s23], $0x1400  }
0x8f: {  	[sflag:s23] =	ssyncset.done $0x0  }
0x90: {  	[sflag:s23] =	ssyncadd.s32 $0xFFFFEC00  }
0x91: {  	_ =	swait.ge [sflag:s16], $0x1400  }
0x92: {  	[sflag:s16] =	ssyncset.done $0x0  }
0x93: {  	[sflag:s16] =	ssyncadd.s32 $0xFFFFEC00  }
0x94: {  	_ =	swait.ge [sflag:s17], $0x1400  }
0x95: {  	[sflag:s17] =	ssyncset.done $0x0  }
0x96: {  	[sflag:s17] =	ssyncadd.s32 $0xFFFFEC00  }
0x97: {  	_ =	swait.ge [sflag:s18], $0x1400  }
0x98: {  	[sflag:s18] =	ssyncset.done $0x0  }
0x99: {  	[sflag:s18] =	ssyncadd.s32 $0xFFFFEC00  }
0x9a: {  	_ =	swait.ge [sflag:s14], $0x1400  }
0x9b: {  	[sflag:s14] =	ssyncset.done $0x0  }
0x9c: {  	[sflag:s14] =	ssyncadd.s32 $0xFFFFEC00  }
0x9d: {  	_ =	swait.ge [sflag:s23], $0x1400  }
0x9e: {  	[sflag:s23] =	ssyncset.done $0x0  }
0x9f: {  	[sflag:s23] =	ssyncadd.s32 $0xFFFFEC00  }
0xa0: {  	_ =	swait.ge [sflag:s16], $0x1400  }
0xa1: {  	[sflag:s16] =	ssyncset.done $0x0  }
0xa2: {  	[sflag:s16] =	ssyncadd.s32 $0xFFFFEC00  }
0xa3: {  	_ =	swait.ge [sflag:s17], $0x1400  }
0xa4: {  	[sflag:s17] =	ssyncset.done $0x0  }
0xa5: {  	[sflag:s17] =	ssyncadd.s32 $0xFFFFEC00  }
0xa6: {  	_ =	swait.ge [sflag:s18], $0x1400  }
0xa7: {  	[sflag:s18] =	ssyncset.done $0x0  }
0xa8: {  	[sflag:s18] =	ssyncadd.s32 $0xFFFFEC00  }
0xa9: {  	_ =	swait.ge [sflag:s14], $0x1400  }
0xaa: {  	[sflag:s14] =	ssyncset.done $0x0  }
0xab: {  	[sflag:s14] =	ssyncadd.s32 $0xFFFFEC00  }
0xac: {  	_ =	swait.ge [sflag:s23], $0x1400  }
0xad: {  	[sflag:s23] =	ssyncset.done $0x0  }
0xae: {  	[sflag:s23] =	ssyncadd.s32 $0xFFFFEC00  }
0xaf: {  	_ =	swait.ge [sflag:s16], $0x1400  }
0xb0: {  	[sflag:s16] =	ssyncset.done $0x0  }
0xb1: {  	[sflag:s16] =	ssyncadd.s32 $0xFFFFEC00  }
0xb2: {  	_ =	swait.ge [sflag:s17], $0x1400  }
0xb3: {  	[sflag:s17] =	ssyncset.done $0x0  }
0xb4: {  	[sflag:s17] =	ssyncadd.s32 $0xFFFFEC00  }
0xb5: {  	_ =	swait.ge [sflag:s18], $0x1400  }
0xb6: {  	[sflag:s18] =	ssyncset.done $0x0  }
0xb7: {  	s24 =	simm.s32 $0xB;
	[sflag:s18] =	ssyncadd.s32 $0xFFFFEC00  }
0xb8: {  	_ =	swait.ge [sflag:s24], $0x280  }
0xb9: {  	[sflag:s24] =	ssyncset.done $0x0  }
0xba: {  	s9 =	simm.s32 $0x10;
	[sflag:s24] =	ssyncadd.s32 $0xFFFFFD80  }
0xbb: {  	_ =	swait.ge [sflag:s9], $0xC8  }
0xbc: {  	[sflag:s9] =	ssyncset.done $0x0  }
0xbd: {  	s10 =	simm.s32 $0x12;
	[sflag:s9] =	ssyncadd.s32 $0xFFFFFF38  }
0xbe: {  	_ =	swait.ge [sflag:s10], $0xC8  }
0xbf: {  	[sflag:s10] =	ssyncset.done $0x0  }
0xc0: {  	s29 =	simm.s32 $0x0;
	[sflag:s10] =	ssyncadd.s32 $0xFFFFFF38  }
0xc1: {  	[tilespmem:s12], [sflag:$0x1] =	stream.indirect.gather [hbm4b:s1+s21], $0x80, s29, s21, $0xb8;
	[tilespmem:$0x1AD80] =	vst v63  }
0xc2: {  	s15 =	simm.s32 $0x1800  }
0xc3: {  	[tilespmem:s15], [sflag:$0x2] =	stream.indirect.gather [hbm4b:s1+s21], $0x80, s21, s21, $0xb8;
	[tilespmem:$0x1AD80] =	vst v63  }
0xc4: {  	s18 =	simm.s32 $0x50  }
0xc5: {  	[tilespmem:s13], [sflag:$0x3] =	stream.indirect.gather [hbm4b:s1+s21], $0x80, s18, s21, $0xb8;
	[tilespmem:$0x1AD80] =	vst v63  }
0xc6: {  	s23 =	simm.s32 $0x78  }
0xc7: {  	[tilespmem:s28], [sflag:$0x4] =	stream.indirect.gather [hbm4b:s1+s21], $0x80, s23, s21, $0xb8;
	[tilespmem:$0x1AD80] =	vst v63  }
.Ltmp1:
0xc8: {  	_ = 	snop;
	(pc) =	sbr.rel .LBB2_4-.Ltmp1, $4  }
0xc9: {  	s24 =	simm.s32 $0xA0  }
0xca: {  	[tilespmem:s30], [sflag:$0x5] =	stream.indirect.gather [hbm4b:s1+s21], $0x80, s24, s21, $0xb8;
	[tilespmem:$0x1AD80] =	vst v63  }
0xcb: {  	[bflag:$0x0] =	sbarrier.arrive $0xFFFF  }
0xcc: {  	s5 =	simm.s32 $0x300;
	s23 =	simm.s32 $0x100;
	s10 =	rddreg [dreg:$0x17]  }
.LBB2_5:
0xcd: {  	s5 =	simm.s32 $0x78  }
0xce: {  	[tilespmem:s28], [sflag:$0x4] =	stream.indirect.gather [hbm4b:s1+s21], $0x80, s5, s21, $0xb8;
	[tilespmem:$0x1AD80] =	vst v63  }
0xcf: {  	_ =	swait.ge [sflag:s17], $0x1400  }
0xd0: {  	[sflag:s17] =	ssyncset.done $0x0  }
0xd1: {  	[sflag:s17] =	ssyncadd.s32 $0xFFFFEC00  }
0xd2: {  	_ =	swait.ge [sflag:s11], $0x28  }
0xd3: {  	[sflag:s11] =	ssyncset.done $0x0  }
0xd4: {  	s24 =	simm.s32 $0xA0;
	[sflag:s11] =	ssyncadd.s32 $0xFFFFFFD8  }
0xd5: {  	[tilespmem:s30], [sflag:$0x5] =	stream.indirect.gather [hbm4b:s1+s21], $0x80, s24, s21, $0xb8;
	[tilespmem:$0x1AD80] =	vst v63  }
.LBB2_7:
0xd6: {  	s18 =	sshrl.u32 s10, $0x3;
	s24 =	simm.s32 $0x0;
	s15 =	simm.s32 $0x100  }
0xd7: {  	s5 =	simm.s32 $0x300;
	s29 =	sadd.s32 $0x1, s29;
	s23 =	sadd.s32 s6, s18  }
0xd8: {  	[tilespmem:s15], [sflag:$0x11] =	stream.linear.gather [hbm4b:s23+s24], $0xC8, $0x38;
	[tilespmem:$0x1AD80] =	vst v63  }
0xd9: {  	s10 =	sadd.s32 $0x190, s10;
	s18 =	sadd.s32 s7, s18;
	s23 =	simm.s32 $0x100  }
0xda: {  	[tilespmem:s5], [sflag:$0x13] =	stream.linear.gather [hbm4b:s18+s24], $0xC8, $0x38;
	[tilespmem:$0x1AD80] =	vst v63  }
.LBB2_4:
0xdb: {  	_ =	swait.ge [sflag:s25], $0x1400  }
0xdc: {  	[sflag:s25] =	ssyncset.done $0x0  }
0xdd: {  	s18 =	simm.s32 $0x200;
	[sflag:s25] =	ssyncadd.s32 $0xFFFFEC00  }
0xde: {  	[spmem:s2] =	stream.indirect.scatter.add.f32 [tilespmem:s12], [sflag:$0x6], $0x80, s18, s21, $0xb8;
	[tilespmem:$0x1AD80] =	vst v63  }
0xdf: {  	_ = 	snop  }
0xe0: {  	[spmem:s3] =	stream.indirect.scatter.add.f32 [tilespmem:s31], [sflag:$0xB], $0x1, s18, s21, $0xb8;
	[tilespmem:$0x1AD80] =	vst v63  }
0xe1: {  	_ =	swait.ge [sflag:s0], $0x1400  }
0xe2: {  	[sflag:s0] =	ssyncset.done $0x0  }
0xe3: {  	s13 =	simm.s32 $0x1800;
	s9 =	simm.s32 $0x228;
	[sflag:s0] =	ssyncadd.s32 $0xFFFFEC00  }
0xe4: {  	[spmem:s2] =	stream.indirect.scatter.add.f32 [tilespmem:s13], [sflag:$0x7], $0x80, s9, s21, $0xb8;
	[tilespmem:$0x1AD80] =	vst v63  }
0xe5: {  	_ = 	snop  }
0xe6: {  	[spmem:s3] =	stream.indirect.scatter.add.f32 [tilespmem:s31], [sflag:$0xC], $0x1, s9, s21, $0xb8;
	[tilespmem:$0x1AD80] =	vst v63  }
0xe7: {  	_ =	swait.ge [sflag:s20], $0x1400  }
0xe8: {  	[sflag:s20] =	ssyncset.done $0x0  }
0xe9: {  	s24 =	simm.s32 $0x250;
	s9 =	simm.s32 $0x2C00;
	[sflag:s20] =	ssyncadd.s32 $0xFFFFEC00  }
0xea: {  	[spmem:s2] =	stream.indirect.scatter.add.f32 [tilespmem:s9], [sflag:$0x8], $0x80, s24, s21, $0xb8;
	[tilespmem:$0x1AD80] =	vst v63  }
0xeb: {  	_ = 	snop  }
0xec: {  	[spmem:s3] =	stream.indirect.scatter.add.f32 [tilespmem:s31], [sflag:$0xD], $0x1, s24, s21, $0xb8;
	[tilespmem:$0x1AD80] =	vst v63  }
0xed: {  	_ =	swait.ge [sflag:s19], $0x1400  }
0xee: {  	[sflag:s19] =	ssyncset.done $0x0  }
0xef: {  	s24 =	simm.s32 $0x278;
	[sflag:s19] =	ssyncadd.s32 $0xFFFFEC00  }
0xf0: {  	[spmem:s2] =	stream.indirect.scatter.add.f32 [tilespmem:s28], [sflag:$0x9], $0x80, s24, s21, $0xb8;
	[tilespmem:$0x1AD80] =	vst v63  }
0xf1: {  	_ = 	snop  }
0xf2: {  	[spmem:s3] =	stream.indirect.scatter.add.f32 [tilespmem:s31], [sflag:$0xE], $0x1, s24, s21, $0xb8;
	[tilespmem:$0x1AD80] =	vst v63  }
0xf3: {  	_ =	swait.ge [sflag:s26], $0x1400  }
0xf4: {  	[sflag:s26] =	ssyncset.done $0x0  }
0xf5: {  	s24 =	simm.s32 $0x2A0;
	[sflag:s26] =	ssyncadd.s32 $0xFFFFEC00  }
0xf6: {  	[spmem:s2] =	stream.indirect.scatter.add.f32 [tilespmem:s30], [sflag:$0xA], $0x80, s24, s21, $0xb8;
	[tilespmem:$0x1AD80] =	vst v63  }
0xf7: {  	_ = 	snop  }
0xf8: {  	[spmem:s3] =	stream.indirect.scatter.add.f32 [tilespmem:s31], [sflag:$0xF], $0x1, s24, s21, $0xb8;
	[tilespmem:$0x1AD80] =	vst v63  }
0xf9: {  	s24 =	simm.s32 $0x11  }
0xfa: {  	_ =	swait.ge [sflag:s24], $0xC8  }
0xfb: {  	[sflag:s24] =	ssyncset.done $0x0  }
0xfc: {  	[sflag:s24] =	ssyncadd.s32 $0xFFFFFF38;
	s24 =	simm.s32 $0x13  }
0xfd: {  	_ =	swait.ge [sflag:s24], $0xC8  }
0xfe: {  	[sflag:s24] =	ssyncset.done $0x0  }
0xff: {  	[sflag:s24] =	ssyncadd.s32 $0xFFFFFF38;
	s24 =	simm.s32 $0x6  }
0x100: {  	_ =	swait.ge [sflag:s24], $0x1400  }
0x101: {  	[sflag:s24] =	ssyncset.done $0x0  }
0x102: {  	[sflag:s24] =	ssyncadd.s32 $0xFFFFEC00;
	s24 =	simm.s32 $0xB  }
0x103: {  	_ =	swait.ge [sflag:s24], $0x28  }
0x104: {  	[sflag:s24] =	ssyncset.done $0x0  }
0x105: {  	[sflag:s24] =	ssyncadd.s32 $0xFFFFFFD8  }
0x106: {  	[tilespmem:s12], [sflag:$0x1] =	stream.indirect.gather [hbm4b:s1+s21], $0x80, s23, s21, $0xb8;
	[tilespmem:$0x1AD80] =	vst v63  }
0x107: {  	_ =	swait.ge [sflag:s14], $0x1400  }
0x108: {  	[sflag:s14] =	ssyncset.done $0x0  }
0x109: {  	[sflag:s14] =	ssyncadd.s32 $0xFFFFEC00  }
0x10a: {  	_ =	swait.ge [sflag:s8], $0x28  }
0x10b: {  	[sflag:s8] =	ssyncset.done $0x0  }
0x10c: {  	s24 =	simm.s32 $0x8;
	s23 =	simm.s32 $0x128;
	[sflag:s8] =	ssyncadd.s32 $0xFFFFFFD8  }
0x10d: {  	[tilespmem:s13], [sflag:$0x2] =	stream.indirect.gather [hbm4b:s1+s21], $0x80, s23, s21, $0xb8;
	[tilespmem:$0x1AD80] =	vst v63  }
0x10e: {  	_ =	swait.ge [sflag:s24], $0x1400  }
0x10f: {  	[sflag:s24] =	ssyncset.done $0x0  }
0x110: {  	[sflag:s24] =	ssyncadd.s32 $0xFFFFEC00  }
0x111: {  	_ =	swait.ge [sflag:s4], $0x28  }
0x112: {  	[sflag:s4] =	ssyncset.done $0x0  }
0x113: {  	s23 =	simm.s32 $0x150;
	[sflag:s4] =	ssyncadd.s32 $0xFFFFFFD8  }
0x114: {  	[tilespmem:s9], [sflag:$0x3] =	stream.indirect.gather [hbm4b:s1+s21], $0x80, s23, s21, $0xb8;
	[tilespmem:$0x1AD80] =	vst v63  }
0x115: {  	_ =	swait.ge [sflag:s16], $0x1400  }
0x116: {  	[sflag:s16] =	ssyncset.done $0x0  }
0x117: {  	[sflag:s16] =	ssyncadd.s32 $0xFFFFEC00  }
0x118: {  	_ =	swait.ge [sflag:s22], $0x28  }
0x119: {  	[sflag:s22] =	ssyncset.done $0x0  }
0x11a: {  	s24 =	simm.s32 $0x178;
	[sflag:s22] =	ssyncadd.s32 $0xFFFFFFD8  }
0x11b: {  	[tilespmem:s28], [sflag:$0x4] =	stream.indirect.gather [hbm4b:s1+s21], $0x80, s24, s21, $0xb8;
	[tilespmem:$0x1AD80] =	vst v63  }
0x11c: {  	_ =	swait.ge [sflag:s17], $0x1400  }
0x11d: {  	[sflag:s17] =	ssyncset.done $0x0  }
0x11e: {  	[sflag:s17] =	ssyncadd.s32 $0xFFFFEC00  }
0x11f: {  	p0 =	seq.s32 s29, $0x18;
	_ =	swait.ge [sflag:s11], $0x28  }
0x120: {  	s18 =	sadd.s32 @!p0 $0xFFFFFF38, s10;
	[sflag:s11] =	ssyncset.done $0x0  }
0x121: {  	s18 =	sshrl.u32 @!p0 s18, $0x3;
	s23 =	simm.s32 $0x1A0;
	[sflag:s11] =	ssyncadd.s32 $0xFFFFFFD8  }
0x122: {  	[tilespmem:s30], [sflag:$0x5] =	stream.indirect.gather [hbm4b:s1+s21], $0x80, s23, s21, $0xb8;
	[tilespmem:$0x1AD80] =	vst v63  }
0x123: {  	s24 =	simm.s32 @!p0 $0x0;
	s23 =	sadd.s32 @!p0 s6, s18  }
0x124: {  	[tilespmem:s24], [sflag:$0x10] =	stream.linear.gather @!p0 [hbm4b:s23+s24], $0xC8, $0x38;
	[tilespmem:$0x1AD80] =	vst v63  }
0x125: {  	s18 =	sadd.s32 @!p0 s7, s18;
	s23 =	simm.s32 @!p0 $0x200  }
0x126: {  	[tilespmem:s23], [sflag:$0x12] =	stream.linear.gather @!p0 [hbm4b:s18+s24], $0xC8, $0x38;
	[tilespmem:$0x1AD80] =	vst v63  }
0x127: {  	_ =	swait.ge [sflag:s25], $0x1400  }
0x128: {  	[sflag:s25] =	ssyncset.done $0x0  }
0x129: {  	[sflag:s25] =	ssyncadd.s32 $0xFFFFEC00  }
0x12a: {  	[spmem:s2] =	stream.indirect.scatter.add.f32 [tilespmem:s12], [sflag:$0x6], $0x80, s5, s21, $0xb8;
	[tilespmem:$0x1AD80] =	vst v63  }
0x12b: {  	_ = 	snop  }
0x12c: {  	[spmem:s3] =	stream.indirect.scatter.add.f32 [tilespmem:s31], [sflag:$0xB], $0x1, s5, s21, $0xb8;
	[tilespmem:$0x1AD80] =	vst v63  }
0x12d: {  	_ =	swait.ge [sflag:s0], $0x1400  }
0x12e: {  	[sflag:s0] =	ssyncset.done $0x0  }
0x12f: {  	s24 =	simm.s32 $0x328;
	[sflag:s0] =	ssyncadd.s32 $0xFFFFEC00  }
0x130: {  	[spmem:s2] =	stream.indirect.scatter.add.f32 [tilespmem:s13], [sflag:$0x7], $0x80, s24, s21, $0xb8;
	[tilespmem:$0x1AD80] =	vst v63  }
0x131: {  	_ = 	snop  }
0x132: {  	[spmem:s3] =	stream.indirect.scatter.add.f32 [tilespmem:s31], [sflag:$0xC], $0x1, s24, s21, $0xb8;
	[tilespmem:$0x1AD80] =	vst v63  }
0x133: {  	_ =	swait.ge [sflag:s20], $0x1400  }
0x134: {  	[sflag:s20] =	ssyncset.done $0x0  }
0x135: {  	s18 =	simm.s32 $0x350;
	[sflag:s20] =	ssyncadd.s32 $0xFFFFEC00  }
0x136: {  	[spmem:s2] =	stream.indirect.scatter.add.f32 [tilespmem:s9], [sflag:$0x8], $0x80, s18, s21, $0xb8;
	[tilespmem:$0x1AD80] =	vst v63  }
0x137: {  	_ = 	snop  }
0x138: {  	[spmem:s3] =	stream.indirect.scatter.add.f32 [tilespmem:s31], [sflag:$0xD], $0x1, s18, s21, $0xb8;
	[tilespmem:$0x1AD80] =	vst v63  }
0x139: {  	_ =	swait.ge [sflag:s19], $0x1400  }
0x13a: {  	[sflag:s19] =	ssyncset.done $0x0  }
0x13b: {  	s23 =	simm.s32 $0x378;
	[sflag:s19] =	ssyncadd.s32 $0xFFFFEC00  }
0x13c: {  	[spmem:s2] =	stream.indirect.scatter.add.f32 [tilespmem:s28], [sflag:$0x9], $0x80, s23, s21, $0xb8;
	[tilespmem:$0x1AD80] =	vst v63  }
0x13d: {  	_ = 	snop  }
0x13e: {  	[spmem:s3] =	stream.indirect.scatter.add.f32 [tilespmem:s31], [sflag:$0xE], $0x1, s23, s21, $0xb8;
	[tilespmem:$0x1AD80] =	vst v63  }
0x13f: {  	_ =	swait.ge [sflag:s26], $0x1400  }
0x140: {  	[sflag:s26] =	ssyncset.done $0x0  }
0x141: {  	p1 =	sgt.u32 s29, $0x17;
	s24 =	simm.s32 $0x3A0;
	[sflag:s26] =	ssyncadd.s32 $0xFFFFEC00  }
0x142: {  	[spmem:s2] =	stream.indirect.scatter.add.f32 [tilespmem:s30], [sflag:$0xA], $0x80, s24, s21, $0xb8;
	[tilespmem:$0x1AD80] =	vst v63  }
0x143: {  	s18 =	simm.s32 @p1 $0x6  }
0x144: {  	[spmem:s3] =	stream.indirect.scatter.add.f32 [tilespmem:s31], [sflag:$0xF], $0x1, s24, s21, $0xb8;
	[tilespmem:$0x1AD80] =	vst v63  }
0x145: {  	_ =	swait.ge @p1 [sflag:s18], $0x1400  }
0x146: {  	[sflag:s18] =	ssyncset.done @p1 $0x0  }
0x147: {  	[sflag:s18] =	ssyncadd.s32 @p1 $0xFFFFEC00;
	s18 =	simm.s32 @p1 $0xB  }
0x148: {  	_ =	swait.ge @p1 [sflag:s18], $0x28  }
0x149: {  	[sflag:s18] =	ssyncset.done @p1 $0x0  }
0x14a: {  	[sflag:s18] =	ssyncadd.s32 @p1 $0xFFFFFFD8;
	s18 =	simm.s32 @!p1 $0x10  }
0x14b: {  	_ =	swait.ge @!p1 [sflag:s18], $0xC8  }
0x14c: {  	[sflag:s18] =	ssyncset.done @!p1 $0x0  }
0x14d: {  	[sflag:s18] =	ssyncadd.s32 @!p1 $0xFFFFFF38;
	s18 =	simm.s32 @!p1 $0x12  }
0x14e: {  	_ =	swait.ge @!p1 [sflag:s18], $0xC8  }
0x14f: {  	[sflag:s18] =	ssyncset.done @!p1 $0x0  }
0x150: {  	[sflag:s18] =	ssyncadd.s32 @!p1 $0xFFFFFF38;
	s18 =	simm.s32 @!p1 $0x6  }
0x151: {  	_ =	swait.ge @!p1 [sflag:s18], $0x1400  }
0x152: {  	[sflag:s18] =	ssyncset.done @!p1 $0x0  }
0x153: {  	[sflag:s18] =	ssyncadd.s32 @!p1 $0xFFFFEC00;
	s18 =	simm.s32 @!p1 $0xB  }
0x154: {  	_ =	swait.ge @!p1 [sflag:s18], $0x28  }
0x155: {  	s23 =	simm.s32 @!p1 $0x0;
	[sflag:s18] =	ssyncset.done @!p1 $0x0  }
0x156: {  	s24 =	simm.s32 @!p1 $0x400;
	[sflag:s18] =	ssyncadd.s32 @!p1 $0xFFFFFFD8;
	s18 =	simm.s32 @!p1 $0x28  }
0x157: {  	[tilespmem:s24], [sflag:$0x1] =	stream.indirect.gather @!p1 [hbm4b:s1+s18], $0x80, s23, s18, $0xb8;
	[tilespmem:$0x1AD80] =	vst v63  }
0x158: {  	_ =	swait.ge [sflag:s14], $0x1400  }
0x159: {  	[sflag:s14] =	ssyncset.done $0x0  }
0x15a: {  	[sflag:s14] =	ssyncadd.s32 $0xFFFFEC00  }
0x15b: {  	_ =	swait.ge [sflag:s8], $0x28  }
0x15c: {  	[sflag:s8] =	ssyncset.done $0x0  }
0x15d: {  	s23 =	simm.s32 @p1 $0x8;
	[sflag:s8] =	ssyncadd.s32 $0xFFFFFFD8  }
0x15e: {  	_ =	swait.ge @p1 [sflag:s23], $0x1400  }
0x15f: {  	[sflag:s23] =	ssyncset.done @p1 $0x0  }
0x160: {  	[sflag:s23] =	ssyncadd.s32 @p1 $0xFFFFEC00;
	s23 =	simm.s32 @p1 $0xD  }
0x161: {  	_ =	swait.ge @p1 [sflag:s23], $0x28  }
0x162: {  	[sflag:s23] =	ssyncset.done @p1 $0x0  }
0x163: {  	[sflag:s23] =	ssyncadd.s32 @p1 $0xFFFFFFD8;
	s23 =	simm.s32 @!p1 $0x1800  }
0x164: {  	[tilespmem:s23], [sflag:$0x2] =	stream.indirect.gather @!p1 [hbm4b:s1+s18], $0x80, s18, s18, $0xb8;
	[tilespmem:$0x1AD80] =	vst v63  }
0x165: {  	s23 =	simm.s32 @!p1 $0x8  }
0x166: {  	_ =	swait.ge @!p1 [sflag:s23], $0x1400  }
0x167: {  	[sflag:s23] =	ssyncset.done @!p1 $0x0  }
0x168: {  	[sflag:s23] =	ssyncadd.s32 @!p1 $0xFFFFEC00;
	s23 =	simm.s32 @!p1 $0xD  }
0x169: {  	_ =	swait.ge @!p1 [sflag:s23], $0x28  }
0x16a: {  	[sflag:s23] =	ssyncset.done @!p1 $0x0  }
0x16b: {  	s24 =	simm.s32 @!p1 $0x2C00;
	[sflag:s23] =	ssyncadd.s32 @!p1 $0xFFFFFFD8;
	s23 =	simm.s32 @!p1 $0x50  }
0x16c: {  	[tilespmem:s24], [sflag:$0x3] =	stream.indirect.gather @!p1 [hbm4b:s1+s18], $0x80, s23, s18, $0xb8;
	[tilespmem:$0x1AD80] =	vst v63  }
0x16d: {  	_ =	swait.ge [sflag:s16], $0x1400  }
.Ltmp2:
0x16e: {  	[sflag:s16] =	ssyncset.done $0x0;
	(pc) =	sbr.rel @!p1 .LBB2_5-.Ltmp2, $4  }
0x16f: {  	[sflag:s16] =	ssyncadd.s32 $0xFFFFEC00  }
0x170: {  	_ =	swait.ge [sflag:s22], $0x28  }
0x171: {  	[sflag:s22] =	ssyncset.done $0x0  }
0x172: {  	s15 =	simm.s32 $0x200;
	s13 =	simm.s32 $0x2C00;
	[sflag:s22] =	ssyncadd.s32 $0xFFFFFFD8  }
0x173: {  	_ =	swait.ge [sflag:s17], $0x1400  }
.Ltmp3:
0x174: {  	[sflag:s17] =	ssyncset.done $0x0;
	(pc) =	sbr.rel @!p0 .LBB2_7-.Ltmp3, $4  }
0x175: {  	[sflag:s17] =	ssyncadd.s32 $0xFFFFEC00  }
0x176: {  	_ =	swait.ge [sflag:s11], $0x28  }
0x177: {  	[sflag:s11] =	ssyncset.done $0x0  }
0x178: {  	[sflag:s11] =	ssyncadd.s32 $0xFFFFFFD8  }
0x179: {  	s10 =	stileid.u32;
	[bflag:$0x0] =	sbarrier.arrive $0xFFFF  }
0x17a: {  	s9 =	simm.s32 $0x14;
	s10 =	sshll.u32 s10, $0x6;
	s18 =	rddreg [dreg:$0x9]  }
0x17b: {  	s23 =	rddreg [dreg:$0x15];
	s10 =	sor.u32 $0x1C14, s10;
	s18 =	sshrl.u32 s18, $0x3  }
0x17c: {  	[hbm:s23], [sflag:s10] =	dma.local [spmem:s18], $0x2800  }
0x17d: {  	_ =	swait.ge [sflag:s9], $0x2800  }
0x17e: {  	s24 =	rddreg [dreg:$0x14]  }
0x17f: {  	s5 =	simm.s32 $0x10;
	[sflag:s9] =	ssyncset.done $0x0;
	s29 =	rddreg [dreg:$0x11]  }
0x180: {  	[sflag:s9] =	ssyncadd.s32 $0xFFFFD800;
	s18 =	sshrl.u32 s24, $0x3;
	s24 =	simm.s32 $0x20  }
0x181: {  	[hbm:s29@s24], [sflag:s10] =	dma.strided [spmem:s18@s5], $0x50, s25, $0x10   }
0x182: {  	_ =	swait.ge [sflag:s9], $0x50  }
0x183: {  	s24 =	rddreg [dreg:$0x1f]  }
0x184: {  	s29 =	rddreg [dreg:$0x16];
	s18 =	sadd.s32 $0x1, s24  }
0x185: {  	p0 =	sne.s32 s18, s29  }
.Ltmp4:
0x186: {  	_ = 	snop;
	(pc) =	sbr.rel @p0 .LBB2_1-.Ltmp4, $3  }
0x187: {  	_ =	sdelay $0x1  }
0x188: {  	[sflag:s9] =	ssyncset.done $0x0  }
0x189: {  	s23 =	simm.s32 $0x100;
	s5 =	simm.s32 $0x300;
	[sflag:s9] =	ssyncadd.s32 $0xFFFFFFB0  }
0x18a: {  	_ =	sfence.sel $0x180000  }
0x18b: {  	[bflag:$0x0] =	sbarrier.arrive $0xFFFF  }
0x18c: {  	_ =	strace $0x90000047  }
0x18d: {  	s0 =	stileid.u32;
	[bflag:$0x2] =	sbarrier.arrive $0xFFFF  }
0x18e: {  	p0 =	sne.s32 s0, $0x0;
	s0 =	rddreg [dreg:$0x5]  }
0x18f: {  	s0 =	sadd.s32 @!p0 $0x100000, s0  }
0x190: {  	[sflag:s0] =	ssyncadd.tile.s32 @!p0 $0x1;
	_ =	shalt  }
.Lfunc_end2:
_tile_overlayer_lowered:
.L_overlay_start_2:
0x191: {  	(tag) =	ssettag $0x2  }
0x192: {  	s0 =	rddreg [dreg:$0x0];
	s2 =	stileid.u32  }
0x193: {  	s1 =	rddreg [dreg:$0x1];
	p0 =	sne.s32 s2, $0x0  }
0x194: {  	s3 =	rddreg [dreg:$0x2];
	[bflag:$0x3] =	sbarrier.arrive $0xFFFF;
	s2 =	simm.s32 @!p0 $0x1C14  }
0x195: {  	[timem:s3], [sflag:s2] =	dma.local @!p0 [hbm:s0], s1  }
0x196: {  	s0 =	simm.s32 @!p0 $0x14  }
0x197: {  	_ =	swait.ge @!p0 [sflag:s0], s1  }
0x198: {  	s1 =	ssub.s32 @!p0 $0x0, s1;
	[sflag:s0] =	ssyncset.done @!p0 $0x0  }
0x199: {  	[sflag:s0] =	ssyncadd.s32 @!p0 s1  }
0x19a: {  	[bflag:$0x3] =	sbarrier.arrive $0xFFFF  }
0x19b: {  	_ =	shalt  }

// kernel: kernel.9.cloned.1.call-start
scs
__scs_entry_jumppad:
0x0: {  	(pc) =	sbr.rel $0x88, $3  }
0x1: {  	(tag) =	ssettag $0x0;
	lr =	simm.s32 $0x1  }
0x2: {  	[smem:$0x3F99] =	sst lr;
	_ =	strace $0xD0000000  }
0x3: {  	_ = 	snop  }
0x4: {  	_ = 	snop  }
0x5: {  	_ = 	snop  }
0x6: {  	_ = 	snop  }
0x7: {  	_ = 	snop  }
__scs_overlays_trampoline_lowered:
0x8: {  	[smem:$0x3FA8] =	sst s0  }
0x9: {  	[smem:$0x3FA9] =	sst s1  }
0xa: {  	[smem:$0x3FAA] =	sst s2  }
0xb: {  	[smem:$0x3FAB] =	sst s3  }
0xc: {  	[smem:$0x3FAC] =	sst s4  }
0xd: {  	[smem:$0x3FAD] =	sst s5  }
0xe: {  	[smem:$0x3FAE] =	sst s6  }
0xf: {  	[smem:$0x3FAF] =	sst s7  }
0x10: {  	[smem:$0x3FB0] =	sst s8  }
0x11: {  	[smem:$0x3FB1] =	sst s9;
	s0 =	simm.s32 @!p0 $0x0  }
0x12: {  	s1 =	sld [smem:$0x3F97];
	s0 =	simm.s32 @p0 $0x1  }
0x13: {  	[smem:$0x3FB2] =	sst s0;
	s0 =	simm.s32 @!p1 $0x0  }
0x14: {  	s2 =	sld [smem:$0x3F96];
	s0 =	simm.s32 @p1 $0x1  }
0x15: {  	[smem:$0x3FB3] =	sst s0;
	s0 =	simm.s32 @!p2 $0x0  }
0x16: {  	s3 =	sld [smem:$0x3FDB];
	s0 =	simm.s32 @p2 $0x1  }
0x17: {  	s4 =	simm.s32 $0x1BF5;
	[smem:$0x3FB5] =	sst s0  }
0x18: {  	s0 =	sld [smem:$0x3F98];
	_ =	swait.ge [sflag:s4], $0x0  }
0x19: {  	s7 =	sld [smem:$0x3F99]  }
0x1a: {  	s8 =	sadd.s32 $0xFFFFE003, lr  }
0x1b: {  	s9 =	sadd.s32 $0xFFFFFEF7, lr;
	s5 =	simm.s32 $0xFFFFFFFF;
	p2 =	slt.u32 s8, $0xFFFFF086  }
0x1c: {  	p1 =	slt.u32 s9, $0xF7A;
	s5 =	simm.s32 @!p2 $0x0  }
0x1d: {  	s5 =	simm.s32 @p1 $0x1;
	p0 =	seq.s32 s7, s2  }
0x1e: {  	s7 =	smul.u32 @!p0 $0xF7A, s2;
	p2 =	seq.s32 @!p0 s5, $0x0  }
0x1f: {  	s9 =	smul.u32 $0xF7A, s1;
	s8 =	simm.s32 @!p0 $0x1BF5;
	p2 =	por !p2, p0  }
0x20: {  	[sflag:s8] =	ssyncset.s32 @!p0 $0xFFFFF086;
	s6 =	sadd.s32 @!p0 s3, s7;
	s7 =	simm.s32 @!p0 $0x108  }
0x21: {  	s3 =	sadd.s32 s3, s9;
	s6 =	sadd.s32 @!p0 $0x88, s6;
	s7 =	simm.s32 @p2 $0x1082  }
0x22: {  	[simem:s7], [sflag:s8] =	dma.local @!p0 [hbm:s6], $0xF7A  }
0x23: {  	s9 =	sor.u32 $0xD0000000, s2;
	s6 =	simm.s32 $0x108;
	_ =	swait.ge @!p0 [sflag:s8], $0x0  }
0x24: {  	s3 =	sadd.s32 $0x88, s3;
	s6 =	simm.s32 @!p1 $0x1082;
	[sflag:s4] =	ssyncset.s32 $0xFFFFF086  }
0x25: {  	[simem:s6], [sflag:s4] =	dma.local [hbm:s3], $0xF7A  }
0x26: {  	[smem:$0x3F99] =	sst s1;
	(tag) =	ssettag s2;
	_ =	strace s9  }
0x27: {  	s1 =	sld [smem:$0x3FA9]  }
0x28: {  	s2 =	sld [smem:$0x3FAA]  }
0x29: {  	s4 =	sld [smem:$0x3FAC]  }
0x2a: {  	p0 =	seq.s32 s5, $0x0;
	s5 =	sld [smem:$0x3FAD]  }
0x2b: {  	s6 =	sld [smem:$0x3FAE]  }
0x2c: {  	s7 =	sld [smem:$0x3FAF]  }
0x2d: {  	s3 =	simm.s32 $0x108;
	s8 =	sld [smem:$0x3FB0]  }
0x2e: {  	s3 =	simm.s32 @!p0 $0x1082;
	s9 =	sld [smem:$0x3FB1]  }
0x2f: {  	lr =	sadd.s32 s0, s3;
	s0 =	sld [smem:$0x3FA8]  }
0x30: {  	s3 =	sld [smem:$0x3FAB]  }
0x31: {  	[smem:$0x3FB4] =	sst s10  }
0x32: {  	s10 =	sld [smem:$0x3FB2];
	_ =	sdelay $0x3  }
0x33: {  	p0 =	seq.s32 s10, $0x1;
	s10 =	sld [smem:$0x3FB4];
	_ =	sdelay $0x3  }
0x34: {  	[smem:$0x3FB4] =	sst s10  }
0x35: {  	s10 =	sld [smem:$0x3FB3];
	_ =	sdelay $0x3  }
0x36: {  	p1 =	seq.s32 s10, $0x1;
	s10 =	sld [smem:$0x3FB4];
	_ =	sdelay $0x3  }
0x37: {  	[smem:$0x3FB4] =	sst s10  }
0x38: {  	s10 =	sld [smem:$0x3FB5]  }
0x39: {  	_ = 	snop;
	(pc) =	sbr.ind lr, $3  }
0x3a: {  	_ = 	snop  }
0x3b: {  	_ = 	snop  }
0x3c: {  	p2 =	seq.s32 s10, $0x1;
	s10 =	sld [smem:$0x3FB4]  }
0x3d: {  	_ =	shalt  }
0x3e: {  	_ =	shalt  }
0x3f: {  	_ =	shalt  }
0x40: {  	_ =	shalt  }
0x41: {  	_ =	shalt  }
0x42: {  	_ =	shalt  }
0x43: {  	_ =	shalt  }
0x44: {  	_ =	shalt  }
0x45: {  	_ =	shalt  }
0x46: {  	_ =	shalt  }
0x47: {  	_ =	shalt  }
0x48: {  	_ =	shalt  }
0x49: {  	_ =	shalt  }
0x4a: {  	_ =	shalt  }
0x4b: {  	_ =	shalt  }
0x4c: {  	_ =	shalt  }
0x4d: {  	_ =	shalt  }
0x4e: {  	_ =	shalt  }
0x4f: {  	_ =	shalt  }
0x50: {  	_ =	shalt  }
0x51: {  	_ =	shalt  }
0x52: {  	_ =	shalt  }
0x53: {  	_ =	shalt  }
0x54: {  	_ =	shalt  }
0x55: {  	_ =	shalt  }
0x56: {  	_ =	shalt  }
0x57: {  	_ =	shalt  }
0x58: {  	_ =	shalt  }
0x59: {  	_ =	shalt  }
0x5a: {  	_ =	shalt  }
0x5b: {  	_ =	shalt  }
0x5c: {  	_ =	shalt  }
0x5d: {  	_ =	shalt  }
0x5e: {  	_ =	shalt  }
0x5f: {  	_ =	shalt  }
0x60: {  	_ =	shalt  }
0x61: {  	_ =	shalt  }
0x62: {  	_ =	shalt  }
0x63: {  	_ =	shalt  }
0x64: {  	_ =	shalt  }
0x65: {  	_ =	shalt  }
0x66: {  	_ =	shalt  }
0x67: {  	_ =	shalt  }
0x68: {  	_ =	shalt  }
0x69: {  	_ =	shalt  }
0x6a: {  	_ =	shalt  }
0x6b: {  	_ =	shalt  }
0x6c: {  	_ =	shalt  }
0x6d: {  	_ =	shalt  }
0x6e: {  	_ =	shalt  }
0x6f: {  	_ =	shalt  }
0x70: {  	_ =	shalt  }
0x71: {  	_ =	shalt  }
0x72: {  	_ =	shalt  }
0x73: {  	_ =	shalt  }
0x74: {  	_ =	shalt  }
0x75: {  	_ =	shalt  }
0x76: {  	_ =	shalt  }
0x77: {  	_ =	shalt  }
0x78: {  	_ =	shalt  }
0x79: {  	_ =	shalt  }
0x7a: {  	_ =	shalt  }
0x7b: {  	_ =	shalt  }
0x7c: {  	_ =	shalt  }
0x7d: {  	_ =	shalt  }
0x7e: {  	_ =	shalt  }
0x7f: {  	_ =	shalt  }
0x80: {  	_ =	shalt  }
0x81: {  	_ =	shalt  }
0x82: {  	_ =	shalt  }
0x83: {  	_ =	shalt  }
0x84: {  	_ =	shalt  }
0x85: {  	_ =	shalt  }
0x86: {  	_ =	shalt  }
0x87: {  	_ =	shalt  }
.Lfunc_end0:
.L_simem_size_0:
called_computation.1_lowered:
.L_overlay_start_0:
0x88: {  	s2 =	sld [smem:$0x3FD9]  }
0x89: {  	s3 =	sld [smem:$0x3FFE];
	_ =	sdelay $0x1  }
0x8a: {  	s1 =	srdreg.scid  }
0x8b: {  	s0 =	sand.u32 $0x1, s1  }
0x8c: {  	s17 =	sshll.u32 s0, $0xA;
	s2 =	sadd.s32 s3, s2  }
0x8d: {  	s2 =	sadd.s32 s2, s17  }
0x8e: {  	[smem:$0x3FC0] =	sst s2  }
0x8f: {  	_ = 	snop  }
0x90: {  	s2 =	sld [smem:$0x3FD0];
	(tm) =	ssettm $0x1  }
0x91: {  	s18 =	sld [smem:$0x3FFB];
	_ =	sdelay $0x3  }
0x92: {  	_ =	strace s18  }
0x93: {  	s3 =	sld [smem:$0x3FFC];
	_ =	sdelay $0x3  }
0x94: {  	_ =	strace s3  }
0x95: {  	s3 =	sld [smem:$0x3FFD];
	_ =	sdelay $0x3  }
0x96: {  	_ =	strace s3  }
0x97: {  	_ =	strace $0x8FFFFFFF  }
0x98: {  	s19 =	sld [smem:$0x3FDB];
	_ =	sdelay $0x1  }
0x99: {  	s4 =	simm.s32 $_scs_section_size  }
0x9a: {  	s5 =	simm.s32 $_size__tile_overlayer_lowered;
	s6 =	simm.s32 $_tile_overlayer_lowered  }
0x9b: {  	s22 =	simm.s32 $0x1BFF;
	s21 =	sshll.u32 s6, $0x1;
	s3 =	sadd.s32 s4, s19  }
0x9c: {  	s7 =	simm.s32 $0x0;
	s20 =	sshll.u32 s5, $0x1;
	s5 =	sadd.s32 s21, s3  }
0x9d: {  	[timem:s7], [sflag:s22] =	dma.local [hbm:s5], s20  }
0x9e: {  	_ =	swait.ge [sflag:s22], s20  }
0x9f: {  	s4 =	ssub.s32 $0x0, s20;
	[sflag:s22] =	ssyncset.done $0x0  }
0xa0: {  	[sflag:s22] =	ssyncadd.s32 s4;
	_ =	sdelay $0x1  }
0xa1: {  	s23 =	simm.s32 $0x1B8B  }
0xa2: {  	_ =	swait.ge [sflag:s23], $0x1  }
0xa3: {  	[sflag:s23] =	ssyncset.done $0x0  }
0xa4: {  	s25 =	simm.s32 $0x1B8E;
	s24 =	sld [smem:$0x3FFE];
	[sflag:s23] =	ssyncadd.s32 $0xFFFFFFFF  }
0xa5: {  	s26 =	simm.s32 $execute0_lowered;
	[smem:$0x3FD2] =	sst s25  }
0xa6: {  	s5 =	sshll.u32 s26, $0x1;
	_ =	strace $0x80000049;
	[dreg:$0x1] =	wrdreg $0xFFFFFFFF  }
0xa7: {  	s28 =	simm.s32 $_size_execute0_lowered;
	s3 =	sadd.s32 s3, s5;
	[dreg:$0x0] =	wrdreg $0x0  }
0xa8: {  	s5 =	sshll.u32 s28, $0x1;
	[dreg:$0x2] =	wrdreg s3  }
0xa9: {  	[dreg:$0x3] =	wrdreg s5  }
0xaa: {  	[dreg:$0x4] =	wrdreg $0xC0  }
0xab: {  	_ =	task [dreg:s7], $0x5FFFF  }
0xac: {  	[dreg:$0x1] =	wrdreg $0xFFFFFFFF  }
0xad: {  	[dreg:$0x0] =	wrdreg $0x60  }
0xae: {  	[dreg:$0x2] =	wrdreg s2  }
0xaf: {  	[dreg:$0x3] =	wrdreg s24  }
0xb0: {  	[dreg:$0x4] =	wrdreg $0x68000  }
0xb1: {  	[dreg:$0x5] =	wrdreg $0x9  }
0xb2: {  	_ =	task.clear_ibuf [dreg:s7], $0x6FFFF;
	_ =	strace $0x90000049  }
0xb3: {  	s29 =	simm.s32 $0x9;
	_ =	strace $0x8000004B  }
0xb4: {  	_ =	swait.ge [sflag:s29], $0x1  }
0xb5: {  	[sflag:s29] =	ssyncadd.s32 $0xFFFFFFFF  }
0xb6: {  	_ =	strace $0x9000004B  }
0xb7: {  	_ =	sfence  }
0xb8: {  	s30 =	sld [smem:$0x0];
	_ =	sdelay $0x2  }
0xb9: {  	s31 =	sshll.u32 s1, $0xD;
	s1 =	sshrl.u32 s1, $0x2  }
0xba: {  	s3 =	sand.u32 $0x4000, s31;
	s1 =	sadd.s32 s1, s30  }
0xbb: {  	s0 =	sor.u32 s3, s0;
	s1 =	sshll.u32 s1, $0x11  }
0xbc: {  	s0 =	sor.u32 s1, s0  }
0xbd: {  	s0 =	sadd.s32 $0x8F2B, s0  }
0xbe: {  	[sflag:s0] =	ssyncadd.remote.s32 $0x1  }
0xbf: {  	_ =	sfence.sel $0xFFFF  }
0xc0: {  	[dreg:$0x0] =	wrdreg $0xFFFFFFFF;
	(pc) =	sbr.abs _section_cstart, $3  }
0xc1: {  	[dreg:$0x1] =	wrdreg $0xFFFFFFFF  }
0xc2: {  	_ =	task.clear_ibuf [dreg:s7], $0x2FFFF;
	_ =	strace $0x9FFFFFFF  }
0xc3: {  	(tm) =	ssettm $0x7FFFFFFF  }
tec
execute0_lowered:
.L_overlay_start_1:
0x0: {  	(tag) =	ssettag $0x1  }
0x1: {  	s1 =	rddreg [dreg:$0x0]  }
0x2: {  	s0 =	rddreg [dreg:$0x1];
	s3 =	srdreg.scid  }
0x3: {  	s2 =	rddreg [dreg:$0x2];
	s12 =	stileid.u32;
	s3 =	sand.u32 $0x1, s3  }
0x4: {  	s4 =	simm.s32 $0x0;
	s8 =	smul.u32 $0x14000, s12;
	s9 =	sshll.u32 s3, $0x4  }
0x5: {  	[smem:$0x7FF] =	sst s4;
	s7 =	smul.u32 $0x140000, s3;
	s9 =	sor.u32 s12, s9  }
0x6: {  	s5 =	sadd.s32 $0xC000, s0;
	s6 =	sadd.s32 $0x2200, s0;
	s9 =	smul.u32 $0x2710, s9  }
0x7: {  	s11 =	smul.u32 $0x50000, s12;
	_ =	strace $0x8000004A;
	s21 =	ssub.s32 $0x2, s3  }
0x8: {  	s10 =	sshrl.u32 s21, $0x1;
	s7 =	sadd.s32 s8, s7;
	s22 =	sshrl.u32 s9, $0x3  }
0x9: {  	s24 =	sshrl.u32 s11, $0x2;
	s7 =	sshrl.u32 s7, $0x3;
	s23 =	sadd.s32 s5, s22  }
0xa: {  	s0 =	sadd.s32 s7, s0;
	s8 =	sadd.s32 s6, s22;
	[dreg:$0x4] =	wrdreg s23  }
0xb: {  	s7 =	ssub.s32 s21, s10;
	s0 =	sadd.s32 $0x16800, s0;
	[dreg:$0x5] =	wrdreg s8  }
0xc: {  	s9 =	sadd.s32 $0xC8, s9;
	s22 =	smax.u32 s7, $0x1;
	[dreg:$0x14] =	wrdreg s0  }
0xd: {  	s25 =	sshrl.u32 s9, $0x3;
	s9 =	sadd.s32 s24, s2;
	[dreg:$0x15] =	wrdreg s22  }
0xe: {  	s26 =	sadd.s32 s5, s25;
	[dreg:$0x6] =	wrdreg s9  }
0xf: {  	s8 =	sadd.s32 s6, s25;
	[dreg:$0x7] =	wrdreg s26  }
0x10: {  	s28 =	sadd.s32 $0x1400, s9;
	[dreg:$0x8] =	wrdreg s8  }
0x11: {  	s10 =	sadd.s32 $0x2800, s9;
	[dreg:$0x9] =	wrdreg s28  }
0x12: {  	s29 =	simm.s32 $0x3;
	s11 =	sadd.s32 $0x3C00, s9;
	[dreg:$0xa] =	wrdreg s10  }
0x13: {  	s30 =	simm.s32 $0x4;
	s13 =	sadd.s32 $0x5000, s9;
	[dreg:$0xb] =	wrdreg s11  }
0x14: {  	s31 =	simm.s32 $0xE;
	s14 =	sadd.s32 $0x6400, s9;
	[dreg:$0xc] =	wrdreg s13  }
0x15: {  	s15 =	smul.u32 $0x2710, s12;
	s16 =	sadd.s32 $0x7800, s9;
	[dreg:$0xd] =	wrdreg s14  }
0x16: {  	s3 =	smul.u32 $0x27100, s3;
	s17 =	sadd.s32 $0x8C00, s9;
	[dreg:$0xe] =	wrdreg s16  }
0x17: {  	s12 =	simm.s32 $0x9;
	s18 =	sadd.s32 $0xA000, s9;
	[dreg:$0xf] =	wrdreg s17  }
0x18: {  	s3 =	sadd.s32 s15, s3;
	s19 =	sadd.s32 $0xB400, s9;
	[dreg:$0x10] =	wrdreg s18  }
0x19: {  	s15 =	simm.s32 $0xD;
	s20 =	sadd.s32 $0xC800, s9;
	[dreg:$0x11] =	wrdreg s19  }
0x1a: {  	s7 =	simm.s32 $0x400;
	s21 =	sadd.s32 $0xDC00, s9;
	[dreg:$0x12] =	wrdreg s20  }
0x1b: {  	s23 =	sadd.s32 $0x258, s3;
	s24 =	sadd.s32 $0xF000, s9;
	[dreg:$0x13] =	wrdreg s21  }
0x1c: {  	s25 =	sadd.s32 $0x10400, s9;
	s0 =	simm.s32 $0x100;
	[dreg:$0x16] =	wrdreg s23  }
0x1d: {  	s3 =	simm.s32 $0x300;
	s22 =	simm.s32 $0xC;
	[dreg:$0x17] =	wrdreg s24  }
0x1e: {  	[dreg:$0x18] =	wrdreg s25;
	s26 =	sadd.s32 $0x11800, s9;
	s28 =	sadd.s32 $0x12C00, s9  }
0x1f: {  	s8 =	simm.s32 $0x6;
	s10 =	simm.s32 $0x7;
	s11 =	simm.s32 $0x8  }
0x20: {  	s13 =	simm.s32 $0xA;
	s16 =	simm.s32 $0x28;
	s17 =	simm.s32 $0x1800  }
0x21: {  	s19 =	simm.s32 $0x2C00;
	s21 =	simm.s32 $0x4000;
	s23 =	simm.s32 $0x5400  }
0x22: {  	s24 =	simm.s32 $0x1;
	s18 =	simm.s32 $0x5;
	[dreg:$0x19] =	wrdreg s26  }
0x23: {  	v0 =	vimm.f32 $0.0e+00;
	s20 =	simm.s32 $0x0;
	[dreg:$0x1a] =	wrdreg s28;
	s26 =	simm.s32 $0x2  }
.LBB2_1:
0x24: {  	[dreg:$0x1b] =	wrdreg s20  }
0x25: {  	s9 =	rddreg [dreg:$0x4]  }
0x26: {  	[tilespmem:s4], [sflag:$0xB] =	stream.linear.gather [hbm4b:s9+s4], $0xC8, $0x38;
	[tilespmem:$0x1A800] =	vst v63  }
0x27: {  	s20 =	rddreg [dreg:$0x5];
	s14 =	simm.s32 $0x200  }
0x28: {  	[tilespmem:s14], [sflag:$0xD] =	stream.linear.gather [hbm4b:s20+s4], $0xC8, $0x38;
	[tilespmem:$0x1A800] =	vst v63  }
0x29: {  	s25 =	rddreg [dreg:$0x7];
	s20 =	simm.s32 $0x0  }
0x2a: {  	[tilespmem:s0], [sflag:$0xC] =	stream.linear.gather [hbm4b:s25+s4], $0xC8, $0x38;
	[tilespmem:$0x1A800] =	vst v63  }
0x2b: {  	s25 =	sand.u32 $0xFFFFFF80, s20  }
0x2c: {  	s14 =	rddreg [dreg:$0x8];
	s25 =	ssub.s32 $0x0, s25  }
0x2d: {  	[tilespmem:s3], [sflag:$0xE] =	stream.linear.gather [hbm4b:s14+s4], $0xC8, $0x38;
	[tilespmem:$0x1A800] =	vst v63  }
0x2e: {  	s9 =	sand.u32 $0x3FFFFF80, s20;
	s25 =	sand.u32 $0xFFFFFF80, s25  }
0x2f: {  	s28 =	sand.u32 $0x70, s4;
	s9 =	sadd.s32 s25, s9  }
0x30: {  	s25 =	simm.s32 $0x1;
	s9 =	sor.u32 s28, s9;
	s28 =	simm.s32 $0x0  }
.LBB2_2:
0x31: {  	s20 =	sshll.u32 s25, $0x4;
	p0 =	sne.s32 s25, $0x13F;
	s25 =	sadd.s32 $0x1, s25;
	[tilespmem:s9+$0x400] =	vst v0  }
.Ltmp0:
0x32: {  	s28 =	sadd.s32 $0x10, s28;
	s9 =	sand.u32 $0xFFFFFF80, s20;
	(pc) =	sbr.rel @p0 .LBB2_2-.Ltmp0, $4  }
0x33: {  	s9 =	ssub.s32 s28, s9  }
0x34: {  	s20 =	sand.u32 $0x3FFFFF80, s20;
	s9 =	sand.u32 $0xFFFFFF80, s9  }
0x35: {  	s14 =	sand.u32 $0x70, s28;
	s9 =	sadd.s32 s9, s20  }
0x36: {  	s9 =	sor.u32 s14, s9  }
0x37: {  	[tilespmem:s9+$0x400] =	vst v0;
	s20 =	rddreg [dreg:$0x6]  }
0x38: {  	[spmem:s20] =	stream.linear.scatter [tilespmem:s7], [sflag:$0x6], $0x1400, $0x38;
	[tilespmem:$0x1A800] =	vst v63  }
0x39: {  	s25 =	rddreg [dreg:$0x9]  }
0x3a: {  	[spmem:s25] =	stream.linear.scatter [tilespmem:s7], [sflag:$0x7], $0x1400, $0x38;
	[tilespmem:$0x1A800] =	vst v63  }
0x3b: {  	s14 =	rddreg [dreg:$0xa]  }
0x3c: {  	[spmem:s14] =	stream.linear.scatter [tilespmem:s7], [sflag:$0x8], $0x1400, $0x38;
	[tilespmem:$0x1A800] =	vst v63  }
0x3d: {  	s20 =	rddreg [dreg:$0xb]  }
0x3e: {  	[spmem:s20] =	stream.linear.scatter [tilespmem:s7], [sflag:$0x9], $0x1400, $0x38;
	[tilespmem:$0x1A800] =	vst v63  }
0x3f: {  	s25 =	rddreg [dreg:$0xc]  }
0x40: {  	[spmem:s25] =	stream.linear.scatter [tilespmem:s7], [sflag:$0xA], $0x1400, $0x38;
	[tilespmem:$0x1A800] =	vst v63  }
0x41: {  	s14 =	rddreg [dreg:$0xd]  }
0x42: {  	[spmem:s14] =	stream.linear.scatter [tilespmem:s7], [sflag:$0x6], $0x1400, $0x38;
	[tilespmem:$0x1A800] =	vst v63  }
0x43: {  	s20 =	rddreg [dreg:$0xe]  }
0x44: {  	[spmem:s20] =	stream.linear.scatter [tilespmem:s7], [sflag:$0x7], $0x1400, $0x38;
	[tilespmem:$0x1A800] =	vst v63  }
0x45: {  	s25 =	rddreg [dreg:$0xf]  }
0x46: {  	[spmem:s25] =	stream.linear.scatter [tilespmem:s7], [sflag:$0x8], $0x1400, $0x38;
	[tilespmem:$0x1A800] =	vst v63  }
0x47: {  	s14 =	rddreg [dreg:$0x10]  }
0x48: {  	[spmem:s14] =	stream.linear.scatter [tilespmem:s7], [sflag:$0x9], $0x1400, $0x38;
	[tilespmem:$0x1A800] =	vst v63  }
0x49: {  	s20 =	rddreg [dreg:$0x11]  }
0x4a: {  	[spmem:s20] =	stream.linear.scatter [tilespmem:s7], [sflag:$0xA], $0x1400, $0x38;
	[tilespmem:$0x1A800] =	vst v63  }
0x4b: {  	s25 =	rddreg [dreg:$0x12]  }
0x4c: {  	[spmem:s25] =	stream.linear.scatter [tilespmem:s7], [sflag:$0x6], $0x1400, $0x38;
	[tilespmem:$0x1A800] =	vst v63  }
0x4d: {  	s14 =	rddreg [dreg:$0x13]  }
0x4e: {  	[spmem:s14] =	stream.linear.scatter [tilespmem:s7], [sflag:$0x7], $0x1400, $0x38;
	[tilespmem:$0x1A800] =	vst v63  }
0x4f: {  	s20 =	rddreg [dreg:$0x17]  }
0x50: {  	[spmem:s20] =	stream.linear.scatter [tilespmem:s7], [sflag:$0x8], $0x1400, $0x38;
	[tilespmem:$0x1A800] =	vst v63  }
0x51: {  	s25 =	rddreg [dreg:$0x18]  }
0x52: {  	[spmem:s25] =	stream.linear.scatter [tilespmem:s7], [sflag:$0x9], $0x1400, $0x38;
	[tilespmem:$0x1A800] =	vst v63  }
0x53: {  	s14 =	rddreg [dreg:$0x19]  }
0x54: {  	[spmem:s14] =	stream.linear.scatter [tilespmem:s7], [sflag:$0xA], $0x1400, $0x38;
	[tilespmem:$0x1A800] =	vst v63  }
0x55: {  	s20 =	rddreg [dreg:$0x1a]  }
0x56: {  	[spmem:s20] =	stream.linear.scatter [tilespmem:s7], [sflag:$0x6], $0x1400, $0x38;
	[tilespmem:$0x1A800] =	vst v63  }
0x57: {  	_ =	swait.ge [sflag:s8], $0x1400  }
0x58: {  	[sflag:s8] =	ssyncset.done $0x0  }
0x59: {  	[sflag:s8] =	ssyncadd.s32 $0xFFFFEC00  }
0x5a: {  	_ =	swait.ge [sflag:s10], $0x1400  }
0x5b: {  	[sflag:s10] =	ssyncset.done $0x0  }
0x5c: {  	[sflag:s10] =	ssyncadd.s32 $0xFFFFEC00  }
0x5d: {  	_ =	swait.ge [sflag:s11], $0x1400  }
0x5e: {  	[sflag:s11] =	ssyncset.done $0x0  }
0x5f: {  	[sflag:s11] =	ssyncadd.s32 $0xFFFFEC00  }
0x60: {  	_ =	swait.ge [sflag:s12], $0x1400  }
0x61: {  	[sflag:s12] =	ssyncset.done $0x0  }
0x62: {  	[sflag:s12] =	ssyncadd.s32 $0xFFFFEC00  }
0x63: {  	_ =	swait.ge [sflag:s13], $0x1400  }
0x64: {  	[sflag:s13] =	ssyncset.done $0x0  }
0x65: {  	[sflag:s13] =	ssyncadd.s32 $0xFFFFEC00  }
0x66: {  	_ =	swait.ge [sflag:s8], $0x1400  }
0x67: {  	[sflag:s8] =	ssyncset.done $0x0  }
0x68: {  	[sflag:s8] =	ssyncadd.s32 $0xFFFFEC00  }
0x69: {  	_ =	swait.ge [sflag:s10], $0x1400  }
0x6a: {  	[sflag:s10] =	ssyncset.done $0x0  }
0x6b: {  	[sflag:s10] =	ssyncadd.s32 $0xFFFFEC00  }
0x6c: {  	_ =	swait.ge [sflag:s11], $0x1400  }
0x6d: {  	[sflag:s11] =	ssyncset.done $0x0  }
0x6e: {  	[sflag:s11] =	ssyncadd.s32 $0xFFFFEC00  }
0x6f: {  	_ =	swait.ge [sflag:s12], $0x1400  }
0x70: {  	[sflag:s12] =	ssyncset.done $0x0  }
0x71: {  	[sflag:s12] =	ssyncadd.s32 $0xFFFFEC00  }
0x72: {  	_ =	swait.ge [sflag:s13], $0x1400  }
0x73: {  	[sflag:s13] =	ssyncset.done $0x0  }
0x74: {  	[sflag:s13] =	ssyncadd.s32 $0xFFFFEC00  }
0x75: {  	_ =	swait.ge [sflag:s8], $0x1400  }
0x76: {  	[sflag:s8] =	ssyncset.done $0x0  }
0x77: {  	[sflag:s8] =	ssyncadd.s32 $0xFFFFEC00  }
0x78: {  	_ =	swait.ge [sflag:s10], $0x1400  }
0x79: {  	[sflag:s10] =	ssyncset.done $0x0  }
0x7a: {  	[sflag:s10] =	ssyncadd.s32 $0xFFFFEC00  }
0x7b: {  	_ =	swait.ge [sflag:s11], $0x1400  }
0x7c: {  	[sflag:s11] =	ssyncset.done $0x0  }
0x7d: {  	[sflag:s11] =	ssyncadd.s32 $0xFFFFEC00  }
0x7e: {  	_ =	swait.ge [sflag:s12], $0x1400  }
0x7f: {  	[sflag:s12] =	ssyncset.done $0x0  }
0x80: {  	[sflag:s12] =	ssyncadd.s32 $0xFFFFEC00  }
0x81: {  	_ =	swait.ge [sflag:s13], $0x1400  }
0x82: {  	[sflag:s13] =	ssyncset.done $0x0  }
0x83: {  	[sflag:s13] =	ssyncadd.s32 $0xFFFFEC00  }
0x84: {  	_ =	swait.ge [sflag:s8], $0x1400  }
0x85: {  	[sflag:s8] =	ssyncset.done $0x0  }
0x86: {  	s25 =	simm.s32 $0xB;
	[sflag:s8] =	ssyncadd.s32 $0xFFFFEC00  }
0x87: {  	_ =	swait.ge [sflag:s25], $0xC8  }
0x88: {  	[sflag:s25] =	ssyncset.done $0x0  }
0x89: {  	[sflag:s25] =	ssyncadd.s32 $0xFFFFFF38  }
0x8a: {  	_ =	swait.ge [sflag:s15], $0xC8  }
0x8b: {  	[sflag:s15] =	ssyncset.done $0x0  }
0x8c: {  	s28 =	simm.s32 $0x0;
	[sflag:s15] =	ssyncadd.s32 $0xFFFFFF38  }
0x8d: {  	[tilespmem:s7], [sflag:$0x1] =	stream.indirect.gather [hbm4b:s1+s16], $0x80, s28, s16, $0xb8;
	[tilespmem:$0x1A800] =	vst v63  }
0x8e: {  	_ = 	snop  }
0x8f: {  	[tilespmem:s17], [sflag:$0x2] =	stream.indirect.gather [hbm4b:s1+s16], $0x80, s16, s16, $0xb8;
	[tilespmem:$0x1A800] =	vst v63  }
0x90: {  	s14 =	simm.s32 $0x50  }
0x91: {  	[tilespmem:s19], [sflag:$0x3] =	stream.indirect.gather [hbm4b:s1+s16], $0x80, s14, s16, $0xb8;
	[tilespmem:$0x1A800] =	vst v63  }
0x92: {  	s20 =	simm.s32 $0x78  }
0x93: {  	[tilespmem:s21], [sflag:$0x4] =	stream.indirect.gather [hbm4b:s1+s16], $0x80, s20, s16, $0xb8;
	[tilespmem:$0x1A800] =	vst v63  }
.Ltmp1:
0x94: {  	_ = 	snop;
	(pc) =	sbr.rel .LBB2_4-.Ltmp1, $4  }
0x95: {  	s25 =	simm.s32 $0xA0  }
0x96: {  	[tilespmem:s23], [sflag:$0x5] =	stream.indirect.gather [hbm4b:s1+s16], $0x80, s25, s16, $0xb8;
	[tilespmem:$0x1A800] =	vst v63  }
0x97: {  	[bflag:$0x0] =	sbarrier.arrive $0xFFFF  }
0x98: {  	s25 =	rddreg [dreg:$0x16]  }
.LBB2_5:
0x99: {  	s9 =	simm.s32 $0xB  }
0x9a: {  	_ =	swait.ge [sflag:s9], $0xC8  }
0x9b: {  	[sflag:s9] =	ssyncset.done $0x0  }
0x9c: {  	[sflag:s9] =	ssyncadd.s32 $0xFFFFFF38  }
0x9d: {  	_ =	swait.ge [sflag:s15], $0xC8  }
0x9e: {  	[sflag:s15] =	ssyncset.done $0x0  }
0x9f: {  	[sflag:s15] =	ssyncadd.s32 $0xFFFFFF38  }
0xa0: {  	_ =	swait.ge [sflag:s8], $0x1400  }
0xa1: {  	[sflag:s8] =	ssyncset.done $0x0  }
0xa2: {  	[sflag:s8] =	ssyncadd.s32 $0xFFFFEC00  }
0xa3: {  	[tilespmem:s7], [sflag:$0x1] =	stream.indirect.gather [hbm4b:s1+s16], $0x80, s4, s16, $0xb8;
	[tilespmem:$0x1A800] =	vst v63  }
0xa4: {  	_ =	swait.ge [sflag:s10], $0x1400  }
0xa5: {  	[sflag:s10] =	ssyncset.done $0x0  }
0xa6: {  	[sflag:s10] =	ssyncadd.s32 $0xFFFFEC00  }
0xa7: {  	[tilespmem:s17], [sflag:$0x2] =	stream.indirect.gather [hbm4b:s1+s16], $0x80, s16, s16, $0xb8;
	[tilespmem:$0x1A800] =	vst v63  }
0xa8: {  	_ =	swait.ge [sflag:s11], $0x1400  }
0xa9: {  	[sflag:s11] =	ssyncset.done $0x0  }
0xaa: {  	s20 =	simm.s32 $0x50;
	[sflag:s11] =	ssyncadd.s32 $0xFFFFEC00  }
0xab: {  	[tilespmem:s19], [sflag:$0x3] =	stream.indirect.gather [hbm4b:s1+s16], $0x80, s20, s16, $0xb8;
	[tilespmem:$0x1A800] =	vst v63  }
0xac: {  	_ =	swait.ge [sflag:s12], $0x1400  }
0xad: {  	[sflag:s12] =	ssyncset.done $0x0  }
0xae: {  	s14 =	simm.s32 $0x78;
	[sflag:s12] =	ssyncadd.s32 $0xFFFFEC00  }
0xaf: {  	[tilespmem:s21], [sflag:$0x4] =	stream.indirect.gather [hbm4b:s1+s16], $0x80, s14, s16, $0xb8;
	[tilespmem:$0x1A800] =	vst v63  }
0xb0: {  	_ =	swait.ge [sflag:s13], $0x1400  }
0xb1: {  	[sflag:s13] =	ssyncset.done $0x0  }
0xb2: {  	s20 =	simm.s32 $0xA0;
	[sflag:s13] =	ssyncadd.s32 $0xFFFFEC00  }
0xb3: {  	[tilespmem:s23], [sflag:$0x5] =	stream.indirect.gather [hbm4b:s1+s16], $0x80, s20, s16, $0xb8;
	[tilespmem:$0x1A800] =	vst v63  }
.LBB2_7:
0xb4: {  	s9 =	sshrl.u32 s25, $0x3  }
0xb5: {  	s14 =	sadd.s32 s5, s9  }
0xb6: {  	[tilespmem:s0], [sflag:$0xC] =	stream.linear.gather [hbm4b:s14+s4], $0xC8, $0x38;
	[tilespmem:$0x1A800] =	vst v63  }
0xb7: {  	s28 =	sadd.s32 $0x1, s28;
	s25 =	sadd.s32 $0x190, s25;
	s9 =	sadd.s32 s6, s9  }
0xb8: {  	[tilespmem:s3], [sflag:$0xE] =	stream.linear.gather [hbm4b:s9+s4], $0xC8, $0x38;
	[tilespmem:$0x1A800] =	vst v63  }
.LBB2_4:
0xb9: {  	_ =	swait.ge [sflag:s24], $0x1400  }
0xba: {  	[sflag:s24] =	ssyncset.done $0x0  }
0xbb: {  	s9 =	simm.s32 $0x200;
	[sflag:s24] =	ssyncadd.s32 $0xFFFFEC00  }
0xbc: {  	[spmem:s2] =	stream.indirect.scatter.add.f32 [tilespmem:s7], [sflag:$0x6], $0x80, s9, s16, $0xb8;
	[tilespmem:$0x1A800] =	vst v63  }
0xbd: {  	_ =	swait.ge [sflag:s26], $0x1400  }
0xbe: {  	[sflag:s26] =	ssyncset.done $0x0  }
0xbf: {  	s14 =	simm.s32 $0x228;
	[sflag:s26] =	ssyncadd.s32 $0xFFFFEC00  }
0xc0: {  	[spmem:s2] =	stream.indirect.scatter.add.f32 [tilespmem:s17], [sflag:$0x7], $0x80, s14, s16, $0xb8;
	[tilespmem:$0x1A800] =	vst v63  }
0xc1: {  	_ =	swait.ge [sflag:s29], $0x1400  }
0xc2: {  	[sflag:s29] =	ssyncset.done $0x0  }
0xc3: {  	s20 =	simm.s32 $0x250;
	[sflag:s29] =	ssyncadd.s32 $0xFFFFEC00  }
0xc4: {  	[spmem:s2] =	stream.indirect.scatter.add.f32 [tilespmem:s19], [sflag:$0x8], $0x80, s20, s16, $0xb8;
	[tilespmem:$0x1A800] =	vst v63  }
0xc5: {  	_ =	swait.ge [sflag:s30], $0x1400  }
0xc6: {  	[sflag:s30] =	ssyncset.done $0x0  }
0xc7: {  	s14 =	simm.s32 $0x278;
	[sflag:s30] =	ssyncadd.s32 $0xFFFFEC00  }
0xc8: {  	[spmem:s2] =	stream.indirect.scatter.add.f32 [tilespmem:s21], [sflag:$0x9], $0x80, s14, s16, $0xb8;
	[tilespmem:$0x1A800] =	vst v63  }
0xc9: {  	_ =	swait.ge [sflag:s18], $0x1400  }
0xca: {  	[sflag:s18] =	ssyncset.done $0x0  }
0xcb: {  	s20 =	simm.s32 $0x2A0;
	[sflag:s18] =	ssyncadd.s32 $0xFFFFEC00  }
0xcc: {  	[spmem:s2] =	stream.indirect.scatter.add.f32 [tilespmem:s23], [sflag:$0xA], $0x80, s20, s16, $0xb8;
	[tilespmem:$0x1A800] =	vst v63  }
0xcd: {  	_ =	swait.ge [sflag:s22], $0xC8  }
0xce: {  	[sflag:s22] =	ssyncset.done $0x0  }
0xcf: {  	[sflag:s22] =	ssyncadd.s32 $0xFFFFFF38  }
0xd0: {  	_ =	swait.ge [sflag:s31], $0xC8  }
0xd1: {  	[sflag:s31] =	ssyncset.done $0x0  }
0xd2: {  	[sflag:s31] =	ssyncadd.s32 $0xFFFFFF38  }
0xd3: {  	_ =	swait.ge [sflag:s8], $0x1400  }
0xd4: {  	[sflag:s8] =	ssyncset.done $0x0  }
0xd5: {  	[sflag:s8] =	ssyncadd.s32 $0xFFFFEC00  }
0xd6: {  	[tilespmem:s7], [sflag:$0x1] =	stream.indirect.gather [hbm4b:s1+s16], $0x80, s0, s16, $0xb8;
	[tilespmem:$0x1A800] =	vst v63  }
0xd7: {  	_ =	swait.ge [sflag:s10], $0x1400  }
0xd8: {  	[sflag:s10] =	ssyncset.done $0x0  }
0xd9: {  	s14 =	simm.s32 $0x128;
	[sflag:s10] =	ssyncadd.s32 $0xFFFFEC00  }
0xda: {  	[tilespmem:s17], [sflag:$0x2] =	stream.indirect.gather [hbm4b:s1+s16], $0x80, s14, s16, $0xb8;
	[tilespmem:$0x1A800] =	vst v63  }
0xdb: {  	_ =	swait.ge [sflag:s11], $0x1400  }
0xdc: {  	[sflag:s11] =	ssyncset.done $0x0  }
0xdd: {  	s20 =	simm.s32 $0x150;
	[sflag:s11] =	ssyncadd.s32 $0xFFFFEC00  }
0xde: {  	[tilespmem:s19], [sflag:$0x3] =	stream.indirect.gather [hbm4b:s1+s16], $0x80, s20, s16, $0xb8;
	[tilespmem:$0x1A800] =	vst v63  }
0xdf: {  	_ =	swait.ge [sflag:s12], $0x1400  }
0xe0: {  	[sflag:s12] =	ssyncset.done $0x0  }
0xe1: {  	s14 =	simm.s32 $0x178;
	[sflag:s12] =	ssyncadd.s32 $0xFFFFEC00  }
0xe2: {  	[tilespmem:s21], [sflag:$0x4] =	stream.indirect.gather [hbm4b:s1+s16], $0x80, s14, s16, $0xb8;
	[tilespmem:$0x1A800] =	vst v63  }
0xe3: {  	p0 =	seq.s32 s28, $0x18;
	_ =	swait.ge [sflag:s13], $0x1400  }
0xe4: {  	s9 =	sadd.s32 @!p0 $0xFFFFFF38, s25;
	[sflag:s13] =	ssyncset.done $0x0  }
0xe5: {  	s9 =	sshrl.u32 @!p0 s9, $0x3;
	s20 =	simm.s32 $0x1A0;
	[sflag:s13] =	ssyncadd.s32 $0xFFFFEC00  }
0xe6: {  	[tilespmem:s23], [sflag:$0x5] =	stream.indirect.gather [hbm4b:s1+s16], $0x80, s20, s16, $0xb8;
	[tilespmem:$0x1A800] =	vst v63  }
0xe7: {  	s14 =	sadd.s32 @!p0 s5, s9;
	s20 =	simm.s32 @!p0 $0x0  }
0xe8: {  	[tilespmem:s20], [sflag:$0xB] =	stream.linear.gather @!p0 [hbm4b:s14+s20], $0xC8, $0x38;
	[tilespmem:$0x1A800] =	vst v63  }
0xe9: {  	s9 =	sadd.s32 @!p0 s6, s9;
	s14 =	simm.s32 @!p0 $0x200  }
0xea: {  	[tilespmem:s14], [sflag:$0xD] =	stream.linear.gather @!p0 [hbm4b:s9+s20], $0xC8, $0x38;
	[tilespmem:$0x1A800] =	vst v63  }
0xeb: {  	_ =	swait.ge [sflag:s24], $0x1400  }
0xec: {  	[sflag:s24] =	ssyncset.done $0x0  }
0xed: {  	[sflag:s24] =	ssyncadd.s32 $0xFFFFEC00  }
0xee: {  	[spmem:s2] =	stream.indirect.scatter.add.f32 [tilespmem:s7], [sflag:$0x6], $0x80, s3, s16, $0xb8;
	[tilespmem:$0x1A800] =	vst v63  }
0xef: {  	_ =	swait.ge [sflag:s26], $0x1400  }
0xf0: {  	[sflag:s26] =	ssyncset.done $0x0  }
0xf1: {  	s14 =	simm.s32 $0x328;
	[sflag:s26] =	ssyncadd.s32 $0xFFFFEC00  }
0xf2: {  	[spmem:s2] =	stream.indirect.scatter.add.f32 [tilespmem:s17], [sflag:$0x7], $0x80, s14, s16, $0xb8;
	[tilespmem:$0x1A800] =	vst v63  }
0xf3: {  	_ =	swait.ge [sflag:s29], $0x1400  }
0xf4: {  	[sflag:s29] =	ssyncset.done $0x0  }
0xf5: {  	s20 =	simm.s32 $0x350;
	[sflag:s29] =	ssyncadd.s32 $0xFFFFEC00  }
0xf6: {  	[spmem:s2] =	stream.indirect.scatter.add.f32 [tilespmem:s19], [sflag:$0x8], $0x80, s20, s16, $0xb8;
	[tilespmem:$0x1A800] =	vst v63  }
0xf7: {  	_ =	swait.ge [sflag:s30], $0x1400  }
0xf8: {  	[sflag:s30] =	ssyncset.done $0x0  }
0xf9: {  	p1 =	sgt.u32 s28, $0x17;
	s14 =	simm.s32 $0x378;
	[sflag:s30] =	ssyncadd.s32 $0xFFFFEC00  }
0xfa: {  	[spmem:s2] =	stream.indirect.scatter.add.f32 [tilespmem:s21], [sflag:$0x9], $0x80, s14, s16, $0xb8;
	[tilespmem:$0x1A800] =	vst v63  }
.Ltmp2:
0xfb: {  	_ = 	snop;
	(pc) =	sbr.rel @!p1 .LBB2_5-.Ltmp2, $4  }
0xfc: {  	_ =	swait.ge [sflag:s18], $0x1400  }
0xfd: {  	[sflag:s18] =	ssyncset.done $0x0  }
0xfe: {  	s20 =	simm.s32 $0x3A0;
	[sflag:s18] =	ssyncadd.s32 $0xFFFFEC00  }
0xff: {  	[spmem:s2] =	stream.indirect.scatter.add.f32 [tilespmem:s23], [sflag:$0xA], $0x80, s20, s16, $0xb8;
	[tilespmem:$0x1A800] =	vst v63  }
0x100: {  	_ =	swait.ge [sflag:s8], $0x1400  }
0x101: {  	[sflag:s8] =	ssyncset.done $0x0  }
0x102: {  	[sflag:s8] =	ssyncadd.s32 $0xFFFFEC00  }
0x103: {  	_ =	swait.ge [sflag:s10], $0x1400  }
0x104: {  	[sflag:s10] =	ssyncset.done $0x0  }
0x105: {  	[sflag:s10] =	ssyncadd.s32 $0xFFFFEC00  }
0x106: {  	_ =	swait.ge [sflag:s11], $0x1400  }
0x107: {  	[sflag:s11] =	ssyncset.done $0x0  }
0x108: {  	[sflag:s11] =	ssyncadd.s32 $0xFFFFEC00  }
0x109: {  	_ =	swait.ge [sflag:s12], $0x1400  }
.Ltmp3:
0x10a: {  	[sflag:s12] =	ssyncset.done $0x0;
	(pc) =	sbr.rel @!p0 .LBB2_7-.Ltmp3, $4  }
0x10b: {  	[sflag:s12] =	ssyncadd.s32 $0xFFFFEC00  }
0x10c: {  	_ =	swait.ge [sflag:s13], $0x1400  }
0x10d: {  	[sflag:s13] =	ssyncset.done $0x0  }
0x10e: {  	[sflag:s13] =	ssyncadd.s32 $0xFFFFEC00  }
0x10f: {  	s9 =	stileid.u32;
	[bflag:$0x0] =	sbarrier.arrive $0xFFFF  }
0x110: {  	s9 =	sshll.u32 s9, $0x6;
	s14 =	rddreg [dreg:$0x6]  }
0x111: {  	s20 =	rddreg [dreg:$0x14];
	s9 =	sor.u32 $0x1C0F, s9;
	s14 =	sshrl.u32 s14, $0x3  }
0x112: {  	[hbm:s20], [sflag:s9] =	dma.local [spmem:s14], $0x2800  }
0x113: {  	s14 =	simm.s32 $0xF  }
0x114: {  	_ =	swait.ge [sflag:s14], $0x2800  }
0x115: {  	s25 =	rddreg [dreg:$0x1b]  }
0x116: {  	s28 =	rddreg [dreg:$0x15];
	s20 =	sadd.s32 $0x1, s25  }
0x117: {  	p0 =	sne.s32 s20, s28  }
.Ltmp4:
0x118: {  	_ = 	snop;
	(pc) =	sbr.rel @p0 .LBB2_1-.Ltmp4, $3  }
0x119: {  	_ =	sdelay $0x1  }
0x11a: {  	[sflag:s14] =	ssyncset.done $0x0  }
0x11b: {  	[sflag:s14] =	ssyncadd.s32 $0xFFFFD800  }
0x11c: {  	_ =	sfence.sel $0x180000  }
0x11d: {  	[bflag:$0x0] =	sbarrier.arrive $0xFFFF  }
0x11e: {  	_ =	strace $0x9000004A  }
0x11f: {  	s0 =	stileid.u32;
	[bflag:$0x2] =	sbarrier.arrive $0xFFFF  }
0x120: {  	p0 =	sne.s32 s0, $0x0;
	s0 =	rddreg [dreg:$0x3]  }
0x121: {  	s0 =	sadd.s32 @!p0 $0x100000, s0  }
0x122: {  	[sflag:s0] =	ssyncadd.tile.s32 @!p0 $0x1;
	_ =	shalt  }
.Lfunc_end2:
_tile_overlayer_lowered:
.L_overlay_start_2:
0x123: {  	(tag) =	ssettag $0x2  }
0x124: {  	s0 =	rddreg [dreg:$0x0];
	s2 =	stileid.u32  }
0x125: {  	s1 =	rddreg [dreg:$0x1];
	p0 =	sne.s32 s2, $0x0  }
0x126: {  	s3 =	rddreg [dreg:$0x2];
	[bflag:$0x3] =	sbarrier.arrive $0xFFFF;
	s2 =	simm.s32 @!p0 $0x1C0F  }
0x127: {  	[timem:s3], [sflag:s2] =	dma.local @!p0 [hbm:s0], s1  }
0x128: {  	s0 =	simm.s32 @!p0 $0xF  }
0x129: {  	_ =	swait.ge @!p0 [sflag:s0], s1  }
0x12a: {  	s1 =	ssub.s32 @!p0 $0x0, s1;
	[sflag:s0] =	ssyncset.done @!p0 $0x0  }
0x12b: {  	[sflag:s0] =	ssyncadd.s32 @!p0 s1  }
0x12c: {  	[bflag:$0x3] =	sbarrier.arrive $0xFFFF  }
0x12d: {  	_ =	shalt  }

</sc_bundles>
